<compile_context>
chip_gen: v7x
topology: tpu7x:2x2x1
jax: 0.10.2.dev20260603
libtpu: 0.0.44.dev20260713+nightly
codegen_flags: <defaults>
</compile_context>

<pallas_src>
import functools

import jax
import jax.numpy as jnp
from jax import lax
from jax.experimental import pallas as pl
from jax.experimental.pallas import tpu as pltpu
from jax.experimental.pallas import tpu_sc as plsc



def _make_sc_gather(B, D, NC, NS, WN, off):
    NW = NC * NS
    per_w = B // NW
    CH = 64
    n_ch = per_w // CH
    K8 = D // 16

    mesh = plsc.VectorSubcoreMesh(core_axis_name="c", subcore_axis_name="s")

    def buf_set():
        return (
            pltpu.VMEM((CH, D), jnp.float32),
            pltpu.VMEM((CH, D), jnp.float32),
            pltpu.VMEM((CH, D), jnp.float32),
            pltpu.VMEM((CH, D), jnp.float32),
            pltpu.VMEM((CH, 16), jnp.float32),
            pltpu.SemaphoreType.DMA,
            pltpu.SemaphoreType.DMA,
        )

    @functools.partial(
        pl.kernel,
        out_type=(
            jax.ShapeDtypeStruct((B, D), jnp.float32),
            jax.ShapeDtypeStruct((B, D), jnp.float32),
            jax.ShapeDtypeStruct((B, 16), jnp.float32),
        ),
        mesh=mesh,
        scratch_types=(
            pltpu.VMEM((WN,), jnp.float32),
            pltpu.VMEM((per_w,), jnp.int32),
            pltpu.VMEM((per_w,), jnp.int32),
            pltpu.SemaphoreType.DMA,
        ) + buf_set() + buf_set() + buf_set(),
    )
    def sc_gather(users_hbm, items_hbm, gu_t, gi_t, mu_t, mi_t, wn_hbm,
                  mlp_u_out, mlp_i_out, gmfp_out, wnv, uidx_all, iidx_all,
                  sem_i, *bufs):
        wid = lax.axis_index("s") * NC + lax.axis_index("c")
        cp_u = pltpu.async_copy(users_hbm.at[pl.ds(off + wid * per_w, per_w)],
                                uidx_all, sem_i)
        cp_i = pltpu.async_copy(items_hbm.at[pl.ds(off + wid * per_w, per_w)],
                                iidx_all, sem_i)
        cp_w = pltpu.async_copy(wn_hbm, wnv, sem_i)
        cp_u.wait()
        cp_i.wait()
        sets = (bufs[:7], bufs[7:14], bufs[14:])

        def issue(c):
            gu, gi, mu, mi, _, sem_g, _ = sets[c % 3]
            uidx = uidx_all.at[pl.ds(c * CH, CH)]
            iidx = iidx_all.at[pl.ds(c * CH, CH)]
            return (pltpu.async_copy(gu_t.at[uidx], gu, sem_g),
                    pltpu.async_copy(gi_t.at[iidx], gi, sem_g),
                    pltpu.async_copy(mu_t.at[uidx], mu, sem_g),
                    pltpu.async_copy(mi_t.at[iidx], mi, sem_g))

        pending = {c: issue(c) for c in range(min(3, n_ch))}
        cp_w.wait()
        outcps = {}

        for c in range(n_ch):
            gu, gi, mu, mi, gmfp, _, sem_o = sets[c % 3]
            base = wid * per_w + c * CH
            for cp in pending.pop(c):
                cp.wait()
            o1 = pltpu.async_copy(mu, mlp_u_out.at[pl.ds(base, CH)], sem_o)
            o2 = pltpu.async_copy(mi, mlp_i_out.at[pl.ds(base, CH)], sem_o)

            def row_body(i, carry):
                acc = gu[i, pl.ds(0, 16)] * gi[i, pl.ds(0, 16)] * wnv[pl.ds(0, 16)]
                for k in range(1, K8):
                    acc = acc + (gu[i, pl.ds(k * 16, 16)]
                                 * gi[i, pl.ds(k * 16, 16)]
                                 * wnv[pl.ds(k * 16, 16)])
                gmfp[i, :] = acc
                return carry

            lax.fori_loop(0, CH, row_body, 0)
            o3 = pltpu.async_copy(gmfp, gmfp_out.at[pl.ds(base, CH)], sem_o)
            outcps[c] = (o1, o2, o3)

            nxt = c + 3
            if nxt < n_ch:
                for cp in outcps.pop(c):
                    cp.wait()
                pending[nxt] = issue(nxt)

        for c in sorted(outcps):
            for cp in outcps[c]:
                cp.wait()

    return sc_gather



def _tc_mlp_body(mu_ref, mi_ref, gmfp_ref, w1u_ref, w1i_ref, b1_ref,
                 w2_ref, b2_ref, w3_ref, b3_ref, wnm_ref, bn_ref, out_ref):
    h = jnp.dot(mu_ref[...], w1u_ref[...], preferred_element_type=jnp.float32)
    h = h + jnp.dot(mi_ref[...], w1i_ref[...], preferred_element_type=jnp.float32)
    h = jax.nn.relu(h + b1_ref[...])
    h = jax.nn.relu(jnp.dot(h, w2_ref[...], preferred_element_type=jnp.float32)
                    + b2_ref[...])
    h = jax.nn.relu(jnp.dot(h, w3_ref[...], preferred_element_type=jnp.float32)
                    + b3_ref[...])
    logit = jnp.dot(h, wnm_ref[...], preferred_element_type=jnp.float32)
    logit = logit + jnp.sum(gmfp_ref[...], axis=1, keepdims=True) + bn_ref[...]
    out_ref[...] = 1.0 / (1.0 + jnp.exp(-logit))


def _make_tc_mlp(B, D, H1, H2, H3):
    BLK = 2048
    grid = (B // BLK,)
    assert B % BLK == 0
    full = lambda shape: pl.BlockSpec(shape, lambda i: (0, 0))
    return pl.pallas_call(
        _tc_mlp_body,
        grid=grid,
        in_specs=[
            pl.BlockSpec((BLK, D), lambda i: (i, 0)),
            pl.BlockSpec((BLK, D), lambda i: (i, 0)),
            pl.BlockSpec((BLK, 16), lambda i: (i, 0)),
            full((D, H1)),
            full((D, H1)),
            full((1, H1)),
            full((H1, H2)),
            full((1, H2)),
            full((H2, H3)),
            full((1, H3)),
            full((H3, 1)),
            full((1, 1)),
        ],
        out_specs=pl.BlockSpec((BLK, 1), lambda i: (i, 0)),
        out_shape=jax.ShapeDtypeStruct((B, 1), jnp.float32),
    )



def kernel(gmf_user_table, gmf_item_table, mlp_user_table, mlp_item_table,
           W1, b1, W2, b2, W3, b3, Wn, bn, users, items):
    B = users.shape[0]
    D = gmf_user_table.shape[1]
    H1, H2, H3 = W1.shape[1], W2.shape[1], W3.shape[1]

    info = plsc.get_sparse_core_info()
    NC, NS = info.num_cores, info.num_subcores

    users = users.astype(jnp.int32)
    items = items.astype(jnp.int32)
    wn_flat = Wn.reshape(-1)
    wn_m = Wn[D:, :]

    splits = [(0, B * 5 // 8), (B * 5 // 8, B * 3 // 8)]
    sc_outs = [_make_sc_gather(n, D, NC, NS, wn_flat.shape[0], off)(
                   users, items,
                   gmf_user_table, gmf_item_table,
                   mlp_user_table, mlp_item_table, wn_flat)
               for off, n in splits]
    preds = [_make_tc_mlp(n, D, H1, H2, H3)(
                 mu_g, mi_g, gmfp,
                 W1[:D], W1[D:], b1.reshape(1, H1),
                 W2, b2.reshape(1, H2),
                 W3, b3.reshape(1, H3),
                 wn_m, bn.reshape(1, 1))[:, 0]
             for (_, n), (mu_g, mi_g, gmfp) in zip(splits, sc_outs)]
    return jnp.concatenate(preds, axis=0)

# --- scband reference (transcript-rebuilt; emitter-appended) ---
"""Pipeline reference for scband-neu-mf-12910671692582 (READ-ONLY COPY).

The authoritative reference and input builder live on the scoring server;
editing this copy changes nothing except your own understanding.
"""

import jax, jax.numpy as jnp
import numpy as np

N_USERS = 100000
N_ITEMS = 100000
EMB_DIM = 128
BATCH = 16384


def _xavier(key, shape):
    fan_in, fan_out = shape[0], shape[1]
    limit = float(np.sqrt(6.0 / (fan_in + fan_out)))
    return jax.random.uniform(key, shape, dtype=jnp.float32, minval=-limit, maxval=limit)


def setup_inputs(seed: int = 0) -> dict:
    key = jax.random.key(seed)
    ks = jax.random.split(key, 12)
    users = jax.random.randint(ks[0], (BATCH,), 0, N_USERS, dtype=jnp.int64 if jax.config.jax_enable_x64 else jnp.int32)
    items = jax.random.randint(ks[1], (BATCH,), 0, N_ITEMS, dtype=jnp.int64 if jax.config.jax_enable_x64 else jnp.int32)
    gmf_user_table = _xavier(ks[2], (N_USERS, EMB_DIM))
    gmf_item_table = _xavier(ks[3], (N_ITEMS, EMB_DIM))
    mlp_user_table = _xavier(ks[4], (N_USERS, EMB_DIM))
    mlp_item_table = _xavier(ks[5], (N_ITEMS, EMB_DIM))
    W1 = _xavier(ks[6], (EMB_DIM * 2, 64))
    b1 = jnp.zeros((64,), dtype=jnp.float32)
    W2 = _xavier(ks[7], (64, 32))
    b2 = jnp.zeros((32,), dtype=jnp.float32)
    W3 = _xavier(ks[8], (32, 16))
    b3 = jnp.zeros((16,), dtype=jnp.float32)
    Wn = _xavier(ks[9], (EMB_DIM + 16, 1))
    bn = jnp.zeros((1,), dtype=jnp.float32)
    return {
        "gmf_user_table": gmf_user_table,
        "gmf_item_table": gmf_item_table,
        "mlp_user_table": mlp_user_table,
        "mlp_item_table": mlp_item_table,
        "W1": W1, "b1": b1,
        "W2": W2, "b2": b2,
        "W3": W3, "b3": b3,
        "Wn": Wn, "bn": bn,
        "users": users,
        "items": items,
    }


def reference(gmf_user_table, gmf_item_table, mlp_user_table, mlp_item_table,
              W1, b1, W2, b2, W3, b3, Wn, bn, users, items):
    gmf_user_emb = jnp.take(gmf_user_table, users, axis=0)
    gmf_item_emb = jnp.take(gmf_item_table, items, axis=0)
    mlp_user_emb = jnp.take(mlp_user_table, users, axis=0)
    mlp_item_emb = jnp.take(mlp_item_table, items, axis=0)
    gmf_vector = gmf_user_emb * gmf_item_emb
    mlp_vector = jnp.concatenate([mlp_user_emb, mlp_item_emb], axis=1)
    mlp_vector = jax.nn.relu(mlp_vector @ W1 + b1)
    mlp_vector = jax.nn.relu(mlp_vector @ W2 + b2)
    mlp_vector = jax.nn.relu(mlp_vector @ W3 + b3)
    neuMF_vector = jnp.concatenate([gmf_vector, mlp_vector], axis=1)
    pred = jax.nn.sigmoid(neuMF_vector @ Wn + bn)
    return jnp.squeeze(pred, axis=-1)

if __name__ == "__main__":
    import jax
    _d = setup_inputs()
    print(jax.jit(kernel)(*tuple(_d.values())))

</pallas_src>

<mosaic_0001>
#map = affine_map<(d0, d1) -> (0)>
#map1 = affine_map<(d0, d1) -> (0, 0)>
module attributes {stable_mosaic.version = 14 : i64} {
  func.func @sc_gather(%arg0: i32, %arg1: i32, %arg2: memref<16384xi32, #tpu.memory_space<hbm>>, %arg3: memref<16384xi32, #tpu.memory_space<hbm>>, %arg4: memref<100000x128xf32, #tpu.memory_space<hbm>>, %arg5: memref<100000x128xf32, #tpu.memory_space<hbm>>, %arg6: memref<100000x128xf32, #tpu.memory_space<hbm>>, %arg7: memref<100000x128xf32, #tpu.memory_space<hbm>>, %arg8: memref<144xf32, #tpu.memory_space<hbm>>, %arg9: memref<10240x128xf32, #tpu.memory_space<hbm>>, %arg10: memref<10240x128xf32, #tpu.memory_space<hbm>>, %arg11: memref<10240x16xf32, #tpu.memory_space<hbm>>, %arg12: memref<144xf32, #tpu.memory_space<vmem>>, %arg13: memref<320xi32, #tpu.memory_space<vmem>>, %arg14: memref<320xi32, #tpu.memory_space<vmem>>, %arg15: memref<!tpu.dma_semaphore, #tpu.memory_space<semaphore_mem>>, %arg16: memref<64x128xf32, #tpu.memory_space<vmem>>, %arg17: memref<64x128xf32, #tpu.memory_space<vmem>>, %arg18: memref<64x128xf32, #tpu.memory_space<vmem>>, %arg19: memref<64x128xf32, #tpu.memory_space<vmem>>, %arg20: memref<64x16xf32, #tpu.memory_space<vmem>>, %arg21: memref<!tpu.dma_semaphore, #tpu.memory_space<semaphore_mem>>, %arg22: memref<!tpu.dma_semaphore, #tpu.memory_space<semaphore_mem>>, %arg23: memref<64x128xf32, #tpu.memory_space<vmem>>, %arg24: memref<64x128xf32, #tpu.memory_space<vmem>>, %arg25: memref<64x128xf32, #tpu.memory_space<vmem>>, %arg26: memref<64x128xf32, #tpu.memory_space<vmem>>, %arg27: memref<64x16xf32, #tpu.memory_space<vmem>>, %arg28: memref<!tpu.dma_semaphore, #tpu.memory_space<semaphore_mem>>, %arg29: memref<!tpu.dma_semaphore, #tpu.memory_space<semaphore_mem>>, %arg30: memref<64x128xf32, #tpu.memory_space<vmem>>, %arg31: memref<64x128xf32, #tpu.memory_space<vmem>>, %arg32: memref<64x128xf32, #tpu.memory_space<vmem>>, %arg33: memref<64x128xf32, #tpu.memory_space<vmem>>, %arg34: memref<64x16xf32, #tpu.memory_space<vmem>>, %arg35: memref<!tpu.dma_semaphore, #tpu.memory_space<semaphore_mem>>, %arg36: memref<!tpu.dma_semaphore, #tpu.memory_space<semaphore_mem>>) attributes {dimension_semantics = [#tpu.dimension_semantics<core_parallel>, #tpu.dimension_semantics<subcore_parallel>], iteration_bounds = array<i64: 2, 16>, scalar_prefetch = 0 : i64, scratch_operands = 25 : i64, tpu.core_type = #tpu.core_type<sc_vector_subcore>, window_params = [{transform_indices = #map}, {transform_indices = #map}, {transform_indices = #map1}, {transform_indices = #map1}, {transform_indices = #map1}, {transform_indices = #map1}, {transform_indices = #map}, {transform_indices = #map1}, {transform_indices = #map1}, {transform_indices = #map1}]} {
    %mul3A = arith.constant 2 : i32
    %mul3A_0 = arith.muli %arg1, %mul3A : i32
    %add3A = arith.addi %mul3A_0, %arg0 : i32
    %mul3A_1 = arith.constant 320 : i32
    %mul3A_2 = arith.muli %add3A, %mul3A_1 : i32
    %add3A_3 = arith.constant 0 : i32
    %add3A_4 = arith.addi %add3A_3, %mul3A_2 : i32
    %dma_start3A = tpu.memref_slice %arg2[%add3A_4] : memref<16384xi32, #tpu.memory_space<hbm>> -> memref<320xi32, #tpu.memory_space<hbm>>
    %dma_start3A_5 = tpu.memref_slice %arg2[%add3A_4] : memref<16384xi32, #tpu.memory_space<hbm>> -> memref<320xi32, #tpu.memory_space<hbm>>
    tpu.enqueue_dma source(%dma_start3A_5 : memref<320xi32, #tpu.memory_space<hbm>>) target(%arg13 : memref<320xi32, #tpu.memory_space<vmem>>) target_semaphore(%arg15 : memref<!tpu.dma_semaphore, #tpu.memory_space<semaphore_mem>>)
    %mul3A_6 = arith.constant 320 : i32
    %mul3A_7 = arith.muli %add3A, %mul3A_6 : i32
    %add3A_8 = arith.constant 0 : i32
    %add3A_9 = arith.addi %add3A_8, %mul3A_7 : i32
    %dma_start3A_10 = tpu.memref_slice %arg3[%add3A_9] : memref<16384xi32, #tpu.memory_space<hbm>> -> memref<320xi32, #tpu.memory_space<hbm>>
    %dma_start3A_11 = tpu.memref_slice %arg3[%add3A_9] : memref<16384xi32, #tpu.memory_space<hbm>> -> memref<320xi32, #tpu.memory_space<hbm>>
    tpu.enqueue_dma source(%dma_start3A_11 : memref<320xi32, #tpu.memory_space<hbm>>) target(%arg14 : memref<320xi32, #tpu.memory_space<vmem>>) target_semaphore(%arg15 : memref<!tpu.dma_semaphore, #tpu.memory_space<semaphore_mem>>)
    tpu.enqueue_dma source(%arg8 : memref<144xf32, #tpu.memory_space<hbm>>) target(%arg12 : memref<144xf32, #tpu.memory_space<vmem>>) target_semaphore(%arg15 : memref<!tpu.dma_semaphore, #tpu.memory_space<semaphore_mem>>)
    %dma_wait3A = tpu.memref_slice %arg2[%add3A_4] : memref<16384xi32, #tpu.memory_space<hbm>> -> memref<320xi32, #tpu.memory_space<hbm>>
    %dma_wait3A_12 = tpu.memref_slice %arg2[%add3A_4] : memref<16384xi32, #tpu.memory_space<hbm>> -> memref<320xi32, #tpu.memory_space<hbm>>
    tpu.wait_dma2 semaphore(%arg15 : memref<!tpu.dma_semaphore, #tpu.memory_space<semaphore_mem>>) src(%dma_wait3A_12 : memref<320xi32, #tpu.memory_space<hbm>>) dst(%arg13 : memref<320xi32, #tpu.memory_space<vmem>>)
    %dma_wait3A_13 = tpu.memref_slice %arg3[%add3A_9] : memref<16384xi32, #tpu.memory_space<hbm>> -> memref<320xi32, #tpu.memory_space<hbm>>
    %dma_wait3A_14 = tpu.memref_slice %arg3[%add3A_9] : memref<16384xi32, #tpu.memory_space<hbm>> -> memref<320xi32, #tpu.memory_space<hbm>>
    tpu.wait_dma2 semaphore(%arg15 : memref<!tpu.dma_semaphore, #tpu.memory_space<semaphore_mem>>) src(%dma_wait3A_14 : memref<320xi32, #tpu.memory_space<hbm>>) dst(%arg14 : memref<320xi32, #tpu.memory_space<vmem>>)
    %dma_start3A_15 = arith.constant 0 : i32
    %dma_start3A_16 = tpu.memref_slice %arg13[%dma_start3A_15] : memref<320xi32, #tpu.memory_space<vmem>> -> memref<64xi32, #tpu.memory_space<vmem>>
    %dma_start3A_17 = arith.constant 0 : i32
    %dma_start3A_18 = arith.constant 0 : i32
    %dma_start3A_19 = tpu.memref_slice %arg4[%dma_start3A_17, %dma_start3A_18] : memref<100000x128xf32, #tpu.memory_space<hbm>> -> memref<100000x128xf32, #tpu.memory_space<hbm>>
    tpu.enqueue_indirect_dma source(%dma_start3A_19 : memref<100000x128xf32, #tpu.memory_space<hbm>>) target(%arg16 : memref<64x128xf32, #tpu.memory_space<vmem>>) offsets(%dma_start3A_16 : memref<64xi32, #tpu.memory_space<vmem>>) semaphore(%arg21 : memref<!tpu.dma_semaphore, #tpu.memory_space<semaphore_mem>>)
    %dma_start3A_20 = arith.constant 0 : i32
    %dma_start3A_21 = tpu.memref_slice %arg14[%dma_start3A_20] : memref<320xi32, #tpu.memory_space<vmem>> -> memref<64xi32, #tpu.memory_space<vmem>>
    %dma_start3A_22 = arith.constant 0 : i32
    %dma_start3A_23 = arith.constant 0 : i32
    %dma_start3A_24 = tpu.memref_slice %arg5[%dma_start3A_22, %dma_start3A_23] : memref<100000x128xf32, #tpu.memory_space<hbm>> -> memref<100000x128xf32, #tpu.memory_space<hbm>>
    tpu.enqueue_indirect_dma source(%dma_start3A_24 : memref<100000x128xf32, #tpu.memory_space<hbm>>) target(%arg17 : memref<64x128xf32, #tpu.memory_space<vmem>>) offsets(%dma_start3A_21 : memref<64xi32, #tpu.memory_space<vmem>>) semaphore(%arg21 : memref<!tpu.dma_semaphore, #tpu.memory_space<semaphore_mem>>)
    %dma_start3A_25 = arith.constant 0 : i32
    %dma_start3A_26 = tpu.memref_slice %arg13[%dma_start3A_25] : memref<320xi32, #tpu.memory_space<vmem>> -> memref<64xi32, #tpu.memory_space<vmem>>
    %dma_start3A_27 = arith.constant 0 : i32
    %dma_start3A_28 = arith.constant 0 : i32
    %dma_start3A_29 = tpu.memref_slice %arg6[%dma_start3A_27, %dma_start3A_28] : memref<100000x128xf32, #tpu.memory_space<hbm>> -> memref<100000x128xf32, #tpu.memory_space<hbm>>
    tpu.enqueue_indirect_dma source(%dma_start3A_29 : memref<100000x128xf32, #tpu.memory_space<hbm>>) target(%arg18 : memref<64x128xf32, #tpu.memory_space<vmem>>) offsets(%dma_start3A_26 : memref<64xi32, #tpu.memory_space<vmem>>) semaphore(%arg21 : memref<!tpu.dma_semaphore, #tpu.memory_space<semaphore_mem>>)
    %dma_start3A_30 = arith.constant 0 : i32
    %dma_start3A_31 = tpu.memref_slice %arg14[%dma_start3A_30] : memref<320xi32, #tpu.memory_space<vmem>> -> memref<64xi32, #tpu.memory_space<vmem>>
    %dma_start3A_32 = arith.constant 0 : i32
    %dma_start3A_33 = arith.constant 0 : i32
    %dma_start3A_34 = tpu.memref_slice %arg7[%dma_start3A_32, %dma_start3A_33] : memref<100000x128xf32, #tpu.memory_space<hbm>> -> memref<100000x128xf32, #tpu.memory_space<hbm>>
    tpu.enqueue_indirect_dma source(%dma_start3A_34 : memref<100000x128xf32, #tpu.memory_space<hbm>>) target(%arg19 : memref<64x128xf32, #tpu.memory_space<vmem>>) offsets(%dma_start3A_31 : memref<64xi32, #tpu.memory_space<vmem>>) semaphore(%arg21 : memref<!tpu.dma_semaphore, #tpu.memory_space<semaphore_mem>>)
    %dma_start3A_35 = arith.constant 64 : i32
    %dma_start3A_36 = tpu.memref_slice %arg13[%dma_start3A_35] : memref<320xi32, #tpu.memory_space<vmem>> -> memref<64xi32, #tpu.memory_space<vmem>>
    %dma_start3A_37 = arith.constant 0 : i32
    %dma_start3A_38 = arith.constant 0 : i32
    %dma_start3A_39 = tpu.memref_slice %arg4[%dma_start3A_37, %dma_start3A_38] : memref<100000x128xf32, #tpu.memory_space<hbm>> -> memref<100000x128xf32, #tpu.memory_space<hbm>>
    tpu.enqueue_indirect_dma source(%dma_start3A_39 : memref<100000x128xf32, #tpu.memory_space<hbm>>) target(%arg23 : memref<64x128xf32, #tpu.memory_space<vmem>>) offsets(%dma_start3A_36 : memref<64xi32, #tpu.memory_space<vmem>>) semaphore(%arg28 : memref<!tpu.dma_semaphore, #tpu.memory_space<semaphore_mem>>)
    %dma_start3A_40 = arith.constant 64 : i32
    %dma_start3A_41 = tpu.memref_slice %arg14[%dma_start3A_40] : memref<320xi32, #tpu.memory_space<vmem>> -> memref<64xi32, #tpu.memory_space<vmem>>
    %dma_start3A_42 = arith.constant 0 : i32
    %dma_start3A_43 = arith.constant 0 : i32
    %dma_start3A_44 = tpu.memref_slice %arg5[%dma_start3A_42, %dma_start3A_43] : memref<100000x128xf32, #tpu.memory_space<hbm>> -> memref<100000x128xf32, #tpu.memory_space<hbm>>
    tpu.enqueue_indirect_dma source(%dma_start3A_44 : memref<100000x128xf32, #tpu.memory_space<hbm>>) target(%arg24 : memref<64x128xf32, #tpu.memory_space<vmem>>) offsets(%dma_start3A_41 : memref<64xi32, #tpu.memory_space<vmem>>) semaphore(%arg28 : memref<!tpu.dma_semaphore, #tpu.memory_space<semaphore_mem>>)
    %dma_start3A_45 = arith.constant 64 : i32
    %dma_start3A_46 = tpu.memref_slice %arg13[%dma_start3A_45] : memref<320xi32, #tpu.memory_space<vmem>> -> memref<64xi32, #tpu.memory_space<vmem>>
    %dma_start3A_47 = arith.constant 0 : i32
    %dma_start3A_48 = arith.constant 0 : i32
    %dma_start3A_49 = tpu.memref_slice %arg6[%dma_start3A_47, %dma_start3A_48] : memref<100000x128xf32, #tpu.memory_space<hbm>> -> memref<100000x128xf32, #tpu.memory_space<hbm>>
    tpu.enqueue_indirect_dma source(%dma_start3A_49 : memref<100000x128xf32, #tpu.memory_space<hbm>>) target(%arg25 : memref<64x128xf32, #tpu.memory_space<vmem>>) offsets(%dma_start3A_46 : memref<64xi32, #tpu.memory_space<vmem>>) semaphore(%arg28 : memref<!tpu.dma_semaphore, #tpu.memory_space<semaphore_mem>>)
    %dma_start3A_50 = arith.constant 64 : i32
    %dma_start3A_51 = tpu.memref_slice %arg14[%dma_start3A_50] : memref<320xi32, #tpu.memory_space<vmem>> -> memref<64xi32, #tpu.memory_space<vmem>>
    %dma_start3A_52 = arith.constant 0 : i32
    %dma_start3A_53 = arith.constant 0 : i32
    %dma_start3A_54 = tpu.memref_slice %arg7[%dma_start3A_52, %dma_start3A_53] : memref<100000x128xf32, #tpu.memory_space<hbm>> -> memref<100000x128xf32, #tpu.memory_space<hbm>>
    tpu.enqueue_indirect_dma source(%dma_start3A_54 : memref<100000x128xf32, #tpu.memory_space<hbm>>) target(%arg26 : memref<64x128xf32, #tpu.memory_space<vmem>>) offsets(%dma_start3A_51 : memref<64xi32, #tpu.memory_space<vmem>>) semaphore(%arg28 : memref<!tpu.dma_semaphore, #tpu.memory_space<semaphore_mem>>)
    %dma_start3A_55 = arith.constant 128 : i32
    %dma_start3A_56 = tpu.memref_slice %arg13[%dma_start3A_55] : memref<320xi32, #tpu.memory_space<vmem>> -> memref<64xi32, #tpu.memory_space<vmem>>
    %dma_start3A_57 = arith.constant 0 : i32
    %dma_start3A_58 = arith.constant 0 : i32
    %dma_start3A_59 = tpu.memref_slice %arg4[%dma_start3A_57, %dma_start3A_58] : memref<100000x128xf32, #tpu.memory_space<hbm>> -> memref<100000x128xf32, #tpu.memory_space<hbm>>
    tpu.enqueue_indirect_dma source(%dma_start3A_59 : memref<100000x128xf32, #tpu.memory_space<hbm>>) target(%arg30 : memref<64x128xf32, #tpu.memory_space<vmem>>) offsets(%dma_start3A_56 : memref<64xi32, #tpu.memory_space<vmem>>) semaphore(%arg35 : memref<!tpu.dma_semaphore, #tpu.memory_space<semaphore_mem>>)
    %dma_start3A_60 = arith.constant 128 : i32
    %dma_start3A_61 = tpu.memref_slice %arg14[%dma_start3A_60] : memref<320xi32, #tpu.memory_space<vmem>> -> memref<64xi32, #tpu.memory_space<vmem>>
    %dma_start3A_62 = arith.constant 0 : i32
    %dma_start3A_63 = arith.constant 0 : i32
    %dma_start3A_64 = tpu.memref_slice %arg5[%dma_start3A_62, %dma_start3A_63] : memref<100000x128xf32, #tpu.memory_space<hbm>> -> memref<100000x128xf32, #tpu.memory_space<hbm>>
    tpu.enqueue_indirect_dma source(%dma_start3A_64 : memref<100000x128xf32, #tpu.memory_space<hbm>>) target(%arg31 : memref<64x128xf32, #tpu.memory_space<vmem>>) offsets(%dma_start3A_61 : memref<64xi32, #tpu.memory_space<vmem>>) semaphore(%arg35 : memref<!tpu.dma_semaphore, #tpu.memory_space<semaphore_mem>>)
    %dma_start3A_65 = arith.constant 128 : i32
    %dma_start3A_66 = tpu.memref_slice %arg13[%dma_start3A_65] : memref<320xi32, #tpu.memory_space<vmem>> -> memref<64xi32, #tpu.memory_space<vmem>>
    %dma_start3A_67 = arith.constant 0 : i32
    %dma_start3A_68 = arith.constant 0 : i32
    %dma_start3A_69 = tpu.memref_slice %arg6[%dma_start3A_67, %dma_start3A_68] : memref<100000x128xf32, #tpu.memory_space<hbm>> -> memref<100000x128xf32, #tpu.memory_space<hbm>>
    tpu.enqueue_indirect_dma source(%dma_start3A_69 : memref<100000x128xf32, #tpu.memory_space<hbm>>) target(%arg32 : memref<64x128xf32, #tpu.memory_space<vmem>>) offsets(%dma_start3A_66 : memref<64xi32, #tpu.memory_space<vmem>>) semaphore(%arg35 : memref<!tpu.dma_semaphore, #tpu.memory_space<semaphore_mem>>)
    %dma_start3A_70 = arith.constant 128 : i32
    %dma_start3A_71 = tpu.memref_slice %arg14[%dma_start3A_70] : memref<320xi32, #tpu.memory_space<vmem>> -> memref<64xi32, #tpu.memory_space<vmem>>
    %dma_start3A_72 = arith.constant 0 : i32
    %dma_start3A_73 = arith.constant 0 : i32
    %dma_start3A_74 = tpu.memref_slice %arg7[%dma_start3A_72, %dma_start3A_73] : memref<100000x128xf32, #tpu.memory_space<hbm>> -> memref<100000x128xf32, #tpu.memory_space<hbm>>
    tpu.enqueue_indirect_dma source(%dma_start3A_74 : memref<100000x128xf32, #tpu.memory_space<hbm>>) target(%arg33 : memref<64x128xf32, #tpu.memory_space<vmem>>) offsets(%dma_start3A_71 : memref<64xi32, #tpu.memory_space<vmem>>) semaphore(%arg35 : memref<!tpu.dma_semaphore, #tpu.memory_space<semaphore_mem>>)
    tpu.wait_dma2 semaphore(%arg15 : memref<!tpu.dma_semaphore, #tpu.memory_space<semaphore_mem>>) src(%arg8 : memref<144xf32, #tpu.memory_space<hbm>>) dst(%arg12 : memref<144xf32, #tpu.memory_space<vmem>>)
    %mul3A_75 = arith.constant 320 : i32
    %mul3A_76 = arith.muli %add3A, %mul3A_75 : i32
    %add3A_77 = arith.constant 0 : i32
    %add3A_78 = arith.addi %mul3A_76, %add3A_77 : i32
    %dma_wait3A_79 = arith.constant 0 : i32
    %dma_wait3A_80 = tpu.memref_slice %arg13[%dma_wait3A_79] : memref<320xi32, #tpu.memory_space<vmem>> -> memref<64xi32, #tpu.memory_space<vmem>>
    %dma_wait3A_81 = arith.constant 0 : i32
    %dma_wait3A_82 = arith.constant 0 : i32
    %dma_wait3A_83 = tpu.memref_slice %arg4[%dma_wait3A_81, %dma_wait3A_82] : memref<100000x128xf32, #tpu.memory_space<hbm>> -> memref<100000x128xf32, #tpu.memory_space<hbm>>
    tpu.wait_indirect_dma semaphore(%arg21 : memref<!tpu.dma_semaphore, #tpu.memory_space<semaphore_mem>>) src(%dma_wait3A_83 : memref<100000x128xf32, #tpu.memory_space<hbm>>) dst(%arg16 : memref<64x128xf32, #tpu.memory_space<vmem>>)
    %dma_wait3A_84 = arith.constant 0 : i32
    %dma_wait3A_85 = tpu.memref_slice %arg14[%dma_wait3A_84] : memref<320xi32, #tpu.memory_space<vmem>> -> memref<64xi32, #tpu.memory_space<vmem>>
    %dma_wait3A_86 = arith.constant 0 : i32
    %dma_wait3A_87 = arith.constant 0 : i32
    %dma_wait3A_88 = tpu.memref_slice %arg5[%dma_wait3A_86, %dma_wait3A_87] : memref<100000x128xf32, #tpu.memory_space<hbm>> -> memref<100000x128xf32, #tpu.memory_space<hbm>>
    tpu.wait_indirect_dma semaphore(%arg21 : memref<!tpu.dma_semaphore, #tpu.memory_space<semaphore_mem>>) src(%dma_wait3A_88 : memref<100000x128xf32, #tpu.memory_space<hbm>>) dst(%arg17 : memref<64x128xf32, #tpu.memory_space<vmem>>)
    %dma_wait3A_89 = arith.constant 0 : i32
    %dma_wait3A_90 = tpu.memref_slice %arg13[%dma_wait3A_89] : memref<320xi32, #tpu.memory_space<vmem>> -> memref<64xi32, #tpu.memory_space<vmem>>
    %dma_wait3A_91 = arith.constant 0 : i32
    %dma_wait3A_92 = arith.constant 0 : i32
    %dma_wait3A_93 = tpu.memref_slice %arg6[%dma_wait3A_91, %dma_wait3A_92] : memref<100000x128xf32, #tpu.memory_space<hbm>> -> memref<100000x128xf32, #tpu.memory_space<hbm>>
    tpu.wait_indirect_dma semaphore(%arg21 : memref<!tpu.dma_semaphore, #tpu.memory_space<semaphore_mem>>) src(%dma_wait3A_93 : memref<100000x128xf32, #tpu.memory_space<hbm>>) dst(%arg18 : memref<64x128xf32, #tpu.memory_space<vmem>>)
    %dma_wait3A_94 = arith.constant 0 : i32
    %dma_wait3A_95 = tpu.memref_slice %arg14[%dma_wait3A_94] : memref<320xi32, #tpu.memory_space<vmem>> -> memref<64xi32, #tpu.memory_space<vmem>>
    %dma_wait3A_96 = arith.constant 0 : i32
    %dma_wait3A_97 = arith.constant 0 : i32
    %dma_wait3A_98 = tpu.memref_slice %arg7[%dma_wait3A_96, %dma_wait3A_97] : memref<100000x128xf32, #tpu.memory_space<hbm>> -> memref<100000x128xf32, #tpu.memory_space<hbm>>
    tpu.wait_indirect_dma semaphore(%arg21 : memref<!tpu.dma_semaphore, #tpu.memory_space<semaphore_mem>>) src(%dma_wait3A_98 : memref<100000x128xf32, #tpu.memory_space<hbm>>) dst(%arg19 : memref<64x128xf32, #tpu.memory_space<vmem>>)
    %dma_start3A_99 = arith.constant 0 : i32
    %dma_start3A_100 = tpu.memref_slice %arg9[%add3A_78, %dma_start3A_99] : memref<10240x128xf32, #tpu.memory_space<hbm>> -> memref<64x128xf32, #tpu.memory_space<hbm>>
    %dma_start3A_101 = arith.constant 0 : i32
    %dma_start3A_102 = tpu.memref_slice %arg9[%add3A_78, %dma_start3A_101] : memref<10240x128xf32, #tpu.memory_space<hbm>> -> memref<64x128xf32, #tpu.memory_space<hbm>>
    tpu.enqueue_dma source(%arg18 : memref<64x128xf32, #tpu.memory_space<vmem>>) target(%dma_start3A_102 : memref<64x128xf32, #tpu.memory_space<hbm>>) target_semaphore(%arg22 : memref<!tpu.dma_semaphore, #tpu.memory_space<semaphore_mem>>)
    %dma_start3A_103 = arith.constant 0 : i32
    %dma_start3A_104 = tpu.memref_slice %arg10[%add3A_78, %dma_start3A_103] : memref<10240x128xf32, #tpu.memory_space<hbm>> -> memref<64x128xf32, #tpu.memory_space<hbm>>
    %dma_start3A_105 = arith.constant 0 : i32
    %dma_start3A_106 = tpu.memref_slice %arg10[%add3A_78, %dma_start3A_105] : memref<10240x128xf32, #tpu.memory_space<hbm>> -> memref<64x128xf32, #tpu.memory_space<hbm>>
    tpu.enqueue_dma source(%arg19 : memref<64x128xf32, #tpu.memory_space<vmem>>) target(%dma_start3A_106 : memref<64x128xf32, #tpu.memory_space<hbm>>) target_semaphore(%arg22 : memref<!tpu.dma_semaphore, #tpu.memory_space<semaphore_mem>>)
    %scan3A = arith.constant 0 : i32
    %scan3A_107 = arith.constant 0 : i32
    %scan3A_108 = arith.constant 64 : i32
    %scan3A_109 = arith.addi %scan3A_107, %scan3A_108 : i32
    %scan3A_110 = arith.constant 1 : i32
    scf.for %scan3A_384 = %scan3A_107 to %scan3A_109 step %scan3A_110  : i32 {
      %get3A = arith.index_cast %scan3A_384 : i32 to index
      %get3A_385 = arith.constant 0 : index
      %get3A_386 = tpu.vector_load %arg16[%get3A, %get3A_385] {strides = array<i32>} : memref<64x128xf32, #tpu.memory_space<vmem>>, vector<1x16xf32>,
      %get3A_387 = vector.shape_cast %get3A_386 : vector<1x16xf32> to vector<16xf32>
      %get3A_388 = arith.index_cast %scan3A_384 : i32 to index
      %get3A_389 = arith.constant 0 : index
      %get3A_390 = tpu.vector_load %arg17[%get3A_388, %get3A_389] {strides = array<i32>} : memref<64x128xf32, #tpu.memory_space<vmem>>, vector<1x16xf32>,
      %get3A_391 = vector.shape_cast %get3A_390 : vector<1x16xf32> to vector<16xf32>
      %mul3A_392 = arith.mulf %get3A_387, %get3A_391 : vector<16xf32>
      %get3A_393 = arith.constant 0 : index
      %get3A_394 = tpu.vector_load %arg12[%get3A_393] {strides = array<i32>} : memref<144xf32, #tpu.memory_space<vmem>>, vector<16xf32>,
      %get3A_395 = vector.shape_cast %get3A_394 : vector<16xf32> to vector<16xf32>
      %mul3A_396 = arith.mulf %mul3A_392, %get3A_395 : vector<16xf32>
      %get3A_397 = arith.index_cast %scan3A_384 : i32 to index
      %get3A_398 = arith.constant 16 : index
      %get3A_399 = tpu.vector_load %arg16[%get3A_397, %get3A_398] {strides = array<i32>} : memref<64x128xf32, #tpu.memory_space<vmem>>, vector<1x16xf32>,
      %get3A_400 = vector.shape_cast %get3A_399 : vector<1x16xf32> to vector<16xf32>
      %get3A_401 = arith.index_cast %scan3A_384 : i32 to index
      %get3A_402 = arith.constant 16 : index
      %get3A_403 = tpu.vector_load %arg17[%get3A_401, %get3A_402] {strides = array<i32>} : memref<64x128xf32, #tpu.memory_space<vmem>>, vector<1x16xf32>,
      %get3A_404 = vector.shape_cast %get3A_403 : vector<1x16xf32> to vector<16xf32>
      %mul3A_405 = arith.mulf %get3A_400, %get3A_404 : vector<16xf32>
      %get3A_406 = arith.constant 16 : index
      %get3A_407 = tpu.vector_load %arg12[%get3A_406] {strides = array<i32>} : memref<144xf32, #tpu.memory_space<vmem>>, vector<16xf32>,
      %get3A_408 = vector.shape_cast %get3A_407 : vector<16xf32> to vector<16xf32>
      %mul3A_409 = arith.mulf %mul3A_405, %get3A_408 : vector<16xf32>
      %add3A_410 = arith.addf %mul3A_396, %mul3A_409 : vector<16xf32>
      %get3A_411 = arith.index_cast %scan3A_384 : i32 to index
      %get3A_412 = arith.constant 32 : index
      %get3A_413 = tpu.vector_load %arg16[%get3A_411, %get3A_412] {strides = array<i32>} : memref<64x128xf32, #tpu.memory_space<vmem>>, vector<1x16xf32>,
      %get3A_414 = vector.shape_cast %get3A_413 : vector<1x16xf32> to vector<16xf32>
      %get3A_415 = arith.index_cast %scan3A_384 : i32 to index
      %get3A_416 = arith.constant 32 : index
      %get3A_417 = tpu.vector_load %arg17[%get3A_415, %get3A_416] {strides = array<i32>} : memref<64x128xf32, #tpu.memory_space<vmem>>, vector<1x16xf32>,
      %get3A_418 = vector.shape_cast %get3A_417 : vector<1x16xf32> to vector<16xf32>
      %mul3A_419 = arith.mulf %get3A_414, %get3A_418 : vector<16xf32>
      %get3A_420 = arith.constant 32 : index
      %get3A_421 = tpu.vector_load %arg12[%get3A_420] {strides = array<i32>} : memref<144xf32, #tpu.memory_space<vmem>>, vector<16xf32>,
      %get3A_422 = vector.shape_cast %get3A_421 : vector<16xf32> to vector<16xf32>
      %mul3A_423 = arith.mulf %mul3A_419, %get3A_422 : vector<16xf32>
      %add3A_424 = arith.addf %add3A_410, %mul3A_423 : vector<16xf32>
      %get3A_425 = arith.index_cast %scan3A_384 : i32 to index
      %get3A_426 = arith.constant 48 : index
      %get3A_427 = tpu.vector_load %arg16[%get3A_425, %get3A_426] {strides = array<i32>} : memref<64x128xf32, #tpu.memory_space<vmem>>, vector<1x16xf32>,
      %get3A_428 = vector.shape_cast %get3A_427 : vector<1x16xf32> to vector<16xf32>
      %get3A_429 = arith.index_cast %scan3A_384 : i32 to index
      %get3A_430 = arith.constant 48 : index
      %get3A_431 = tpu.vector_load %arg17[%get3A_429, %get3A_430] {strides = array<i32>} : memref<64x128xf32, #tpu.memory_space<vmem>>, vector<1x16xf32>,
      %get3A_432 = vector.shape_cast %get3A_431 : vector<1x16xf32> to vector<16xf32>
      %mul3A_433 = arith.mulf %get3A_428, %get3A_432 : vector<16xf32>
      %get3A_434 = arith.constant 48 : index
      %get3A_435 = tpu.vector_load %arg12[%get3A_434] {strides = array<i32>} : memref<144xf32, #tpu.memory_space<vmem>>, vector<16xf32>,
      %get3A_436 = vector.shape_cast %get3A_435 : vector<16xf32> to vector<16xf32>
      %mul3A_437 = arith.mulf %mul3A_433, %get3A_436 : vector<16xf32>
      %add3A_438 = arith.addf %add3A_424, %mul3A_437 : vector<16xf32>
      %get3A_439 = arith.index_cast %scan3A_384 : i32 to index
      %get3A_440 = arith.constant 64 : index
      %get3A_441 = tpu.vector_load %arg16[%get3A_439, %get3A_440] {strides = array<i32>} : memref<64x128xf32, #tpu.memory_space<vmem>>, vector<1x16xf32>,
      %get3A_442 = vector.shape_cast %get3A_441 : vector<1x16xf32> to vector<16xf32>
      %get3A_443 = arith.index_cast %scan3A_384 : i32 to index
      %get3A_444 = arith.constant 64 : index
      %get3A_445 = tpu.vector_load %arg17[%get3A_443, %get3A_444] {strides = array<i32>} : memref<64x128xf32, #tpu.memory_space<vmem>>, vector<1x16xf32>,
      %get3A_446 = vector.shape_cast %get3A_445 : vector<1x16xf32> to vector<16xf32>
      %mul3A_447 = arith.mulf %get3A_442, %get3A_446 : vector<16xf32>
      %get3A_448 = arith.constant 64 : index
      %get3A_449 = tpu.vector_load %arg12[%get3A_448] {strides = array<i32>} : memref<144xf32, #tpu.memory_space<vmem>>, vector<16xf32>,
      %get3A_450 = vector.shape_cast %get3A_449 : vector<16xf32> to vector<16xf32>
      %mul3A_451 = arith.mulf %mul3A_447, %get3A_450 : vector<16xf32>
      %add3A_452 = arith.addf %add3A_438, %mul3A_451 : vector<16xf32>
      %get3A_453 = arith.index_cast %scan3A_384 : i32 to index
      %get3A_454 = arith.constant 80 : index
      %get3A_455 = tpu.vector_load %arg16[%get3A_453, %get3A_454] {strides = array<i32>} : memref<64x128xf32, #tpu.memory_space<vmem>>, vector<1x16xf32>,
      %get3A_456 = vector.shape_cast %get3A_455 : vector<1x16xf32> to vector<16xf32>
      %get3A_457 = arith.index_cast %scan3A_384 : i32 to index
      %get3A_458 = arith.constant 80 : index
      %get3A_459 = tpu.vector_load %arg17[%get3A_457, %get3A_458] {strides = array<i32>} : memref<64x128xf32, #tpu.memory_space<vmem>>, vector<1x16xf32>,
      %get3A_460 = vector.shape_cast %get3A_459 : vector<1x16xf32> to vector<16xf32>
      %mul3A_461 = arith.mulf %get3A_456, %get3A_460 : vector<16xf32>
      %get3A_462 = arith.constant 80 : index
      %get3A_463 = tpu.vector_load %arg12[%get3A_462] {strides = array<i32>} : memref<144xf32, #tpu.memory_space<vmem>>, vector<16xf32>,
      %get3A_464 = vector.shape_cast %get3A_463 : vector<16xf32> to vector<16xf32>
      %mul3A_465 = arith.mulf %mul3A_461, %get3A_464 : vector<16xf32>
      %add3A_466 = arith.addf %add3A_452, %mul3A_465 : vector<16xf32>
      %get3A_467 = arith.index_cast %scan3A_384 : i32 to index
      %get3A_468 = arith.constant 96 : index
      %get3A_469 = tpu.vector_load %arg16[%get3A_467, %get3A_468] {strides = array<i32>} : memref<64x128xf32, #tpu.memory_space<vmem>>, vector<1x16xf32>,
      %get3A_470 = vector.shape_cast %get3A_469 : vector<1x16xf32> to vector<16xf32>
      %get3A_471 = arith.index_cast %scan3A_384 : i32 to index
      %get3A_472 = arith.constant 96 : index
      %get3A_473 = tpu.vector_load %arg17[%get3A_471, %get3A_472] {strides = array<i32>} : memref<64x128xf32, #tpu.memory_space<vmem>>, vector<1x16xf32>,
      %get3A_474 = vector.shape_cast %get3A_473 : vector<1x16xf32> to vector<16xf32>
      %mul3A_475 = arith.mulf %get3A_470, %get3A_474 : vector<16xf32>
      %get3A_476 = arith.constant 96 : index
      %get3A_477 = tpu.vector_load %arg12[%get3A_476] {strides = array<i32>} : memref<144xf32, #tpu.memory_space<vmem>>, vector<16xf32>,
      %get3A_478 = vector.shape_cast %get3A_477 : vector<16xf32> to vector<16xf32>
      %mul3A_479 = arith.mulf %mul3A_475, %get3A_478 : vector<16xf32>
      %add3A_480 = arith.addf %add3A_466, %mul3A_479 : vector<16xf32>
      %get3A_481 = arith.index_cast %scan3A_384 : i32 to index
      %get3A_482 = arith.constant 112 : index
      %get3A_483 = tpu.vector_load %arg16[%get3A_481, %get3A_482] {strides = array<i32>} : memref<64x128xf32, #tpu.memory_space<vmem>>, vector<1x16xf32>,
      %get3A_484 = vector.shape_cast %get3A_483 : vector<1x16xf32> to vector<16xf32>
      %get3A_485 = arith.index_cast %scan3A_384 : i32 to index
      %get3A_486 = arith.constant 112 : index
      %get3A_487 = tpu.vector_load %arg17[%get3A_485, %get3A_486] {strides = array<i32>} : memref<64x128xf32, #tpu.memory_space<vmem>>, vector<1x16xf32>,
      %get3A_488 = vector.shape_cast %get3A_487 : vector<1x16xf32> to vector<16xf32>
      %mul3A_489 = arith.mulf %get3A_484, %get3A_488 : vector<16xf32>
      %get3A_490 = arith.constant 112 : index
      %get3A_491 = tpu.vector_load %arg12[%get3A_490] {strides = array<i32>} : memref<144xf32, #tpu.memory_space<vmem>>, vector<16xf32>,
      %get3A_492 = vector.shape_cast %get3A_491 : vector<16xf32> to vector<16xf32>
      %mul3A_493 = arith.mulf %mul3A_489, %get3A_492 : vector<16xf32>
      %add3A_494 = arith.addf %add3A_480, %mul3A_493 : vector<16xf32>
      %swap3A = arith.index_cast %scan3A_384 : i32 to index
      %swap3A_495 = arith.constant 0 : index
      %swap3A_496 = tpu.vector_load %arg20[%swap3A, %swap3A_495] {strides = array<i32>} : memref<64x16xf32, #tpu.memory_space<vmem>>, vector<1x16xf32>,
      %swap3A_497 = vector.shape_cast %swap3A_496 : vector<1x16xf32> to vector<16xf32>
      %swap3A_498 = vector.shape_cast %add3A_494 : vector<16xf32> to vector<1x16xf32>
      tpu.vector_store %arg20[%swap3A, %swap3A_495], %swap3A_498 {strides = array<i32>} : memref<64x16xf32, #tpu.memory_space<vmem>>, vector<1x16xf32>,
    }
    %scan3A_111 = arith.constant 64 : i32
    %dma_start3A_112 = arith.constant 0 : i32
    %dma_start3A_113 = tpu.memref_slice %arg11[%add3A_78, %dma_start3A_112] : memref<10240x16xf32, #tpu.memory_space<hbm>> -> memref<64x16xf32, #tpu.memory_space<hbm>>
    %dma_start3A_114 = arith.constant 0 : i32
    %dma_start3A_115 = tpu.memref_slice %arg11[%add3A_78, %dma_start3A_114] : memref<10240x16xf32, #tpu.memory_space<hbm>> -> memref<64x16xf32, #tpu.memory_space<hbm>>
    tpu.enqueue_dma source(%arg20 : memref<64x16xf32, #tpu.memory_space<vmem>>) target(%dma_start3A_115 : memref<64x16xf32, #tpu.memory_space<hbm>>) target_semaphore(%arg22 : memref<!tpu.dma_semaphore, #tpu.memory_space<semaphore_mem>>)
    %dma_wait3A_116 = arith.constant 0 : i32
    %dma_wait3A_117 = tpu.memref_slice %arg9[%add3A_78, %dma_wait3A_116] : memref<10240x128xf32, #tpu.memory_space<hbm>> -> memref<64x128xf32, #tpu.memory_space<hbm>>
    %dma_wait3A_118 = arith.constant 0 : i32
    %dma_wait3A_119 = tpu.memref_slice %arg9[%add3A_78, %dma_wait3A_118] : memref<10240x128xf32, #tpu.memory_space<hbm>> -> memref<64x128xf32, #tpu.memory_space<hbm>>
    tpu.wait_dma2 semaphore(%arg22 : memref<!tpu.dma_semaphore, #tpu.memory_space<semaphore_mem>>) src(%arg18 : memref<64x128xf32, #tpu.memory_space<vmem>>) dst(%dma_wait3A_119 : memref<64x128xf32, #tpu.memory_space<hbm>>)
    %dma_wait3A_120 = arith.constant 0 : i32
    %dma_wait3A_121 = tpu.memref_slice %arg10[%add3A_78, %dma_wait3A_120] : memref<10240x128xf32, #tpu.memory_space<hbm>> -> memref<64x128xf32, #tpu.memory_space<hbm>>
    %dma_wait3A_122 = arith.constant 0 : i32
    %dma_wait3A_123 = tpu.memref_slice %arg10[%add3A_78, %dma_wait3A_122] : memref<10240x128xf32, #tpu.memory_space<hbm>> -> memref<64x128xf32, #tpu.memory_space<hbm>>
    tpu.wait_dma2 semaphore(%arg22 : memref<!tpu.dma_semaphore, #tpu.memory_space<semaphore_mem>>) src(%arg19 : memref<64x128xf32, #tpu.memory_space<vmem>>) dst(%dma_wait3A_123 : memref<64x128xf32, #tpu.memory_space<hbm>>)
    %dma_wait3A_124 = arith.constant 0 : i32
    %dma_wait3A_125 = tpu.memref_slice %arg11[%add3A_78, %dma_wait3A_124] : memref<10240x16xf32, #tpu.memory_space<hbm>> -> memref<64x16xf32, #tpu.memory_space<hbm>>
    %dma_wait3A_126 = arith.constant 0 : i32
    %dma_wait3A_127 = tpu.memref_slice %arg11[%add3A_78, %dma_wait3A_126] : memref<10240x16xf32, #tpu.memory_space<hbm>> -> memref<64x16xf32, #tpu.memory_space<hbm>>
    tpu.wait_dma2 semaphore(%arg22 : memref<!tpu.dma_semaphore, #tpu.memory_space<semaphore_mem>>) src(%arg20 : memref<64x16xf32, #tpu.memory_space<vmem>>) dst(%dma_wait3A_127 : memref<64x16xf32, #tpu.memory_space<hbm>>)
    %dma_start3A_128 = arith.constant 192 : i32
    %dma_start3A_129 = tpu.memref_slice %arg13[%dma_start3A_128] : memref<320xi32, #tpu.memory_space<vmem>> -> memref<64xi32, #tpu.memory_space<vmem>>
    %dma_start3A_130 = arith.constant 0 : i32
    %dma_start3A_131 = arith.constant 0 : i32
    %dma_start3A_132 = tpu.memref_slice %arg4[%dma_start3A_130, %dma_start3A_131] : memref<100000x128xf32, #tpu.memory_space<hbm>> -> memref<100000x128xf32, #tpu.memory_space<hbm>>
    tpu.enqueue_indirect_dma source(%dma_start3A_132 : memref<100000x128xf32, #tpu.memory_space<hbm>>) target(%arg16 : memref<64x128xf32, #tpu.memory_space<vmem>>) offsets(%dma_start3A_129 : memref<64xi32, #tpu.memory_space<vmem>>) semaphore(%arg21 : memref<!tpu.dma_semaphore, #tpu.memory_space<semaphore_mem>>)
    %dma_start3A_133 = arith.constant 192 : i32
    %dma_start3A_134 = tpu.memref_slice %arg14[%dma_start3A_133] : memref<320xi32, #tpu.memory_space<vmem>> -> memref<64xi32, #tpu.memory_space<vmem>>
    %dma_start3A_135 = arith.constant 0 : i32
    %dma_start3A_136 = arith.constant 0 : i32
    %dma_start3A_137 = tpu.memref_slice %arg5[%dma_start3A_135, %dma_start3A_136] : memref<100000x128xf32, #tpu.memory_space<hbm>> -> memref<100000x128xf32, #tpu.memory_space<hbm>>
    tpu.enqueue_indirect_dma source(%dma_start3A_137 : memref<100000x128xf32, #tpu.memory_space<hbm>>) target(%arg17 : memref<64x128xf32, #tpu.memory_space<vmem>>) offsets(%dma_start3A_134 : memref<64xi32, #tpu.memory_space<vmem>>) semaphore(%arg21 : memref<!tpu.dma_semaphore, #tpu.memory_space<semaphore_mem>>)
    %dma_start3A_138 = arith.constant 192 : i32
    %dma_start3A_139 = tpu.memref_slice %arg13[%dma_start3A_138] : memref<320xi32, #tpu.memory_space<vmem>> -> memref<64xi32, #tpu.memory_space<vmem>>
    %dma_start3A_140 = arith.constant 0 : i32
    %dma_start3A_141 = arith.constant 0 : i32
    %dma_start3A_142 = tpu.memref_slice %arg6[%dma_start3A_140, %dma_start3A_141] : memref<100000x128xf32, #tpu.memory_space<hbm>> -> memref<100000x128xf32, #tpu.memory_space<hbm>>
    tpu.enqueue_indirect_dma source(%dma_start3A_142 : memref<100000x128xf32, #tpu.memory_space<hbm>>) target(%arg18 : memref<64x128xf32, #tpu.memory_space<vmem>>) offsets(%dma_start3A_139 : memref<64xi32, #tpu.memory_space<vmem>>) semaphore(%arg21 : memref<!tpu.dma_semaphore, #tpu.memory_space<semaphore_mem>>)
    %dma_start3A_143 = arith.constant 192 : i32
    %dma_start3A_144 = tpu.memref_slice %arg14[%dma_start3A_143] : memref<320xi32, #tpu.memory_space<vmem>> -> memref<64xi32, #tpu.memory_space<vmem>>
    %dma_start3A_145 = arith.constant 0 : i32
    %dma_start3A_146 = arith.constant 0 : i32
    %dma_start3A_147 = tpu.memref_slice %arg7[%dma_start3A_145, %dma_start3A_146] : memref<100000x128xf32, #tpu.memory_space<hbm>> -> memref<100000x128xf32, #tpu.memory_space<hbm>>
    tpu.enqueue_indirect_dma source(%dma_start3A_147 : memref<100000x128xf32, #tpu.memory_space<hbm>>) target(%arg19 : memref<64x128xf32, #tpu.memory_space<vmem>>) offsets(%dma_start3A_144 : memref<64xi32, #tpu.memory_space<vmem>>) semaphore(%arg21 : memref<!tpu.dma_semaphore, #tpu.memory_space<semaphore_mem>>)
    %mul3A_148 = arith.constant 320 : i32
    %mul3A_149 = arith.muli %add3A, %mul3A_148 : i32
    %add3A_150 = arith.constant 64 : i32
    %add3A_151 = arith.addi %mul3A_149, %add3A_150 : i32
    %dma_wait3A_152 = arith.constant 64 : i32
    %dma_wait3A_153 = tpu.memref_slice %arg13[%dma_wait3A_152] : memref<320xi32, #tpu.memory_space<vmem>> -> memref<64xi32, #tpu.memory_space<vmem>>
    %dma_wait3A_154 = arith.constant 0 : i32
    %dma_wait3A_155 = arith.constant 0 : i32
    %dma_wait3A_156 = tpu.memref_slice %arg4[%dma_wait3A_154, %dma_wait3A_155] : memref<100000x128xf32, #tpu.memory_space<hbm>> -> memref<100000x128xf32, #tpu.memory_space<hbm>>
    tpu.wait_indirect_dma semaphore(%arg28 : memref<!tpu.dma_semaphore, #tpu.memory_space<semaphore_mem>>) src(%dma_wait3A_156 : memref<100000x128xf32, #tpu.memory_space<hbm>>) dst(%arg23 : memref<64x128xf32, #tpu.memory_space<vmem>>)
    %dma_wait3A_157 = arith.constant 64 : i32
    %dma_wait3A_158 = tpu.memref_slice %arg14[%dma_wait3A_157] : memref<320xi32, #tpu.memory_space<vmem>> -> memref<64xi32, #tpu.memory_space<vmem>>
    %dma_wait3A_159 = arith.constant 0 : i32
    %dma_wait3A_160 = arith.constant 0 : i32
    %dma_wait3A_161 = tpu.memref_slice %arg5[%dma_wait3A_159, %dma_wait3A_160] : memref<100000x128xf32, #tpu.memory_space<hbm>> -> memref<100000x128xf32, #tpu.memory_space<hbm>>
    tpu.wait_indirect_dma semaphore(%arg28 : memref<!tpu.dma_semaphore, #tpu.memory_space<semaphore_mem>>) src(%dma_wait3A_161 : memref<100000x128xf32, #tpu.memory_space<hbm>>) dst(%arg24 : memref<64x128xf32, #tpu.memory_space<vmem>>)
    %dma_wait3A_162 = arith.constant 64 : i32
    %dma_wait3A_163 = tpu.memref_slice %arg13[%dma_wait3A_162] : memref<320xi32, #tpu.memory_space<vmem>> -> memref<64xi32, #tpu.memory_space<vmem>>
    %dma_wait3A_164 = arith.constant 0 : i32
    %dma_wait3A_165 = arith.constant 0 : i32
    %dma_wait3A_166 = tpu.memref_slice %arg6[%dma_wait3A_164, %dma_wait3A_165] : memref<100000x128xf32, #tpu.memory_space<hbm>> -> memref<100000x128xf32, #tpu.memory_space<hbm>>
    tpu.wait_indirect_dma semaphore(%arg28 : memref<!tpu.dma_semaphore, #tpu.memory_space<semaphore_mem>>) src(%dma_wait3A_166 : memref<100000x128xf32, #tpu.memory_space<hbm>>) dst(%arg25 : memref<64x128xf32, #tpu.memory_space<vmem>>)
    %dma_wait3A_167 = arith.constant 64 : i32
    %dma_wait3A_168 = tpu.memref_slice %arg14[%dma_wait3A_167] : memref<320xi32, #tpu.memory_space<vmem>> -> memref<64xi32, #tpu.memory_space<vmem>>
    %dma_wait3A_169 = arith.constant 0 : i32
    %dma_wait3A_170 = arith.constant 0 : i32
    %dma_wait3A_171 = tpu.memref_slice %arg7[%dma_wait3A_169, %dma_wait3A_170] : memref<100000x128xf32, #tpu.memory_space<hbm>> -> memref<100000x128xf32, #tpu.memory_space<hbm>>
    tpu.wait_indirect_dma semaphore(%arg28 : memref<!tpu.dma_semaphore, #tpu.memory_space<semaphore_mem>>) src(%dma_wait3A_171 : memref<100000x128xf32, #tpu.memory_space<hbm>>) dst(%arg26 : memref<64x128xf32, #tpu.memory_space<vmem>>)
    %dma_start3A_172 = arith.constant 0 : i32
    %dma_start3A_173 = tpu.memref_slice %arg9[%add3A_151, %dma_start3A_172] : memref<10240x128xf32, #tpu.memory_space<hbm>> -> memref<64x128xf32, #tpu.memory_space<hbm>>
    %dma_start3A_174 = arith.constant 0 : i32
    %dma_start3A_175 = tpu.memref_slice %arg9[%add3A_151, %dma_start3A_174] : memref<10240x128xf32, #tpu.memory_space<hbm>> -> memref<64x128xf32, #tpu.memory_space<hbm>>
    tpu.enqueue_dma source(%arg25 : memref<64x128xf32, #tpu.memory_space<vmem>>) target(%dma_start3A_175 : memref<64x128xf32, #tpu.memory_space<hbm>>) target_semaphore(%arg29 : memref<!tpu.dma_semaphore, #tpu.memory_space<semaphore_mem>>)
    %dma_start3A_176 = arith.constant 0 : i32
    %dma_start3A_177 = tpu.memref_slice %arg10[%add3A_151, %dma_start3A_176] : memref<10240x128xf32, #tpu.memory_space<hbm>> -> memref<64x128xf32, #tpu.memory_space<hbm>>
    %dma_start3A_178 = arith.constant 0 : i32
    %dma_start3A_179 = tpu.memref_slice %arg10[%add3A_151, %dma_start3A_178] : memref<10240x128xf32, #tpu.memory_space<hbm>> -> memref<64x128xf32, #tpu.memory_space<hbm>>
    tpu.enqueue_dma source(%arg26 : memref<64x128xf32, #tpu.memory_space<vmem>>) target(%dma_start3A_179 : memref<64x128xf32, #tpu.memory_space<hbm>>) target_semaphore(%arg29 : memref<!tpu.dma_semaphore, #tpu.memory_space<semaphore_mem>>)
    %scan3A_180 = arith.constant 0 : i32
    %scan3A_181 = arith.constant 0 : i32
    %scan3A_182 = arith.constant 64 : i32
    %scan3A_183 = arith.addi %scan3A_181, %scan3A_182 : i32
    %scan3A_184 = arith.constant 1 : i32
    scf.for %scan3A_384 = %scan3A_181 to %scan3A_183 step %scan3A_184  : i32 {
      %get3A = arith.index_cast %scan3A_384 : i32 to index
      %get3A_385 = arith.constant 0 : index
      %get3A_386 = tpu.vector_load %arg23[%get3A, %get3A_385] {strides = array<i32>} : memref<64x128xf32, #tpu.memory_space<vmem>>, vector<1x16xf32>,
      %get3A_387 = vector.shape_cast %get3A_386 : vector<1x16xf32> to vector<16xf32>
      %get3A_388 = arith.index_cast %scan3A_384 : i32 to index
      %get3A_389 = arith.constant 0 : index
      %get3A_390 = tpu.vector_load %arg24[%get3A_388, %get3A_389] {strides = array<i32>} : memref<64x128xf32, #tpu.memory_space<vmem>>, vector<1x16xf32>,
      %get3A_391 = vector.shape_cast %get3A_390 : vector<1x16xf32> to vector<16xf32>
      %mul3A_392 = arith.mulf %get3A_387, %get3A_391 : vector<16xf32>
      %get3A_393 = arith.constant 0 : index
      %get3A_394 = tpu.vector_load %arg12[%get3A_393] {strides = array<i32>} : memref<144xf32, #tpu.memory_space<vmem>>, vector<16xf32>,
      %get3A_395 = vector.shape_cast %get3A_394 : vector<16xf32> to vector<16xf32>
      %mul3A_396 = arith.mulf %mul3A_392, %get3A_395 : vector<16xf32>
      %get3A_397 = arith.index_cast %scan3A_384 : i32 to index
      %get3A_398 = arith.constant 16 : index
      %get3A_399 = tpu.vector_load %arg23[%get3A_397, %get3A_398] {strides = array<i32>} : memref<64x128xf32, #tpu.memory_space<vmem>>, vector<1x16xf32>,
      %get3A_400 = vector.shape_cast %get3A_399 : vector<1x16xf32> to vector<16xf32>
      %get3A_401 = arith.index_cast %scan3A_384 : i32 to index
      %get3A_402 = arith.constant 16 : index
      %get3A_403 = tpu.vector_load %arg24[%get3A_401, %get3A_402] {strides = array<i32>} : memref<64x128xf32, #tpu.memory_space<vmem>>, vector<1x16xf32>,
      %get3A_404 = vector.shape_cast %get3A_403 : vector<1x16xf32> to vector<16xf32>
      %mul3A_405 = arith.mulf %get3A_400, %get3A_404 : vector<16xf32>
      %get3A_406 = arith.constant 16 : index
      %get3A_407 = tpu.vector_load %arg12[%get3A_406] {strides = array<i32>} : memref<144xf32, #tpu.memory_space<vmem>>, vector<16xf32>,
      %get3A_408 = vector.shape_cast %get3A_407 : vector<16xf32> to vector<16xf32>
      %mul3A_409 = arith.mulf %mul3A_405, %get3A_408 : vector<16xf32>
      %add3A_410 = arith.addf %mul3A_396, %mul3A_409 : vector<16xf32>
      %get3A_411 = arith.index_cast %scan3A_384 : i32 to index
      %get3A_412 = arith.constant 32 : index
      %get3A_413 = tpu.vector_load %arg23[%get3A_411, %get3A_412] {strides = array<i32>} : memref<64x128xf32, #tpu.memory_space<vmem>>, vector<1x16xf32>,
      %get3A_414 = vector.shape_cast %get3A_413 : vector<1x16xf32> to vector<16xf32>
      %get3A_415 = arith.index_cast %scan3A_384 : i32 to index
      %get3A_416 = arith.constant 32 : index
      %get3A_417 = tpu.vector_load %arg24[%get3A_415, %get3A_416] {strides = array<i32>} : memref<64x128xf32, #tpu.memory_space<vmem>>, vector<1x16xf32>,
      %get3A_418 = vector.shape_cast %get3A_417 : vector<1x16xf32> to vector<16xf32>
      %mul3A_419 = arith.mulf %get3A_414, %get3A_418 : vector<16xf32>
      %get3A_420 = arith.constant 32 : index
      %get3A_421 = tpu.vector_load %arg12[%get3A_420] {strides = array<i32>} : memref<144xf32, #tpu.memory_space<vmem>>, vector<16xf32>,
      %get3A_422 = vector.shape_cast %get3A_421 : vector<16xf32> to vector<16xf32>
      %mul3A_423 = arith.mulf %mul3A_419, %get3A_422 : vector<16xf32>
      %add3A_424 = arith.addf %add3A_410, %mul3A_423 : vector<16xf32>
      %get3A_425 = arith.index_cast %scan3A_384 : i32 to index
      %get3A_426 = arith.constant 48 : index
      %get3A_427 = tpu.vector_load %arg23[%get3A_425, %get3A_426] {strides = array<i32>} : memref<64x128xf32, #tpu.memory_space<vmem>>, vector<1x16xf32>,
      %get3A_428 = vector.shape_cast %get3A_427 : vector<1x16xf32> to vector<16xf32>
      %get3A_429 = arith.index_cast %scan3A_384 : i32 to index
      %get3A_430 = arith.constant 48 : index
      %get3A_431 = tpu.vector_load %arg24[%get3A_429, %get3A_430] {strides = array<i32>} : memref<64x128xf32, #tpu.memory_space<vmem>>, vector<1x16xf32>,
      %get3A_432 = vector.shape_cast %get3A_431 : vector<1x16xf32> to vector<16xf32>
      %mul3A_433 = arith.mulf %get3A_428, %get3A_432 : vector<16xf32>
      %get3A_434 = arith.constant 48 : index
      %get3A_435 = tpu.vector_load %arg12[%get3A_434] {strides = array<i32>} : memref<144xf32, #tpu.memory_space<vmem>>, vector<16xf32>,
      %get3A_436 = vector.shape_cast %get3A_435 : vector<16xf32> to vector<16xf32>
      %mul3A_437 = arith.mulf %mul3A_433, %get3A_436 : vector<16xf32>
      %add3A_438 = arith.addf %add3A_424, %mul3A_437 : vector<16xf32>
      %get3A_439 = arith.index_cast %scan3A_384 : i32 to index
      %get3A_440 = arith.constant 64 : index
      %get3A_441 = tpu.vector_load %arg23[%get3A_439, %get3A_440] {strides = array<i32>} : memref<64x128xf32, #tpu.memory_space<vmem>>, vector<1x16xf32>,
      %get3A_442 = vector.shape_cast %get3A_441 : vector<1x16xf32> to vector<16xf32>
      %get3A_443 = arith.index_cast %scan3A_384 : i32 to index
      %get3A_444 = arith.constant 64 : index
      %get3A_445 = tpu.vector_load %arg24[%get3A_443, %get3A_444] {strides = array<i32>} : memref<64x128xf32, #tpu.memory_space<vmem>>, vector<1x16xf32>,
      %get3A_446 = vector.shape_cast %get3A_445 : vector<1x16xf32> to vector<16xf32>
      %mul3A_447 = arith.mulf %get3A_442, %get3A_446 : vector<16xf32>
      %get3A_448 = arith.constant 64 : index
      %get3A_449 = tpu.vector_load %arg12[%get3A_448] {strides = array<i32>} : memref<144xf32, #tpu.memory_space<vmem>>, vector<16xf32>,
      %get3A_450 = vector.shape_cast %get3A_449 : vector<16xf32> to vector<16xf32>
      %mul3A_451 = arith.mulf %mul3A_447, %get3A_450 : vector<16xf32>
      %add3A_452 = arith.addf %add3A_438, %mul3A_451 : vector<16xf32>
      %get3A_453 = arith.index_cast %scan3A_384 : i32 to index
      %get3A_454 = arith.constant 80 : index
      %get3A_455 = tpu.vector_load %arg23[%get3A_453, %get3A_454] {strides = array<i32>} : memref<64x128xf32, #tpu.memory_space<vmem>>, vector<1x16xf32>,
      %get3A_456 = vector.shape_cast %get3A_455 : vector<1x16xf32> to vector<16xf32>
      %get3A_457 = arith.index_cast %scan3A_384 : i32 to index
      %get3A_458 = arith.constant 80 : index
      %get3A_459 = tpu.vector_load %arg24[%get3A_457, %get3A_458] {strides = array<i32>} : memref<64x128xf32, #tpu.memory_space<vmem>>, vector<1x16xf32>,
      %get3A_460 = vector.shape_cast %get3A_459 : vector<1x16xf32> to vector<16xf32>
      %mul3A_461 = arith.mulf %get3A_456, %get3A_460 : vector<16xf32>
      %get3A_462 = arith.constant 80 : index
      %get3A_463 = tpu.vector_load %arg12[%get3A_462] {strides = array<i32>} : memref<144xf32, #tpu.memory_space<vmem>>, vector<16xf32>,
      %get3A_464 = vector.shape_cast %get3A_463 : vector<16xf32> to vector<16xf32>
      %mul3A_465 = arith.mulf %mul3A_461, %get3A_464 : vector<16xf32>
      %add3A_466 = arith.addf %add3A_452, %mul3A_465 : vector<16xf32>
      %get3A_467 = arith.index_cast %scan3A_384 : i32 to index
      %get3A_468 = arith.constant 96 : index
      %get3A_469 = tpu.vector_load %arg23[%get3A_467, %get3A_468] {strides = array<i32>} : memref<64x128xf32, #tpu.memory_space<vmem>>, vector<1x16xf32>,
      %get3A_470 = vector.shape_cast %get3A_469 : vector<1x16xf32> to vector<16xf32>
      %get3A_471 = arith.index_cast %scan3A_384 : i32 to index
      %get3A_472 = arith.constant 96 : index
      %get3A_473 = tpu.vector_load %arg24[%get3A_471, %get3A_472] {strides = array<i32>} : memref<64x128xf32, #tpu.memory_space<vmem>>, vector<1x16xf32>,
      %get3A_474 = vector.shape_cast %get3A_473 : vector<1x16xf32> to vector<16xf32>
      %mul3A_475 = arith.mulf %get3A_470, %get3A_474 : vector<16xf32>
      %get3A_476 = arith.constant 96 : index
      %get3A_477 = tpu.vector_load %arg12[%get3A_476] {strides = array<i32>} : memref<144xf32, #tpu.memory_space<vmem>>, vector<16xf32>,
      %get3A_478 = vector.shape_cast %get3A_477 : vector<16xf32> to vector<16xf32>
      %mul3A_479 = arith.mulf %mul3A_475, %get3A_478 : vector<16xf32>
      %add3A_480 = arith.addf %add3A_466, %mul3A_479 : vector<16xf32>
      %get3A_481 = arith.index_cast %scan3A_384 : i32 to index
      %get3A_482 = arith.constant 112 : index
      %get3A_483 = tpu.vector_load %arg23[%get3A_481, %get3A_482] {strides = array<i32>} : memref<64x128xf32, #tpu.memory_space<vmem>>, vector<1x16xf32>,
      %get3A_484 = vector.shape_cast %get3A_483 : vector<1x16xf32> to vector<16xf32>
      %get3A_485 = arith.index_cast %scan3A_384 : i32 to index
      %get3A_486 = arith.constant 112 : index
      %get3A_487 = tpu.vector_load %arg24[%get3A_485, %get3A_486] {strides = array<i32>} : memref<64x128xf32, #tpu.memory_space<vmem>>, vector<1x16xf32>,
      %get3A_488 = vector.shape_cast %get3A_487 : vector<1x16xf32> to vector<16xf32>
      %mul3A_489 = arith.mulf %get3A_484, %get3A_488 : vector<16xf32>
      %get3A_490 = arith.constant 112 : index
      %get3A_491 = tpu.vector_load %arg12[%get3A_490] {strides = array<i32>} : memref<144xf32, #tpu.memory_space<vmem>>, vector<16xf32>,
      %get3A_492 = vector.shape_cast %get3A_491 : vector<16xf32> to vector<16xf32>
      %mul3A_493 = arith.mulf %mul3A_489, %get3A_492 : vector<16xf32>
      %add3A_494 = arith.addf %add3A_480, %mul3A_493 : vector<16xf32>
      %swap3A = arith.index_cast %scan3A_384 : i32 to index
      %swap3A_495 = arith.constant 0 : index
      %swap3A_496 = tpu.vector_load %arg27[%swap3A, %swap3A_495] {strides = array<i32>} : memref<64x16xf32, #tpu.memory_space<vmem>>, vector<1x16xf32>,
      %swap3A_497 = vector.shape_cast %swap3A_496 : vector<1x16xf32> to vector<16xf32>
      %swap3A_498 = vector.shape_cast %add3A_494 : vector<16xf32> to vector<1x16xf32>
      tpu.vector_store %arg27[%swap3A, %swap3A_495], %swap3A_498 {strides = array<i32>} : memref<64x16xf32, #tpu.memory_space<vmem>>, vector<1x16xf32>,
    }
    %scan3A_185 = arith.constant 64 : i32
    %dma_start3A_186 = arith.constant 0 : i32
    %dma_start3A_187 = tpu.memref_slice %arg11[%add3A_151, %dma_start3A_186] : memref<10240x16xf32, #tpu.memory_space<hbm>> -> memref<64x16xf32, #tpu.memory_space<hbm>>
    %dma_start3A_188 = arith.constant 0 : i32
    %dma_start3A_189 = tpu.memref_slice %arg11[%add3A_151, %dma_start3A_188] : memref<10240x16xf32, #tpu.memory_space<hbm>> -> memref<64x16xf32, #tpu.memory_space<hbm>>
    tpu.enqueue_dma source(%arg27 : memref<64x16xf32, #tpu.memory_space<vmem>>) target(%dma_start3A_189 : memref<64x16xf32, #tpu.memory_space<hbm>>) target_semaphore(%arg29 : memref<!tpu.dma_semaphore, #tpu.memory_space<semaphore_mem>>)
    %dma_wait3A_190 = arith.constant 0 : i32
    %dma_wait3A_191 = tpu.memref_slice %arg9[%add3A_151, %dma_wait3A_190] : memref<10240x128xf32, #tpu.memory_space<hbm>> -> memref<64x128xf32, #tpu.memory_space<hbm>>
    %dma_wait3A_192 = arith.constant 0 : i32
    %dma_wait3A_193 = tpu.memref_slice %arg9[%add3A_151, %dma_wait3A_192] : memref<10240x128xf32, #tpu.memory_space<hbm>> -> memref<64x128xf32, #tpu.memory_space<hbm>>
    tpu.wait_dma2 semaphore(%arg29 : memref<!tpu.dma_semaphore, #tpu.memory_space<semaphore_mem>>) src(%arg25 : memref<64x128xf32, #tpu.memory_space<vmem>>) dst(%dma_wait3A_193 : memref<64x128xf32, #tpu.memory_space<hbm>>)
    %dma_wait3A_194 = arith.constant 0 : i32
    %dma_wait3A_195 = tpu.memref_slice %arg10[%add3A_151, %dma_wait3A_194] : memref<10240x128xf32, #tpu.memory_space<hbm>> -> memref<64x128xf32, #tpu.memory_space<hbm>>
    %dma_wait3A_196 = arith.constant 0 : i32
    %dma_wait3A_197 = tpu.memref_slice %arg10[%add3A_151, %dma_wait3A_196] : memref<10240x128xf32, #tpu.memory_space<hbm>> -> memref<64x128xf32, #tpu.memory_space<hbm>>
    tpu.wait_dma2 semaphore(%arg29 : memref<!tpu.dma_semaphore, #tpu.memory_space<semaphore_mem>>) src(%arg26 : memref<64x128xf32, #tpu.memory_space<vmem>>) dst(%dma_wait3A_197 : memref<64x128xf32, #tpu.memory_space<hbm>>)
    %dma_wait3A_198 = arith.constant 0 : i32
    %dma_wait3A_199 = tpu.memref_slice %arg11[%add3A_151, %dma_wait3A_198] : memref<10240x16xf32, #tpu.memory_space<hbm>> -> memref<64x16xf32, #tpu.memory_space<hbm>>
    %dma_wait3A_200 = arith.constant 0 : i32
    %dma_wait3A_201 = tpu.memref_slice %arg11[%add3A_151, %dma_wait3A_200] : memref<10240x16xf32, #tpu.memory_space<hbm>> -> memref<64x16xf32, #tpu.memory_space<hbm>>
    tpu.wait_dma2 semaphore(%arg29 : memref<!tpu.dma_semaphore, #tpu.memory_space<semaphore_mem>>) src(%arg27 : memref<64x16xf32, #tpu.memory_space<vmem>>) dst(%dma_wait3A_201 : memref<64x16xf32, #tpu.memory_space<hbm>>)
    %dma_start3A_202 = arith.constant 256 : i32
    %dma_start3A_203 = tpu.memref_slice %arg13[%dma_start3A_202] : memref<320xi32, #tpu.memory_space<vmem>> -> memref<64xi32, #tpu.memory_space<vmem>>
    %dma_start3A_204 = arith.constant 0 : i32
    %dma_start3A_205 = arith.constant 0 : i32
    %dma_start3A_206 = tpu.memref_slice %arg4[%dma_start3A_204, %dma_start3A_205] : memref<100000x128xf32, #tpu.memory_space<hbm>> -> memref<100000x128xf32, #tpu.memory_space<hbm>>
    tpu.enqueue_indirect_dma source(%dma_start3A_206 : memref<100000x128xf32, #tpu.memory_space<hbm>>) target(%arg23 : memref<64x128xf32, #tpu.memory_space<vmem>>) offsets(%dma_start3A_203 : memref<64xi32, #tpu.memory_space<vmem>>) semaphore(%arg28 : memref<!tpu.dma_semaphore, #tpu.memory_space<semaphore_mem>>)
    %dma_start3A_207 = arith.constant 256 : i32
    %dma_start3A_208 = tpu.memref_slice %arg14[%dma_start3A_207] : memref<320xi32, #tpu.memory_space<vmem>> -> memref<64xi32, #tpu.memory_space<vmem>>
    %dma_start3A_209 = arith.constant 0 : i32
    %dma_start3A_210 = arith.constant 0 : i32
    %dma_start3A_211 = tpu.memref_slice %arg5[%dma_start3A_209, %dma_start3A_210] : memref<100000x128xf32, #tpu.memory_space<hbm>> -> memref<100000x128xf32, #tpu.memory_space<hbm>>
    tpu.enqueue_indirect_dma source(%dma_start3A_211 : memref<100000x128xf32, #tpu.memory_space<hbm>>) target(%arg24 : memref<64x128xf32, #tpu.memory_space<vmem>>) offsets(%dma_start3A_208 : memref<64xi32, #tpu.memory_space<vmem>>) semaphore(%arg28 : memref<!tpu.dma_semaphore, #tpu.memory_space<semaphore_mem>>)
    %dma_start3A_212 = arith.constant 256 : i32
    %dma_start3A_213 = tpu.memref_slice %arg13[%dma_start3A_212] : memref<320xi32, #tpu.memory_space<vmem>> -> memref<64xi32, #tpu.memory_space<vmem>>
    %dma_start3A_214 = arith.constant 0 : i32
    %dma_start3A_215 = arith.constant 0 : i32
    %dma_start3A_216 = tpu.memref_slice %arg6[%dma_start3A_214, %dma_start3A_215] : memref<100000x128xf32, #tpu.memory_space<hbm>> -> memref<100000x128xf32, #tpu.memory_space<hbm>>
    tpu.enqueue_indirect_dma source(%dma_start3A_216 : memref<100000x128xf32, #tpu.memory_space<hbm>>) target(%arg25 : memref<64x128xf32, #tpu.memory_space<vmem>>) offsets(%dma_start3A_213 : memref<64xi32, #tpu.memory_space<vmem>>) semaphore(%arg28 : memref<!tpu.dma_semaphore, #tpu.memory_space<semaphore_mem>>)
    %dma_start3A_217 = arith.constant 256 : i32
    %dma_start3A_218 = tpu.memref_slice %arg14[%dma_start3A_217] : memref<320xi32, #tpu.memory_space<vmem>> -> memref<64xi32, #tpu.memory_space<vmem>>
    %dma_start3A_219 = arith.constant 0 : i32
    %dma_start3A_220 = arith.constant 0 : i32
    %dma_start3A_221 = tpu.memref_slice %arg7[%dma_start3A_219, %dma_start3A_220] : memref<100000x128xf32, #tpu.memory_space<hbm>> -> memref<100000x128xf32, #tpu.memory_space<hbm>>
    tpu.enqueue_indirect_dma source(%dma_start3A_221 : memref<100000x128xf32, #tpu.memory_space<hbm>>) target(%arg26 : memref<64x128xf32, #tpu.memory_space<vmem>>) offsets(%dma_start3A_218 : memref<64xi32, #tpu.memory_space<vmem>>) semaphore(%arg28 : memref<!tpu.dma_semaphore, #tpu.memory_space<semaphore_mem>>)
    %mul3A_222 = arith.constant 320 : i32
    %mul3A_223 = arith.muli %add3A, %mul3A_222 : i32
    %add3A_224 = arith.constant 128 : i32
    %add3A_225 = arith.addi %mul3A_223, %add3A_224 : i32
    %dma_wait3A_226 = arith.constant 128 : i32
    %dma_wait3A_227 = tpu.memref_slice %arg13[%dma_wait3A_226] : memref<320xi32, #tpu.memory_space<vmem>> -> memref<64xi32, #tpu.memory_space<vmem>>
    %dma_wait3A_228 = arith.constant 0 : i32
    %dma_wait3A_229 = arith.constant 0 : i32
    %dma_wait3A_230 = tpu.memref_slice %arg4[%dma_wait3A_228, %dma_wait3A_229] : memref<100000x128xf32, #tpu.memory_space<hbm>> -> memref<100000x128xf32, #tpu.memory_space<hbm>>
    tpu.wait_indirect_dma semaphore(%arg35 : memref<!tpu.dma_semaphore, #tpu.memory_space<semaphore_mem>>) src(%dma_wait3A_230 : memref<100000x128xf32, #tpu.memory_space<hbm>>) dst(%arg30 : memref<64x128xf32, #tpu.memory_space<vmem>>)
    %dma_wait3A_231 = arith.constant 128 : i32
    %dma_wait3A_232 = tpu.memref_slice %arg14[%dma_wait3A_231] : memref<320xi32, #tpu.memory_space<vmem>> -> memref<64xi32, #tpu.memory_space<vmem>>
    %dma_wait3A_233 = arith.constant 0 : i32
    %dma_wait3A_234 = arith.constant 0 : i32
    %dma_wait3A_235 = tpu.memref_slice %arg5[%dma_wait3A_233, %dma_wait3A_234] : memref<100000x128xf32, #tpu.memory_space<hbm>> -> memref<100000x128xf32, #tpu.memory_space<hbm>>
    tpu.wait_indirect_dma semaphore(%arg35 : memref<!tpu.dma_semaphore, #tpu.memory_space<semaphore_mem>>) src(%dma_wait3A_235 : memref<100000x128xf32, #tpu.memory_space<hbm>>) dst(%arg31 : memref<64x128xf32, #tpu.memory_space<vmem>>)
    %dma_wait3A_236 = arith.constant 128 : i32
    %dma_wait3A_237 = tpu.memref_slice %arg13[%dma_wait3A_236] : memref<320xi32, #tpu.memory_space<vmem>> -> memref<64xi32, #tpu.memory_space<vmem>>
    %dma_wait3A_238 = arith.constant 0 : i32
    %dma_wait3A_239 = arith.constant 0 : i32
    %dma_wait3A_240 = tpu.memref_slice %arg6[%dma_wait3A_238, %dma_wait3A_239] : memref<100000x128xf32, #tpu.memory_space<hbm>> -> memref<100000x128xf32, #tpu.memory_space<hbm>>
    tpu.wait_indirect_dma semaphore(%arg35 : memref<!tpu.dma_semaphore, #tpu.memory_space<semaphore_mem>>) src(%dma_wait3A_240 : memref<100000x128xf32, #tpu.memory_space<hbm>>) dst(%arg32 : memref<64x128xf32, #tpu.memory_space<vmem>>)
    %dma_wait3A_241 = arith.constant 128 : i32
    %dma_wait3A_242 = tpu.memref_slice %arg14[%dma_wait3A_241] : memref<320xi32, #tpu.memory_space<vmem>> -> memref<64xi32, #tpu.memory_space<vmem>>
    %dma_wait3A_243 = arith.constant 0 : i32
    %dma_wait3A_244 = arith.constant 0 : i32
    %dma_wait3A_245 = tpu.memref_slice %arg7[%dma_wait3A_243, %dma_wait3A_244] : memref<100000x128xf32, #tpu.memory_space<hbm>> -> memref<100000x128xf32, #tpu.memory_space<hbm>>
    tpu.wait_indirect_dma semaphore(%arg35 : memref<!tpu.dma_semaphore, #tpu.memory_space<semaphore_mem>>) src(%dma_wait3A_245 : memref<100000x128xf32, #tpu.memory_space<hbm>>) dst(%arg33 : memref<64x128xf32, #tpu.memory_space<vmem>>)
    %dma_start3A_246 = arith.constant 0 : i32
    %dma_start3A_247 = tpu.memref_slice %arg9[%add3A_225, %dma_start3A_246] : memref<10240x128xf32, #tpu.memory_space<hbm>> -> memref<64x128xf32, #tpu.memory_space<hbm>>
    %dma_start3A_248 = arith.constant 0 : i32
    %dma_start3A_249 = tpu.memref_slice %arg9[%add3A_225, %dma_start3A_248] : memref<10240x128xf32, #tpu.memory_space<hbm>> -> memref<64x128xf32, #tpu.memory_space<hbm>>
    tpu.enqueue_dma source(%arg32 : memref<64x128xf32, #tpu.memory_space<vmem>>) target(%dma_start3A_249 : memref<64x128xf32, #tpu.memory_space<hbm>>) target_semaphore(%arg36 : memref<!tpu.dma_semaphore, #tpu.memory_space<semaphore_mem>>)
    %dma_start3A_250 = arith.constant 0 : i32
    %dma_start3A_251 = tpu.memref_slice %arg10[%add3A_225, %dma_start3A_250] : memref<10240x128xf32, #tpu.memory_space<hbm>> -> memref<64x128xf32, #tpu.memory_space<hbm>>
    %dma_start3A_252 = arith.constant 0 : i32
    %dma_start3A_253 = tpu.memref_slice %arg10[%add3A_225, %dma_start3A_252] : memref<10240x128xf32, #tpu.memory_space<hbm>> -> memref<64x128xf32, #tpu.memory_space<hbm>>
    tpu.enqueue_dma source(%arg33 : memref<64x128xf32, #tpu.memory_space<vmem>>) target(%dma_start3A_253 : memref<64x128xf32, #tpu.memory_space<hbm>>) target_semaphore(%arg36 : memref<!tpu.dma_semaphore, #tpu.memory_space<semaphore_mem>>)
    %scan3A_254 = arith.constant 0 : i32
    %scan3A_255 = arith.constant 0 : i32
    %scan3A_256 = arith.constant 64 : i32
    %scan3A_257 = arith.addi %scan3A_255, %scan3A_256 : i32
    %scan3A_258 = arith.constant 1 : i32
    scf.for %scan3A_384 = %scan3A_255 to %scan3A_257 step %scan3A_258  : i32 {
      %get3A = arith.index_cast %scan3A_384 : i32 to index
      %get3A_385 = arith.constant 0 : index
      %get3A_386 = tpu.vector_load %arg30[%get3A, %get3A_385] {strides = array<i32>} : memref<64x128xf32, #tpu.memory_space<vmem>>, vector<1x16xf32>,
      %get3A_387 = vector.shape_cast %get3A_386 : vector<1x16xf32> to vector<16xf32>
      %get3A_388 = arith.index_cast %scan3A_384 : i32 to index
      %get3A_389 = arith.constant 0 : index
      %get3A_390 = tpu.vector_load %arg31[%get3A_388, %get3A_389] {strides = array<i32>} : memref<64x128xf32, #tpu.memory_space<vmem>>, vector<1x16xf32>,
      %get3A_391 = vector.shape_cast %get3A_390 : vector<1x16xf32> to vector<16xf32>
      %mul3A_392 = arith.mulf %get3A_387, %get3A_391 : vector<16xf32>
      %get3A_393 = arith.constant 0 : index
      %get3A_394 = tpu.vector_load %arg12[%get3A_393] {strides = array<i32>} : memref<144xf32, #tpu.memory_space<vmem>>, vector<16xf32>,
      %get3A_395 = vector.shape_cast %get3A_394 : vector<16xf32> to vector<16xf32>
      %mul3A_396 = arith.mulf %mul3A_392, %get3A_395 : vector<16xf32>
      %get3A_397 = arith.index_cast %scan3A_384 : i32 to index
      %get3A_398 = arith.constant 16 : index
      %get3A_399 = tpu.vector_load %arg30[%get3A_397, %get3A_398] {strides = array<i32>} : memref<64x128xf32, #tpu.memory_space<vmem>>, vector<1x16xf32>,
      %get3A_400 = vector.shape_cast %get3A_399 : vector<1x16xf32> to vector<16xf32>
      %get3A_401 = arith.index_cast %scan3A_384 : i32 to index
      %get3A_402 = arith.constant 16 : index
      %get3A_403 = tpu.vector_load %arg31[%get3A_401, %get3A_402] {strides = array<i32>} : memref<64x128xf32, #tpu.memory_space<vmem>>, vector<1x16xf32>,
      %get3A_404 = vector.shape_cast %get3A_403 : vector<1x16xf32> to vector<16xf32>
      %mul3A_405 = arith.mulf %get3A_400, %get3A_404 : vector<16xf32>
      %get3A_406 = arith.constant 16 : index
      %get3A_407 = tpu.vector_load %arg12[%get3A_406] {strides = array<i32>} : memref<144xf32, #tpu.memory_space<vmem>>, vector<16xf32>,
      %get3A_408 = vector.shape_cast %get3A_407 : vector<16xf32> to vector<16xf32>
      %mul3A_409 = arith.mulf %mul3A_405, %get3A_408 : vector<16xf32>
      %add3A_410 = arith.addf %mul3A_396, %mul3A_409 : vector<16xf32>
      %get3A_411 = arith.index_cast %scan3A_384 : i32 to index
      %get3A_412 = arith.constant 32 : index
      %get3A_413 = tpu.vector_load %arg30[%get3A_411, %get3A_412] {strides = array<i32>} : memref<64x128xf32, #tpu.memory_space<vmem>>, vector<1x16xf32>,
      %get3A_414 = vector.shape_cast %get3A_413 : vector<1x16xf32> to vector<16xf32>
      %get3A_415 = arith.index_cast %scan3A_384 : i32 to index
      %get3A_416 = arith.constant 32 : index
      %get3A_417 = tpu.vector_load %arg31[%get3A_415, %get3A_416] {strides = array<i32>} : memref<64x128xf32, #tpu.memory_space<vmem>>, vector<1x16xf32>,
      %get3A_418 = vector.shape_cast %get3A_417 : vector<1x16xf32> to vector<16xf32>
      %mul3A_419 = arith.mulf %get3A_414, %get3A_418 : vector<16xf32>
      %get3A_420 = arith.constant 32 : index
      %get3A_421 = tpu.vector_load %arg12[%get3A_420] {strides = array<i32>} : memref<144xf32, #tpu.memory_space<vmem>>, vector<16xf32>,
      %get3A_422 = vector.shape_cast %get3A_421 : vector<16xf32> to vector<16xf32>
      %mul3A_423 = arith.mulf %mul3A_419, %get3A_422 : vector<16xf32>
      %add3A_424 = arith.addf %add3A_410, %mul3A_423 : vector<16xf32>
      %get3A_425 = arith.index_cast %scan3A_384 : i32 to index
      %get3A_426 = arith.constant 48 : index
      %get3A_427 = tpu.vector_load %arg30[%get3A_425, %get3A_426] {strides = array<i32>} : memref<64x128xf32, #tpu.memory_space<vmem>>, vector<1x16xf32>,
      %get3A_428 = vector.shape_cast %get3A_427 : vector<1x16xf32> to vector<16xf32>
      %get3A_429 = arith.index_cast %scan3A_384 : i32 to index
      %get3A_430 = arith.constant 48 : index
      %get3A_431 = tpu.vector_load %arg31[%get3A_429, %get3A_430] {strides = array<i32>} : memref<64x128xf32, #tpu.memory_space<vmem>>, vector<1x16xf32>,
      %get3A_432 = vector.shape_cast %get3A_431 : vector<1x16xf32> to vector<16xf32>
      %mul3A_433 = arith.mulf %get3A_428, %get3A_432 : vector<16xf32>
      %get3A_434 = arith.constant 48 : index
      %get3A_435 = tpu.vector_load %arg12[%get3A_434] {strides = array<i32>} : memref<144xf32, #tpu.memory_space<vmem>>, vector<16xf32>,
      %get3A_436 = vector.shape_cast %get3A_435 : vector<16xf32> to vector<16xf32>
      %mul3A_437 = arith.mulf %mul3A_433, %get3A_436 : vector<16xf32>
      %add3A_438 = arith.addf %add3A_424, %mul3A_437 : vector<16xf32>
      %get3A_439 = arith.index_cast %scan3A_384 : i32 to index
      %get3A_440 = arith.constant 64 : index
      %get3A_441 = tpu.vector_load %arg30[%get3A_439, %get3A_440] {strides = array<i32>} : memref<64x128xf32, #tpu.memory_space<vmem>>, vector<1x16xf32>,
      %get3A_442 = vector.shape_cast %get3A_441 : vector<1x16xf32> to vector<16xf32>
      %get3A_443 = arith.index_cast %scan3A_384 : i32 to index
      %get3A_444 = arith.constant 64 : index
      %get3A_445 = tpu.vector_load %arg31[%get3A_443, %get3A_444] {strides = array<i32>} : memref<64x128xf32, #tpu.memory_space<vmem>>, vector<1x16xf32>,
      %get3A_446 = vector.shape_cast %get3A_445 : vector<1x16xf32> to vector<16xf32>
      %mul3A_447 = arith.mulf %get3A_442, %get3A_446 : vector<16xf32>
      %get3A_448 = arith.constant 64 : index
      %get3A_449 = tpu.vector_load %arg12[%get3A_448] {strides = array<i32>} : memref<144xf32, #tpu.memory_space<vmem>>, vector<16xf32>,
      %get3A_450 = vector.shape_cast %get3A_449 : vector<16xf32> to vector<16xf32>
      %mul3A_451 = arith.mulf %mul3A_447, %get3A_450 : vector<16xf32>
      %add3A_452 = arith.addf %add3A_438, %mul3A_451 : vector<16xf32>
      %get3A_453 = arith.index_cast %scan3A_384 : i32 to index
      %get3A_454 = arith.constant 80 : index
      %get3A_455 = tpu.vector_load %arg30[%get3A_453, %get3A_454] {strides = array<i32>} : memref<64x128xf32, #tpu.memory_space<vmem>>, vector<1x16xf32>,
      %get3A_456 = vector.shape_cast %get3A_455 : vector<1x16xf32> to vector<16xf32>
      %get3A_457 = arith.index_cast %scan3A_384 : i32 to index
      %get3A_458 = arith.constant 80 : index
      %get3A_459 = tpu.vector_load %arg31[%get3A_457, %get3A_458] {strides = array<i32>} : memref<64x128xf32, #tpu.memory_space<vmem>>, vector<1x16xf32>,
      %get3A_460 = vector.shape_cast %get3A_459 : vector<1x16xf32> to vector<16xf32>
      %mul3A_461 = arith.mulf %get3A_456, %get3A_460 : vector<16xf32>
      %get3A_462 = arith.constant 80 : index
      %get3A_463 = tpu.vector_load %arg12[%get3A_462] {strides = array<i32>} : memref<144xf32, #tpu.memory_space<vmem>>, vector<16xf32>,
      %get3A_464 = vector.shape_cast %get3A_463 : vector<16xf32> to vector<16xf32>
      %mul3A_465 = arith.mulf %mul3A_461, %get3A_464 : vector<16xf32>
      %add3A_466 = arith.addf %add3A_452, %mul3A_465 : vector<16xf32>
      %get3A_467 = arith.index_cast %scan3A_384 : i32 to index
      %get3A_468 = arith.constant 96 : index
      %get3A_469 = tpu.vector_load %arg30[%get3A_467, %get3A_468] {strides = array<i32>} : memref<64x128xf32, #tpu.memory_space<vmem>>, vector<1x16xf32>,
      %get3A_470 = vector.shape_cast %get3A_469 : vector<1x16xf32> to vector<16xf32>
      %get3A_471 = arith.index_cast %scan3A_384 : i32 to index
      %get3A_472 = arith.constant 96 : index
      %get3A_473 = tpu.vector_load %arg31[%get3A_471, %get3A_472] {strides = array<i32>} : memref<64x128xf32, #tpu.memory_space<vmem>>, vector<1x16xf32>,
      %get3A_474 = vector.shape_cast %get3A_473 : vector<1x16xf32> to vector<16xf32>
      %mul3A_475 = arith.mulf %get3A_470, %get3A_474 : vector<16xf32>
      %get3A_476 = arith.constant 96 : index
      %get3A_477 = tpu.vector_load %arg12[%get3A_476] {strides = array<i32>} : memref<144xf32, #tpu.memory_space<vmem>>, vector<16xf32>,
      %get3A_478 = vector.shape_cast %get3A_477 : vector<16xf32> to vector<16xf32>
      %mul3A_479 = arith.mulf %mul3A_475, %get3A_478 : vector<16xf32>
      %add3A_480 = arith.addf %add3A_466, %mul3A_479 : vector<16xf32>
      %get3A_481 = arith.index_cast %scan3A_384 : i32 to index
      %get3A_482 = arith.constant 112 : index
      %get3A_483 = tpu.vector_load %arg30[%get3A_481, %get3A_482] {strides = array<i32>} : memref<64x128xf32, #tpu.memory_space<vmem>>, vector<1x16xf32>,
      %get3A_484 = vector.shape_cast %get3A_483 : vector<1x16xf32> to vector<16xf32>
      %get3A_485 = arith.index_cast %scan3A_384 : i32 to index
      %get3A_486 = arith.constant 112 : index
      %get3A_487 = tpu.vector_load %arg31[%get3A_485, %get3A_486] {strides = array<i32>} : memref<64x128xf32, #tpu.memory_space<vmem>>, vector<1x16xf32>,
      %get3A_488 = vector.shape_cast %get3A_487 : vector<1x16xf32> to vector<16xf32>
      %mul3A_489 = arith.mulf %get3A_484, %get3A_488 : vector<16xf32>
      %get3A_490 = arith.constant 112 : index
      %get3A_491 = tpu.vector_load %arg12[%get3A_490] {strides = array<i32>} : memref<144xf32, #tpu.memory_space<vmem>>, vector<16xf32>,
      %get3A_492 = vector.shape_cast %get3A_491 : vector<16xf32> to vector<16xf32>
      %mul3A_493 = arith.mulf %mul3A_489, %get3A_492 : vector<16xf32>
      %add3A_494 = arith.addf %add3A_480, %mul3A_493 : vector<16xf32>
      %swap3A = arith.index_cast %scan3A_384 : i32 to index
      %swap3A_495 = arith.constant 0 : index
      %swap3A_496 = tpu.vector_load %arg34[%swap3A, %swap3A_495] {strides = array<i32>} : memref<64x16xf32, #tpu.memory_space<vmem>>, vector<1x16xf32>,
      %swap3A_497 = vector.shape_cast %swap3A_496 : vector<1x16xf32> to vector<16xf32>
      %swap3A_498 = vector.shape_cast %add3A_494 : vector<16xf32> to vector<1x16xf32>
      tpu.vector_store %arg34[%swap3A, %swap3A_495], %swap3A_498 {strides = array<i32>} : memref<64x16xf32, #tpu.memory_space<vmem>>, vector<1x16xf32>,
    }
    %scan3A_259 = arith.constant 64 : i32
    %dma_start3A_260 = arith.constant 0 : i32
    %dma_start3A_261 = tpu.memref_slice %arg11[%add3A_225, %dma_start3A_260] : memref<10240x16xf32, #tpu.memory_space<hbm>> -> memref<64x16xf32, #tpu.memory_space<hbm>>
    %dma_start3A_262 = arith.constant 0 : i32
    %dma_start3A_263 = tpu.memref_slice %arg11[%add3A_225, %dma_start3A_262] : memref<10240x16xf32, #tpu.memory_space<hbm>> -> memref<64x16xf32, #tpu.memory_space<hbm>>
    tpu.enqueue_dma source(%arg34 : memref<64x16xf32, #tpu.memory_space<vmem>>) target(%dma_start3A_263 : memref<64x16xf32, #tpu.memory_space<hbm>>) target_semaphore(%arg36 : memref<!tpu.dma_semaphore, #tpu.memory_space<semaphore_mem>>)
    %mul3A_264 = arith.constant 320 : i32
    %mul3A_265 = arith.muli %add3A, %mul3A_264 : i32
    %add3A_266 = arith.constant 192 : i32
    %add3A_267 = arith.addi %mul3A_265, %add3A_266 : i32
    %dma_wait3A_268 = arith.constant 192 : i32
    %dma_wait3A_269 = tpu.memref_slice %arg13[%dma_wait3A_268] : memref<320xi32, #tpu.memory_space<vmem>> -> memref<64xi32, #tpu.memory_space<vmem>>
    %dma_wait3A_270 = arith.constant 0 : i32
    %dma_wait3A_271 = arith.constant 0 : i32
    %dma_wait3A_272 = tpu.memref_slice %arg4[%dma_wait3A_270, %dma_wait3A_271] : memref<100000x128xf32, #tpu.memory_space<hbm>> -> memref<100000x128xf32, #tpu.memory_space<hbm>>
    tpu.wait_indirect_dma semaphore(%arg21 : memref<!tpu.dma_semaphore, #tpu.memory_space<semaphore_mem>>) src(%dma_wait3A_272 : memref<100000x128xf32, #tpu.memory_space<hbm>>) dst(%arg16 : memref<64x128xf32, #tpu.memory_space<vmem>>)
    %dma_wait3A_273 = arith.constant 192 : i32
    %dma_wait3A_274 = tpu.memref_slice %arg14[%dma_wait3A_273] : memref<320xi32, #tpu.memory_space<vmem>> -> memref<64xi32, #tpu.memory_space<vmem>>
    %dma_wait3A_275 = arith.constant 0 : i32
    %dma_wait3A_276 = arith.constant 0 : i32
    %dma_wait3A_277 = tpu.memref_slice %arg5[%dma_wait3A_275, %dma_wait3A_276] : memref<100000x128xf32, #tpu.memory_space<hbm>> -> memref<100000x128xf32, #tpu.memory_space<hbm>>
    tpu.wait_indirect_dma semaphore(%arg21 : memref<!tpu.dma_semaphore, #tpu.memory_space<semaphore_mem>>) src(%dma_wait3A_277 : memref<100000x128xf32, #tpu.memory_space<hbm>>) dst(%arg17 : memref<64x128xf32, #tpu.memory_space<vmem>>)
    %dma_wait3A_278 = arith.constant 192 : i32
    %dma_wait3A_279 = tpu.memref_slice %arg13[%dma_wait3A_278] : memref<320xi32, #tpu.memory_space<vmem>> -> memref<64xi32, #tpu.memory_space<vmem>>
    %dma_wait3A_280 = arith.constant 0 : i32
    %dma_wait3A_281 = arith.constant 0 : i32
    %dma_wait3A_282 = tpu.memref_slice %arg6[%dma_wait3A_280, %dma_wait3A_281] : memref<100000x128xf32, #tpu.memory_space<hbm>> -> memref<100000x128xf32, #tpu.memory_space<hbm>>
    tpu.wait_indirect_dma semaphore(%arg21 : memref<!tpu.dma_semaphore, #tpu.memory_space<semaphore_mem>>) src(%dma_wait3A_282 : memref<100000x128xf32, #tpu.memory_space<hbm>>) dst(%arg18 : memref<64x128xf32, #tpu.memory_space<vmem>>)
    %dma_wait3A_283 = arith.constant 192 : i32
    %dma_wait3A_284 = tpu.memref_slice %arg14[%dma_wait3A_283] : memref<320xi32, #tpu.memory_space<vmem>> -> memref<64xi32, #tpu.memory_space<vmem>>
    %dma_wait3A_285 = arith.constant 0 : i32
    %dma_wait3A_286 = arith.constant 0 : i32
    %dma_wait3A_287 = tpu.memref_slice %arg7[%dma_wait3A_285, %dma_wait3A_286] : memref<100000x128xf32, #tpu.memory_space<hbm>> -> memref<100000x128xf32, #tpu.memory_space<hbm>>
    tpu.wait_indirect_dma semaphore(%arg21 : memref<!tpu.dma_semaphore, #tpu.memory_space<semaphore_mem>>) src(%dma_wait3A_287 : memref<100000x128xf32, #tpu.memory_space<hbm>>) dst(%arg19 : memref<64x128xf32, #tpu.memory_space<vmem>>)
    %dma_start3A_288 = arith.constant 0 : i32
    %dma_start3A_289 = tpu.memref_slice %arg9[%add3A_267, %dma_start3A_288] : memref<10240x128xf32, #tpu.memory_space<hbm>> -> memref<64x128xf32, #tpu.memory_space<hbm>>
    %dma_start3A_290 = arith.constant 0 : i32
    %dma_start3A_291 = tpu.memref_slice %arg9[%add3A_267, %dma_start3A_290] : memref<10240x128xf32, #tpu.memory_space<hbm>> -> memref<64x128xf32, #tpu.memory_space<hbm>>
    tpu.enqueue_dma source(%arg18 : memref<64x128xf32, #tpu.memory_space<vmem>>) target(%dma_start3A_291 : memref<64x128xf32, #tpu.memory_space<hbm>>) target_semaphore(%arg22 : memref<!tpu.dma_semaphore, #tpu.memory_space<semaphore_mem>>)
    %dma_start3A_292 = arith.constant 0 : i32
    %dma_start3A_293 = tpu.memref_slice %arg10[%add3A_267, %dma_start3A_292] : memref<10240x128xf32, #tpu.memory_space<hbm>> -> memref<64x128xf32, #tpu.memory_space<hbm>>
    %dma_start3A_294 = arith.constant 0 : i32
    %dma_start3A_295 = tpu.memref_slice %arg10[%add3A_267, %dma_start3A_294] : memref<10240x128xf32, #tpu.memory_space<hbm>> -> memref<64x128xf32, #tpu.memory_space<hbm>>
    tpu.enqueue_dma source(%arg19 : memref<64x128xf32, #tpu.memory_space<vmem>>) target(%dma_start3A_295 : memref<64x128xf32, #tpu.memory_space<hbm>>) target_semaphore(%arg22 : memref<!tpu.dma_semaphore, #tpu.memory_space<semaphore_mem>>)
    %scan3A_296 = arith.constant 0 : i32
    %scan3A_297 = arith.constant 0 : i32
    %scan3A_298 = arith.constant 64 : i32
    %scan3A_299 = arith.addi %scan3A_297, %scan3A_298 : i32
    %scan3A_300 = arith.constant 1 : i32
    scf.for %scan3A_384 = %scan3A_297 to %scan3A_299 step %scan3A_300  : i32 {
      %get3A = arith.index_cast %scan3A_384 : i32 to index
      %get3A_385 = arith.constant 0 : index
      %get3A_386 = tpu.vector_load %arg16[%get3A, %get3A_385] {strides = array<i32>} : memref<64x128xf32, #tpu.memory_space<vmem>>, vector<1x16xf32>,
      %get3A_387 = vector.shape_cast %get3A_386 : vector<1x16xf32> to vector<16xf32>
      %get3A_388 = arith.index_cast %scan3A_384 : i32 to index
      %get3A_389 = arith.constant 0 : index
      %get3A_390 = tpu.vector_load %arg17[%get3A_388, %get3A_389] {strides = array<i32>} : memref<64x128xf32, #tpu.memory_space<vmem>>, vector<1x16xf32>,
      %get3A_391 = vector.shape_cast %get3A_390 : vector<1x16xf32> to vector<16xf32>
      %mul3A_392 = arith.mulf %get3A_387, %get3A_391 : vector<16xf32>
      %get3A_393 = arith.constant 0 : index
      %get3A_394 = tpu.vector_load %arg12[%get3A_393] {strides = array<i32>} : memref<144xf32, #tpu.memory_space<vmem>>, vector<16xf32>,
      %get3A_395 = vector.shape_cast %get3A_394 : vector<16xf32> to vector<16xf32>
      %mul3A_396 = arith.mulf %mul3A_392, %get3A_395 : vector<16xf32>
      %get3A_397 = arith.index_cast %scan3A_384 : i32 to index
      %get3A_398 = arith.constant 16 : index
      %get3A_399 = tpu.vector_load %arg16[%get3A_397, %get3A_398] {strides = array<i32>} : memref<64x128xf32, #tpu.memory_space<vmem>>, vector<1x16xf32>,
      %get3A_400 = vector.shape_cast %get3A_399 : vector<1x16xf32> to vector<16xf32>
      %get3A_401 = arith.index_cast %scan3A_384 : i32 to index
      %get3A_402 = arith.constant 16 : index
      %get3A_403 = tpu.vector_load %arg17[%get3A_401, %get3A_402] {strides = array<i32>} : memref<64x128xf32, #tpu.memory_space<vmem>>, vector<1x16xf32>,
      %get3A_404 = vector.shape_cast %get3A_403 : vector<1x16xf32> to vector<16xf32>
      %mul3A_405 = arith.mulf %get3A_400, %get3A_404 : vector<16xf32>
      %get3A_406 = arith.constant 16 : index
      %get3A_407 = tpu.vector_load %arg12[%get3A_406] {strides = array<i32>} : memref<144xf32, #tpu.memory_space<vmem>>, vector<16xf32>,
      %get3A_408 = vector.shape_cast %get3A_407 : vector<16xf32> to vector<16xf32>
      %mul3A_409 = arith.mulf %mul3A_405, %get3A_408 : vector<16xf32>
      %add3A_410 = arith.addf %mul3A_396, %mul3A_409 : vector<16xf32>
      %get3A_411 = arith.index_cast %scan3A_384 : i32 to index
      %get3A_412 = arith.constant 32 : index
      %get3A_413 = tpu.vector_load %arg16[%get3A_411, %get3A_412] {strides = array<i32>} : memref<64x128xf32, #tpu.memory_space<vmem>>, vector<1x16xf32>,
      %get3A_414 = vector.shape_cast %get3A_413 : vector<1x16xf32> to vector<16xf32>
      %get3A_415 = arith.index_cast %scan3A_384 : i32 to index
      %get3A_416 = arith.constant 32 : index
      %get3A_417 = tpu.vector_load %arg17[%get3A_415, %get3A_416] {strides = array<i32>} : memref<64x128xf32, #tpu.memory_space<vmem>>, vector<1x16xf32>,
      %get3A_418 = vector.shape_cast %get3A_417 : vector<1x16xf32> to vector<16xf32>
      %mul3A_419 = arith.mulf %get3A_414, %get3A_418 : vector<16xf32>
      %get3A_420 = arith.constant 32 : index
      %get3A_421 = tpu.vector_load %arg12[%get3A_420] {strides = array<i32>} : memref<144xf32, #tpu.memory_space<vmem>>, vector<16xf32>,
      %get3A_422 = vector.shape_cast %get3A_421 : vector<16xf32> to vector<16xf32>
      %mul3A_423 = arith.mulf %mul3A_419, %get3A_422 : vector<16xf32>
      %add3A_424 = arith.addf %add3A_410, %mul3A_423 : vector<16xf32>
      %get3A_425 = arith.index_cast %scan3A_384 : i32 to index
      %get3A_426 = arith.constant 48 : index
      %get3A_427 = tpu.vector_load %arg16[%get3A_425, %get3A_426] {strides = array<i32>} : memref<64x128xf32, #tpu.memory_space<vmem>>, vector<1x16xf32>,
      %get3A_428 = vector.shape_cast %get3A_427 : vector<1x16xf32> to vector<16xf32>
      %get3A_429 = arith.index_cast %scan3A_384 : i32 to index
      %get3A_430 = arith.constant 48 : index
      %get3A_431 = tpu.vector_load %arg17[%get3A_429, %get3A_430] {strides = array<i32>} : memref<64x128xf32, #tpu.memory_space<vmem>>, vector<1x16xf32>,
      %get3A_432 = vector.shape_cast %get3A_431 : vector<1x16xf32> to vector<16xf32>
      %mul3A_433 = arith.mulf %get3A_428, %get3A_432 : vector<16xf32>
      %get3A_434 = arith.constant 48 : index
      %get3A_435 = tpu.vector_load %arg12[%get3A_434] {strides = array<i32>} : memref<144xf32, #tpu.memory_space<vmem>>, vector<16xf32>,
      %get3A_436 = vector.shape_cast %get3A_435 : vector<16xf32> to vector<16xf32>
      %mul3A_437 = arith.mulf %mul3A_433, %get3A_436 : vector<16xf32>
      %add3A_438 = arith.addf %add3A_424, %mul3A_437 : vector<16xf32>
      %get3A_439 = arith.index_cast %scan3A_384 : i32 to index
      %get3A_440 = arith.constant 64 : index
      %get3A_441 = tpu.vector_load %arg16[%get3A_439, %get3A_440] {strides = array<i32>} : memref<64x128xf32, #tpu.memory_space<vmem>>, vector<1x16xf32>,
      %get3A_442 = vector.shape_cast %get3A_441 : vector<1x16xf32> to vector<16xf32>
      %get3A_443 = arith.index_cast %scan3A_384 : i32 to index
      %get3A_444 = arith.constant 64 : index
      %get3A_445 = tpu.vector_load %arg17[%get3A_443, %get3A_444] {strides = array<i32>} : memref<64x128xf32, #tpu.memory_space<vmem>>, vector<1x16xf32>,
      %get3A_446 = vector.shape_cast %get3A_445 : vector<1x16xf32> to vector<16xf32>
      %mul3A_447 = arith.mulf %get3A_442, %get3A_446 : vector<16xf32>
      %get3A_448 = arith.constant 64 : index
      %get3A_449 = tpu.vector_load %arg12[%get3A_448] {strides = array<i32>} : memref<144xf32, #tpu.memory_space<vmem>>, vector<16xf32>,
      %get3A_450 = vector.shape_cast %get3A_449 : vector<16xf32> to vector<16xf32>
      %mul3A_451 = arith.mulf %mul3A_447, %get3A_450 : vector<16xf32>
      %add3A_452 = arith.addf %add3A_438, %mul3A_451 : vector<16xf32>
      %get3A_453 = arith.index_cast %scan3A_384 : i32 to index
      %get3A_454 = arith.constant 80 : index
      %get3A_455 = tpu.vector_load %arg16[%get3A_453, %get3A_454] {strides = array<i32>} : memref<64x128xf32, #tpu.memory_space<vmem>>, vector<1x16xf32>,
      %get3A_456 = vector.shape_cast %get3A_455 : vector<1x16xf32> to vector<16xf32>
      %get3A_457 = arith.index_cast %scan3A_384 : i32 to index
      %get3A_458 = arith.constant 80 : index
      %get3A_459 = tpu.vector_load %arg17[%get3A_457, %get3A_458] {strides = array<i32>} : memref<64x128xf32, #tpu.memory_space<vmem>>, vector<1x16xf32>,
      %get3A_460 = vector.shape_cast %get3A_459 : vector<1x16xf32> to vector<16xf32>
      %mul3A_461 = arith.mulf %get3A_456, %get3A_460 : vector<16xf32>
      %get3A_462 = arith.constant 80 : index
      %get3A_463 = tpu.vector_load %arg12[%get3A_462] {strides = array<i32>} : memref<144xf32, #tpu.memory_space<vmem>>, vector<16xf32>,
      %get3A_464 = vector.shape_cast %get3A_463 : vector<16xf32> to vector<16xf32>
      %mul3A_465 = arith.mulf %mul3A_461, %get3A_464 : vector<16xf32>
      %add3A_466 = arith.addf %add3A_452, %mul3A_465 : vector<16xf32>
      %get3A_467 = arith.index_cast %scan3A_384 : i32 to index
      %get3A_468 = arith.constant 96 : index
      %get3A_469 = tpu.vector_load %arg16[%get3A_467, %get3A_468] {strides = array<i32>} : memref<64x128xf32, #tpu.memory_space<vmem>>, vector<1x16xf32>,
      %get3A_470 = vector.shape_cast %get3A_469 : vector<1x16xf32> to vector<16xf32>
      %get3A_471 = arith.index_cast %scan3A_384 : i32 to index
      %get3A_472 = arith.constant 96 : index
      %get3A_473 = tpu.vector_load %arg17[%get3A_471, %get3A_472] {strides = array<i32>} : memref<64x128xf32, #tpu.memory_space<vmem>>, vector<1x16xf32>,
      %get3A_474 = vector.shape_cast %get3A_473 : vector<1x16xf32> to vector<16xf32>
      %mul3A_475 = arith.mulf %get3A_470, %get3A_474 : vector<16xf32>
      %get3A_476 = arith.constant 96 : index
      %get3A_477 = tpu.vector_load %arg12[%get3A_476] {strides = array<i32>} : memref<144xf32, #tpu.memory_space<vmem>>, vector<16xf32>,
      %get3A_478 = vector.shape_cast %get3A_477 : vector<16xf32> to vector<16xf32>
      %mul3A_479 = arith.mulf %mul3A_475, %get3A_478 : vector<16xf32>
      %add3A_480 = arith.addf %add3A_466, %mul3A_479 : vector<16xf32>
      %get3A_481 = arith.index_cast %scan3A_384 : i32 to index
      %get3A_482 = arith.constant 112 : index
      %get3A_483 = tpu.vector_load %arg16[%get3A_481, %get3A_482] {strides = array<i32>} : memref<64x128xf32, #tpu.memory_space<vmem>>, vector<1x16xf32>,
      %get3A_484 = vector.shape_cast %get3A_483 : vector<1x16xf32> to vector<16xf32>
      %get3A_485 = arith.index_cast %scan3A_384 : i32 to index
      %get3A_486 = arith.constant 112 : index
      %get3A_487 = tpu.vector_load %arg17[%get3A_485, %get3A_486] {strides = array<i32>} : memref<64x128xf32, #tpu.memory_space<vmem>>, vector<1x16xf32>,
      %get3A_488 = vector.shape_cast %get3A_487 : vector<1x16xf32> to vector<16xf32>
      %mul3A_489 = arith.mulf %get3A_484, %get3A_488 : vector<16xf32>
      %get3A_490 = arith.constant 112 : index
      %get3A_491 = tpu.vector_load %arg12[%get3A_490] {strides = array<i32>} : memref<144xf32, #tpu.memory_space<vmem>>, vector<16xf32>,
      %get3A_492 = vector.shape_cast %get3A_491 : vector<16xf32> to vector<16xf32>
      %mul3A_493 = arith.mulf %mul3A_489, %get3A_492 : vector<16xf32>
      %add3A_494 = arith.addf %add3A_480, %mul3A_493 : vector<16xf32>
      %swap3A = arith.index_cast %scan3A_384 : i32 to index
      %swap3A_495 = arith.constant 0 : index
      %swap3A_496 = tpu.vector_load %arg20[%swap3A, %swap3A_495] {strides = array<i32>} : memref<64x16xf32, #tpu.memory_space<vmem>>, vector<1x16xf32>,
      %swap3A_497 = vector.shape_cast %swap3A_496 : vector<1x16xf32> to vector<16xf32>
      %swap3A_498 = vector.shape_cast %add3A_494 : vector<16xf32> to vector<1x16xf32>
      tpu.vector_store %arg20[%swap3A, %swap3A_495], %swap3A_498 {strides = array<i32>} : memref<64x16xf32, #tpu.memory_space<vmem>>, vector<1x16xf32>,
    }
    %scan3A_301 = arith.constant 64 : i32
    %dma_start3A_302 = arith.constant 0 : i32
    %dma_start3A_303 = tpu.memref_slice %arg11[%add3A_267, %dma_start3A_302] : memref<10240x16xf32, #tpu.memory_space<hbm>> -> memref<64x16xf32, #tpu.memory_space<hbm>>
    %dma_start3A_304 = arith.constant 0 : i32
    %dma_start3A_305 = tpu.memref_slice %arg11[%add3A_267, %dma_start3A_304] : memref<10240x16xf32, #tpu.memory_space<hbm>> -> memref<64x16xf32, #tpu.memory_space<hbm>>
    tpu.enqueue_dma source(%arg20 : memref<64x16xf32, #tpu.memory_space<vmem>>) target(%dma_start3A_305 : memref<64x16xf32, #tpu.memory_space<hbm>>) target_semaphore(%arg22 : memref<!tpu.dma_semaphore, #tpu.memory_space<semaphore_mem>>)
    %mul3A_306 = arith.constant 320 : i32
    %mul3A_307 = arith.muli %add3A, %mul3A_306 : i32
    %add3A_308 = arith.constant 256 : i32
    %add3A_309 = arith.addi %mul3A_307, %add3A_308 : i32
    %dma_wait3A_310 = arith.constant 256 : i32
    %dma_wait3A_311 = tpu.memref_slice %arg13[%dma_wait3A_310] : memref<320xi32, #tpu.memory_space<vmem>> -> memref<64xi32, #tpu.memory_space<vmem>>
    %dma_wait3A_312 = arith.constant 0 : i32
    %dma_wait3A_313 = arith.constant 0 : i32
    %dma_wait3A_314 = tpu.memref_slice %arg4[%dma_wait3A_312, %dma_wait3A_313] : memref<100000x128xf32, #tpu.memory_space<hbm>> -> memref<100000x128xf32, #tpu.memory_space<hbm>>
    tpu.wait_indirect_dma semaphore(%arg28 : memref<!tpu.dma_semaphore, #tpu.memory_space<semaphore_mem>>) src(%dma_wait3A_314 : memref<100000x128xf32, #tpu.memory_space<hbm>>) dst(%arg23 : memref<64x128xf32, #tpu.memory_space<vmem>>)
    %dma_wait3A_315 = arith.constant 256 : i32
    %dma_wait3A_316 = tpu.memref_slice %arg14[%dma_wait3A_315] : memref<320xi32, #tpu.memory_space<vmem>> -> memref<64xi32, #tpu.memory_space<vmem>>
    %dma_wait3A_317 = arith.constant 0 : i32
    %dma_wait3A_318 = arith.constant 0 : i32
    %dma_wait3A_319 = tpu.memref_slice %arg5[%dma_wait3A_317, %dma_wait3A_318] : memref<100000x128xf32, #tpu.memory_space<hbm>> -> memref<100000x128xf32, #tpu.memory_space<hbm>>
    tpu.wait_indirect_dma semaphore(%arg28 : memref<!tpu.dma_semaphore, #tpu.memory_space<semaphore_mem>>) src(%dma_wait3A_319 : memref<100000x128xf32, #tpu.memory_space<hbm>>) dst(%arg24 : memref<64x128xf32, #tpu.memory_space<vmem>>)
    %dma_wait3A_320 = arith.constant 256 : i32
    %dma_wait3A_321 = tpu.memref_slice %arg13[%dma_wait3A_320] : memref<320xi32, #tpu.memory_space<vmem>> -> memref<64xi32, #tpu.memory_space<vmem>>
    %dma_wait3A_322 = arith.constant 0 : i32
    %dma_wait3A_323 = arith.constant 0 : i32
    %dma_wait3A_324 = tpu.memref_slice %arg6[%dma_wait3A_322, %dma_wait3A_323] : memref<100000x128xf32, #tpu.memory_space<hbm>> -> memref<100000x128xf32, #tpu.memory_space<hbm>>
    tpu.wait_indirect_dma semaphore(%arg28 : memref<!tpu.dma_semaphore, #tpu.memory_space<semaphore_mem>>) src(%dma_wait3A_324 : memref<100000x128xf32, #tpu.memory_space<hbm>>) dst(%arg25 : memref<64x128xf32, #tpu.memory_space<vmem>>)
    %dma_wait3A_325 = arith.constant 256 : i32
    %dma_wait3A_326 = tpu.memref_slice %arg14[%dma_wait3A_325] : memref<320xi32, #tpu.memory_space<vmem>> -> memref<64xi32, #tpu.memory_space<vmem>>
    %dma_wait3A_327 = arith.constant 0 : i32
    %dma_wait3A_328 = arith.constant 0 : i32
    %dma_wait3A_329 = tpu.memref_slice %arg7[%dma_wait3A_327, %dma_wait3A_328] : memref<100000x128xf32, #tpu.memory_space<hbm>> -> memref<100000x128xf32, #tpu.memory_space<hbm>>
    tpu.wait_indirect_dma semaphore(%arg28 : memref<!tpu.dma_semaphore, #tpu.memory_space<semaphore_mem>>) src(%dma_wait3A_329 : memref<100000x128xf32, #tpu.memory_space<hbm>>) dst(%arg26 : memref<64x128xf32, #tpu.memory_space<vmem>>)
    %dma_start3A_330 = arith.constant 0 : i32
    %dma_start3A_331 = tpu.memref_slice %arg9[%add3A_309, %dma_start3A_330] : memref<10240x128xf32, #tpu.memory_space<hbm>> -> memref<64x128xf32, #tpu.memory_space<hbm>>
    %dma_start3A_332 = arith.constant 0 : i32
    %dma_start3A_333 = tpu.memref_slice %arg9[%add3A_309, %dma_start3A_332] : memref<10240x128xf32, #tpu.memory_space<hbm>> -> memref<64x128xf32, #tpu.memory_space<hbm>>
    tpu.enqueue_dma source(%arg25 : memref<64x128xf32, #tpu.memory_space<vmem>>) target(%dma_start3A_333 : memref<64x128xf32, #tpu.memory_space<hbm>>) target_semaphore(%arg29 : memref<!tpu.dma_semaphore, #tpu.memory_space<semaphore_mem>>)
    %dma_start3A_334 = arith.constant 0 : i32
    %dma_start3A_335 = tpu.memref_slice %arg10[%add3A_309, %dma_start3A_334] : memref<10240x128xf32, #tpu.memory_space<hbm>> -> memref<64x128xf32, #tpu.memory_space<hbm>>
    %dma_start3A_336 = arith.constant 0 : i32
    %dma_start3A_337 = tpu.memref_slice %arg10[%add3A_309, %dma_start3A_336] : memref<10240x128xf32, #tpu.memory_space<hbm>> -> memref<64x128xf32, #tpu.memory_space<hbm>>
    tpu.enqueue_dma source(%arg26 : memref<64x128xf32, #tpu.memory_space<vmem>>) target(%dma_start3A_337 : memref<64x128xf32, #tpu.memory_space<hbm>>) target_semaphore(%arg29 : memref<!tpu.dma_semaphore, #tpu.memory_space<semaphore_mem>>)
    %scan3A_338 = arith.constant 0 : i32
    %scan3A_339 = arith.constant 0 : i32
    %scan3A_340 = arith.constant 64 : i32
    %scan3A_341 = arith.addi %scan3A_339, %scan3A_340 : i32
    %scan3A_342 = arith.constant 1 : i32
    scf.for %scan3A_384 = %scan3A_339 to %scan3A_341 step %scan3A_342  : i32 {
      %get3A = arith.index_cast %scan3A_384 : i32 to index
      %get3A_385 = arith.constant 0 : index
      %get3A_386 = tpu.vector_load %arg23[%get3A, %get3A_385] {strides = array<i32>} : memref<64x128xf32, #tpu.memory_space<vmem>>, vector<1x16xf32>,
      %get3A_387 = vector.shape_cast %get3A_386 : vector<1x16xf32> to vector<16xf32>
      %get3A_388 = arith.index_cast %scan3A_384 : i32 to index
      %get3A_389 = arith.constant 0 : index
      %get3A_390 = tpu.vector_load %arg24[%get3A_388, %get3A_389] {strides = array<i32>} : memref<64x128xf32, #tpu.memory_space<vmem>>, vector<1x16xf32>,
      %get3A_391 = vector.shape_cast %get3A_390 : vector<1x16xf32> to vector<16xf32>
      %mul3A_392 = arith.mulf %get3A_387, %get3A_391 : vector<16xf32>
      %get3A_393 = arith.constant 0 : index
      %get3A_394 = tpu.vector_load %arg12[%get3A_393] {strides = array<i32>} : memref<144xf32, #tpu.memory_space<vmem>>, vector<16xf32>,
      %get3A_395 = vector.shape_cast %get3A_394 : vector<16xf32> to vector<16xf32>
      %mul3A_396 = arith.mulf %mul3A_392, %get3A_395 : vector<16xf32>
      %get3A_397 = arith.index_cast %scan3A_384 : i32 to index
      %get3A_398 = arith.constant 16 : index
      %get3A_399 = tpu.vector_load %arg23[%get3A_397, %get3A_398] {strides = array<i32>} : memref<64x128xf32, #tpu.memory_space<vmem>>, vector<1x16xf32>,
      %get3A_400 = vector.shape_cast %get3A_399 : vector<1x16xf32> to vector<16xf32>
      %get3A_401 = arith.index_cast %scan3A_384 : i32 to index
      %get3A_402 = arith.constant 16 : index
      %get3A_403 = tpu.vector_load %arg24[%get3A_401, %get3A_402] {strides = array<i32>} : memref<64x128xf32, #tpu.memory_space<vmem>>, vector<1x16xf32>,
      %get3A_404 = vector.shape_cast %get3A_403 : vector<1x16xf32> to vector<16xf32>
      %mul3A_405 = arith.mulf %get3A_400, %get3A_404 : vector<16xf32>
      %get3A_406 = arith.constant 16 : index
      %get3A_407 = tpu.vector_load %arg12[%get3A_406] {strides = array<i32>} : memref<144xf32, #tpu.memory_space<vmem>>, vector<16xf32>,
      %get3A_408 = vector.shape_cast %get3A_407 : vector<16xf32> to vector<16xf32>
      %mul3A_409 = arith.mulf %mul3A_405, %get3A_408 : vector<16xf32>
      %add3A_410 = arith.addf %mul3A_396, %mul3A_409 : vector<16xf32>
      %get3A_411 = arith.index_cast %scan3A_384 : i32 to index
      %get3A_412 = arith.constant 32 : index
      %get3A_413 = tpu.vector_load %arg23[%get3A_411, %get3A_412] {strides = array<i32>} : memref<64x128xf32, #tpu.memory_space<vmem>>, vector<1x16xf32>,
      %get3A_414 = vector.shape_cast %get3A_413 : vector<1x16xf32> to vector<16xf32>
      %get3A_415 = arith.index_cast %scan3A_384 : i32 to index
      %get3A_416 = arith.constant 32 : index
      %get3A_417 = tpu.vector_load %arg24[%get3A_415, %get3A_416] {strides = array<i32>} : memref<64x128xf32, #tpu.memory_space<vmem>>, vector<1x16xf32>,
      %get3A_418 = vector.shape_cast %get3A_417 : vector<1x16xf32> to vector<16xf32>
      %mul3A_419 = arith.mulf %get3A_414, %get3A_418 : vector<16xf32>
      %get3A_420 = arith.constant 32 : index
      %get3A_421 = tpu.vector_load %arg12[%get3A_420] {strides = array<i32>} : memref<144xf32, #tpu.memory_space<vmem>>, vector<16xf32>,
      %get3A_422 = vector.shape_cast %get3A_421 : vector<16xf32> to vector<16xf32>
      %mul3A_423 = arith.mulf %mul3A_419, %get3A_422 : vector<16xf32>
      %add3A_424 = arith.addf %add3A_410, %mul3A_423 : vector<16xf32>
      %get3A_425 = arith.index_cast %scan3A_384 : i32 to index
      %get3A_426 = arith.constant 48 : index
      %get3A_427 = tpu.vector_load %arg23[%get3A_425, %get3A_426] {strides = array<i32>} : memref<64x128xf32, #tpu.memory_space<vmem>>, vector<1x16xf32>,
      %get3A_428 = vector.shape_cast %get3A_427 : vector<1x16xf32> to vector<16xf32>
      %get3A_429 = arith.index_cast %scan3A_384 : i32 to index
      %get3A_430 = arith.constant 48 : index
      %get3A_431 = tpu.vector_load %arg24[%get3A_429, %get3A_430] {strides = array<i32>} : memref<64x128xf32, #tpu.memory_space<vmem>>, vector<1x16xf32>,
      %get3A_432 = vector.shape_cast %get3A_431 : vector<1x16xf32> to vector<16xf32>
      %mul3A_433 = arith.mulf %get3A_428, %get3A_432 : vector<16xf32>
      %get3A_434 = arith.constant 48 : index
      %get3A_435 = tpu.vector_load %arg12[%get3A_434] {strides = array<i32>} : memref<144xf32, #tpu.memory_space<vmem>>, vector<16xf32>,
      %get3A_436 = vector.shape_cast %get3A_435 : vector<16xf32> to vector<16xf32>
      %mul3A_437 = arith.mulf %mul3A_433, %get3A_436 : vector<16xf32>
      %add3A_438 = arith.addf %add3A_424, %mul3A_437 : vector<16xf32>
      %get3A_439 = arith.index_cast %scan3A_384 : i32 to index
      %get3A_440 = arith.constant 64 : index
      %get3A_441 = tpu.vector_load %arg23[%get3A_439, %get3A_440] {strides = array<i32>} : memref<64x128xf32, #tpu.memory_space<vmem>>, vector<1x16xf32>,
      %get3A_442 = vector.shape_cast %get3A_441 : vector<1x16xf32> to vector<16xf32>
      %get3A_443 = arith.index_cast %scan3A_384 : i32 to index
      %get3A_444 = arith.constant 64 : index
      %get3A_445 = tpu.vector_load %arg24[%get3A_443, %get3A_444] {strides = array<i32>} : memref<64x128xf32, #tpu.memory_space<vmem>>, vector<1x16xf32>,
      %get3A_446 = vector.shape_cast %get3A_445 : vector<1x16xf32> to vector<16xf32>
      %mul3A_447 = arith.mulf %get3A_442, %get3A_446 : vector<16xf32>
      %get3A_448 = arith.constant 64 : index
      %get3A_449 = tpu.vector_load %arg12[%get3A_448] {strides = array<i32>} : memref<144xf32, #tpu.memory_space<vmem>>, vector<16xf32>,
      %get3A_450 = vector.shape_cast %get3A_449 : vector<16xf32> to vector<16xf32>
      %mul3A_451 = arith.mulf %mul3A_447, %get3A_450 : vector<16xf32>
      %add3A_452 = arith.addf %add3A_438, %mul3A_451 : vector<16xf32>
      %get3A_453 = arith.index_cast %scan3A_384 : i32 to index
      %get3A_454 = arith.constant 80 : index
      %get3A_455 = tpu.vector_load %arg23[%get3A_453, %get3A_454] {strides = array<i32>} : memref<64x128xf32, #tpu.memory_space<vmem>>, vector<1x16xf32>,
      %get3A_456 = vector.shape_cast %get3A_455 : vector<1x16xf32> to vector<16xf32>
      %get3A_457 = arith.index_cast %scan3A_384 : i32 to index
      %get3A_458 = arith.constant 80 : index
      %get3A_459 = tpu.vector_load %arg24[%get3A_457, %get3A_458] {strides = array<i32>} : memref<64x128xf32, #tpu.memory_space<vmem>>, vector<1x16xf32>,
      %get3A_460 = vector.shape_cast %get3A_459 : vector<1x16xf32> to vector<16xf32>
      %mul3A_461 = arith.mulf %get3A_456, %get3A_460 : vector<16xf32>
      %get3A_462 = arith.constant 80 : index
      %get3A_463 = tpu.vector_load %arg12[%get3A_462] {strides = array<i32>} : memref<144xf32, #tpu.memory_space<vmem>>, vector<16xf32>,
      %get3A_464 = vector.shape_cast %get3A_463 : vector<16xf32> to vector<16xf32>
      %mul3A_465 = arith.mulf %mul3A_461, %get3A_464 : vector<16xf32>
      %add3A_466 = arith.addf %add3A_452, %mul3A_465 : vector<16xf32>
      %get3A_467 = arith.index_cast %scan3A_384 : i32 to index
      %get3A_468 = arith.constant 96 : index
      %get3A_469 = tpu.vector_load %arg23[%get3A_467, %get3A_468] {strides = array<i32>} : memref<64x128xf32, #tpu.memory_space<vmem>>, vector<1x16xf32>,
      %get3A_470 = vector.shape_cast %get3A_469 : vector<1x16xf32> to vector<16xf32>
      %get3A_471 = arith.index_cast %scan3A_384 : i32 to index
      %get3A_472 = arith.constant 96 : index
      %get3A_473 = tpu.vector_load %arg24[%get3A_471, %get3A_472] {strides = array<i32>} : memref<64x128xf32, #tpu.memory_space<vmem>>, vector<1x16xf32>,
      %get3A_474 = vector.shape_cast %get3A_473 : vector<1x16xf32> to vector<16xf32>
      %mul3A_475 = arith.mulf %get3A_470, %get3A_474 : vector<16xf32>
      %get3A_476 = arith.constant 96 : index
      %get3A_477 = tpu.vector_load %arg12[%get3A_476] {strides = array<i32>} : memref<144xf32, #tpu.memory_space<vmem>>, vector<16xf32>,
      %get3A_478 = vector.shape_cast %get3A_477 : vector<16xf32> to vector<16xf32>
      %mul3A_479 = arith.mulf %mul3A_475, %get3A_478 : vector<16xf32>
      %add3A_480 = arith.addf %add3A_466, %mul3A_479 : vector<16xf32>
      %get3A_481 = arith.index_cast %scan3A_384 : i32 to index
      %get3A_482 = arith.constant 112 : index
      %get3A_483 = tpu.vector_load %arg23[%get3A_481, %get3A_482] {strides = array<i32>} : memref<64x128xf32, #tpu.memory_space<vmem>>, vector<1x16xf32>,
      %get3A_484 = vector.shape_cast %get3A_483 : vector<1x16xf32> to vector<16xf32>
      %get3A_485 = arith.index_cast %scan3A_384 : i32 to index
      %get3A_486 = arith.constant 112 : index
      %get3A_487 = tpu.vector_load %arg24[%get3A_485, %get3A_486] {strides = array<i32>} : memref<64x128xf32, #tpu.memory_space<vmem>>, vector<1x16xf32>,
      %get3A_488 = vector.shape_cast %get3A_487 : vector<1x16xf32> to vector<16xf32>
      %mul3A_489 = arith.mulf %get3A_484, %get3A_488 : vector<16xf32>
      %get3A_490 = arith.constant 112 : index
      %get3A_491 = tpu.vector_load %arg12[%get3A_490] {strides = array<i32>} : memref<144xf32, #tpu.memory_space<vmem>>, vector<16xf32>,
      %get3A_492 = vector.shape_cast %get3A_491 : vector<16xf32> to vector<16xf32>
      %mul3A_493 = arith.mulf %mul3A_489, %get3A_492 : vector<16xf32>
      %add3A_494 = arith.addf %add3A_480, %mul3A_493 : vector<16xf32>
      %swap3A = arith.index_cast %scan3A_384 : i32 to index
      %swap3A_495 = arith.constant 0 : index
      %swap3A_496 = tpu.vector_load %arg27[%swap3A, %swap3A_495] {strides = array<i32>} : memref<64x16xf32, #tpu.memory_space<vmem>>, vector<1x16xf32>,
      %swap3A_497 = vector.shape_cast %swap3A_496 : vector<1x16xf32> to vector<16xf32>
      %swap3A_498 = vector.shape_cast %add3A_494 : vector<16xf32> to vector<1x16xf32>
      tpu.vector_store %arg27[%swap3A, %swap3A_495], %swap3A_498 {strides = array<i32>} : memref<64x16xf32, #tpu.memory_space<vmem>>, vector<1x16xf32>,
    }
    %scan3A_343 = arith.constant 64 : i32
    %dma_start3A_344 = arith.constant 0 : i32
    %dma_start3A_345 = tpu.memref_slice %arg11[%add3A_309, %dma_start3A_344] : memref<10240x16xf32, #tpu.memory_space<hbm>> -> memref<64x16xf32, #tpu.memory_space<hbm>>
    %dma_start3A_346 = arith.constant 0 : i32
    %dma_start3A_347 = tpu.memref_slice %arg11[%add3A_309, %dma_start3A_346] : memref<10240x16xf32, #tpu.memory_space<hbm>> -> memref<64x16xf32, #tpu.memory_space<hbm>>
    tpu.enqueue_dma source(%arg27 : memref<64x16xf32, #tpu.memory_space<vmem>>) target(%dma_start3A_347 : memref<64x16xf32, #tpu.memory_space<hbm>>) target_semaphore(%arg29 : memref<!tpu.dma_semaphore, #tpu.memory_space<semaphore_mem>>)
    %dma_wait3A_348 = arith.constant 0 : i32
    %dma_wait3A_349 = tpu.memref_slice %arg9[%add3A_225, %dma_wait3A_348] : memref<10240x128xf32, #tpu.memory_space<hbm>> -> memref<64x128xf32, #tpu.memory_space<hbm>>
    %dma_wait3A_350 = arith.constant 0 : i32
    %dma_wait3A_351 = tpu.memref_slice %arg9[%add3A_225, %dma_wait3A_350] : memref<10240x128xf32, #tpu.memory_space<hbm>> -> memref<64x128xf32, #tpu.memory_space<hbm>>
    tpu.wait_dma2 semaphore(%arg36 : memref<!tpu.dma_semaphore, #tpu.memory_space<semaphore_mem>>) src(%arg32 : memref<64x128xf32, #tpu.memory_space<vmem>>) dst(%dma_wait3A_351 : memref<64x128xf32, #tpu.memory_space<hbm>>)
    %dma_wait3A_352 = arith.constant 0 : i32
    %dma_wait3A_353 = tpu.memref_slice %arg10[%add3A_225, %dma_wait3A_352] : memref<10240x128xf32, #tpu.memory_space<hbm>> -> memref<64x128xf32, #tpu.memory_space<hbm>>
    %dma_wait3A_354 = arith.constant 0 : i32
    %dma_wait3A_355 = tpu.memref_slice %arg10[%add3A_225, %dma_wait3A_354] : memref<10240x128xf32, #tpu.memory_space<hbm>> -> memref<64x128xf32, #tpu.memory_space<hbm>>
    tpu.wait_dma2 semaphore(%arg36 : memref<!tpu.dma_semaphore, #tpu.memory_space<semaphore_mem>>) src(%arg33 : memref<64x128xf32, #tpu.memory_space<vmem>>) dst(%dma_wait3A_355 : memref<64x128xf32, #tpu.memory_space<hbm>>)
    %dma_wait3A_356 = arith.constant 0 : i32
    %dma_wait3A_357 = tpu.memref_slice %arg11[%add3A_225, %dma_wait3A_356] : memref<10240x16xf32, #tpu.memory_space<hbm>> -> memref<64x16xf32, #tpu.memory_space<hbm>>
    %dma_wait3A_358 = arith.constant 0 : i32
    %dma_wait3A_359 = tpu.memref_slice %arg11[%add3A_225, %dma_wait3A_358] : memref<10240x16xf32, #tpu.memory_space<hbm>> -> memref<64x16xf32, #tpu.memory_space<hbm>>
    tpu.wait_dma2 semaphore(%arg36 : memref<!tpu.dma_semaphore, #tpu.memory_space<semaphore_mem>>) src(%arg34 : memref<64x16xf32, #tpu.memory_space<vmem>>) dst(%dma_wait3A_359 : memref<64x16xf32, #tpu.memory_space<hbm>>)
    %dma_wait3A_360 = arith.constant 0 : i32
    %dma_wait3A_361 = tpu.memref_slice %arg9[%add3A_267, %dma_wait3A_360] : memref<10240x128xf32, #tpu.memory_space<hbm>> -> memref<64x128xf32, #tpu.memory_space<hbm>>
    %dma_wait3A_362 = arith.constant 0 : i32
    %dma_wait3A_363 = tpu.memref_slice %arg9[%add3A_267, %dma_wait3A_362] : memref<10240x128xf32, #tpu.memory_space<hbm>> -> memref<64x128xf32, #tpu.memory_space<hbm>>
    tpu.wait_dma2 semaphore(%arg22 : memref<!tpu.dma_semaphore, #tpu.memory_space<semaphore_mem>>) src(%arg18 : memref<64x128xf32, #tpu.memory_space<vmem>>) dst(%dma_wait3A_363 : memref<64x128xf32, #tpu.memory_space<hbm>>)
    %dma_wait3A_364 = arith.constant 0 : i32
    %dma_wait3A_365 = tpu.memref_slice %arg10[%add3A_267, %dma_wait3A_364] : memref<10240x128xf32, #tpu.memory_space<hbm>> -> memref<64x128xf32, #tpu.memory_space<hbm>>
    %dma_wait3A_366 = arith.constant 0 : i32
    %dma_wait3A_367 = tpu.memref_slice %arg10[%add3A_267, %dma_wait3A_366] : memref<10240x128xf32, #tpu.memory_space<hbm>> -> memref<64x128xf32, #tpu.memory_space<hbm>>
    tpu.wait_dma2 semaphore(%arg22 : memref<!tpu.dma_semaphore, #tpu.memory_space<semaphore_mem>>) src(%arg19 : memref<64x128xf32, #tpu.memory_space<vmem>>) dst(%dma_wait3A_367 : memref<64x128xf32, #tpu.memory_space<hbm>>)
    %dma_wait3A_368 = arith.constant 0 : i32
    %dma_wait3A_369 = tpu.memref_slice %arg11[%add3A_267, %dma_wait3A_368] : memref<10240x16xf32, #tpu.memory_space<hbm>> -> memref<64x16xf32, #tpu.memory_space<hbm>>
    %dma_wait3A_370 = arith.constant 0 : i32
    %dma_wait3A_371 = tpu.memref_slice %arg11[%add3A_267, %dma_wait3A_370] : memref<10240x16xf32, #tpu.memory_space<hbm>> -> memref<64x16xf32, #tpu.memory_space<hbm>>
    tpu.wait_dma2 semaphore(%arg22 : memref<!tpu.dma_semaphore, #tpu.memory_space<semaphore_mem>>) src(%arg20 : memref<64x16xf32, #tpu.memory_space<vmem>>) dst(%dma_wait3A_371 : memref<64x16xf32, #tpu.memory_space<hbm>>)
    %dma_wait3A_372 = arith.constant 0 : i32
    %dma_wait3A_373 = tpu.memref_slice %arg9[%add3A_309, %dma_wait3A_372] : memref<10240x128xf32, #tpu.memory_space<hbm>> -> memref<64x128xf32, #tpu.memory_space<hbm>>
    %dma_wait3A_374 = arith.constant 0 : i32
    %dma_wait3A_375 = tpu.memref_slice %arg9[%add3A_309, %dma_wait3A_374] : memref<10240x128xf32, #tpu.memory_space<hbm>> -> memref<64x128xf32, #tpu.memory_space<hbm>>
    tpu.wait_dma2 semaphore(%arg29 : memref<!tpu.dma_semaphore, #tpu.memory_space<semaphore_mem>>) src(%arg25 : memref<64x128xf32, #tpu.memory_space<vmem>>) dst(%dma_wait3A_375 : memref<64x128xf32, #tpu.memory_space<hbm>>)
    %dma_wait3A_376 = arith.constant 0 : i32
    %dma_wait3A_377 = tpu.memref_slice %arg10[%add3A_309, %dma_wait3A_376] : memref<10240x128xf32, #tpu.memory_space<hbm>> -> memref<64x128xf32, #tpu.memory_space<hbm>>
    %dma_wait3A_378 = arith.constant 0 : i32
    %dma_wait3A_379 = tpu.memref_slice %arg10[%add3A_309, %dma_wait3A_378] : memref<10240x128xf32, #tpu.memory_space<hbm>> -> memref<64x128xf32, #tpu.memory_space<hbm>>
    tpu.wait_dma2 semaphore(%arg29 : memref<!tpu.dma_semaphore, #tpu.memory_space<semaphore_mem>>) src(%arg26 : memref<64x128xf32, #tpu.memory_space<vmem>>) dst(%dma_wait3A_379 : memref<64x128xf32, #tpu.memory_space<hbm>>)
    %dma_wait3A_380 = arith.constant 0 : i32
    %dma_wait3A_381 = tpu.memref_slice %arg11[%add3A_309, %dma_wait3A_380] : memref<10240x16xf32, #tpu.memory_space<hbm>> -> memref<64x16xf32, #tpu.memory_space<hbm>>
    %dma_wait3A_382 = arith.constant 0 : i32
    %dma_wait3A_383 = tpu.memref_slice %arg11[%add3A_309, %dma_wait3A_382] : memref<10240x16xf32, #tpu.memory_space<hbm>> -> memref<64x16xf32, #tpu.memory_space<hbm>>
    tpu.wait_dma2 semaphore(%arg29 : memref<!tpu.dma_semaphore, #tpu.memory_space<semaphore_mem>>) src(%arg27 : memref<64x16xf32, #tpu.memory_space<vmem>>) dst(%dma_wait3A_383 : memref<64x16xf32, #tpu.memory_space<hbm>>)
    return
  }
}

#map = affine_map<(d0, d1) -> (0)>
#map1 = affine_map<(d0, d1) -> (0, 0)>
module attributes {stable_mosaic.version = 14 : i64} {
  func.func @sc_gather(%arg0: i32, %arg1: i32, %arg2: memref<16384xi32, #tpu.memory_space<hbm>>, %arg3: memref<16384xi32, #tpu.memory_space<hbm>>, %arg4: memref<100000x128xf32, #tpu.memory_space<hbm>>, %arg5: memref<100000x128xf32, #tpu.memory_space<hbm>>, %arg6: memref<100000x128xf32, #tpu.memory_space<hbm>>, %arg7: memref<100000x128xf32, #tpu.memory_space<hbm>>, %arg8: memref<144xf32, #tpu.memory_space<hbm>>, %arg9: memref<6144x128xf32, #tpu.memory_space<hbm>>, %arg10: memref<6144x128xf32, #tpu.memory_space<hbm>>, %arg11: memref<6144x16xf32, #tpu.memory_space<hbm>>, %arg12: memref<144xf32, #tpu.memory_space<vmem>>, %arg13: memref<192xi32, #tpu.memory_space<vmem>>, %arg14: memref<192xi32, #tpu.memory_space<vmem>>, %arg15: memref<!tpu.dma_semaphore, #tpu.memory_space<semaphore_mem>>, %arg16: memref<64x128xf32, #tpu.memory_space<vmem>>, %arg17: memref<64x128xf32, #tpu.memory_space<vmem>>, %arg18: memref<64x128xf32, #tpu.memory_space<vmem>>, %arg19: memref<64x128xf32, #tpu.memory_space<vmem>>, %arg20: memref<64x16xf32, #tpu.memory_space<vmem>>, %arg21: memref<!tpu.dma_semaphore, #tpu.memory_space<semaphore_mem>>, %arg22: memref<!tpu.dma_semaphore, #tpu.memory_space<semaphore_mem>>, %arg23: memref<64x128xf32, #tpu.memory_space<vmem>>, %arg24: memref<64x128xf32, #tpu.memory_space<vmem>>, %arg25: memref<64x128xf32, #tpu.memory_space<vmem>>, %arg26: memref<64x128xf32, #tpu.memory_space<vmem>>, %arg27: memref<64x16xf32, #tpu.memory_space<vmem>>, %arg28: memref<!tpu.dma_semaphore, #tpu.memory_space<semaphore_mem>>, %arg29: memref<!tpu.dma_semaphore, #tpu.memory_space<semaphore_mem>>, %arg30: memref<64x128xf32, #tpu.memory_space<vmem>>, %arg31: memref<64x128xf32, #tpu.memory_space<vmem>>, %arg32: memref<64x128xf32, #tpu.memory_space<vmem>>, %arg33: memref<64x128xf32, #tpu.memory_space<vmem>>, %arg34: memref<64x16xf32, #tpu.memory_space<vmem>>, %arg35: memref<!tpu.dma_semaphore, #tpu.memory_space<semaphore_mem>>, %arg36: memref<!tpu.dma_semaphore, #tpu.memory_space<semaphore_mem>>) attributes {dimension_semantics = [#tpu.dimension_semantics<core_parallel>, #tpu.dimension_semantics<subcore_parallel>], iteration_bounds = array<i64: 2, 16>, scalar_prefetch = 0 : i64, scratch_operands = 25 : i64, tpu.core_type = #tpu.core_type<sc_vector_subcore>, window_params = [{transform_indices = #map}, {transform_indices = #map}, {transform_indices = #map1}, {transform_indices = #map1}, {transform_indices = #map1}, {transform_indices = #map1}, {transform_indices = #map}, {transform_indices = #map1}, {transform_indices = #map1}, {transform_indices = #map1}]} {
    %mul3A = arith.constant 2 : i32
    %mul3A_0 = arith.muli %arg1, %mul3A : i32
    %add3A = arith.addi %mul3A_0, %arg0 : i32
    %mul3A_1 = arith.constant 192 : i32
    %mul3A_2 = arith.muli %add3A, %mul3A_1 : i32
    %add3A_3 = arith.constant 10240 : i32
    %add3A_4 = arith.addi %add3A_3, %mul3A_2 : i32
    %dma_start3A = tpu.memref_slice %arg2[%add3A_4] : memref<16384xi32, #tpu.memory_space<hbm>> -> memref<192xi32, #tpu.memory_space<hbm>>
    %dma_start3A_5 = tpu.memref_slice %arg2[%add3A_4] : memref<16384xi32, #tpu.memory_space<hbm>> -> memref<192xi32, #tpu.memory_space<hbm>>
    tpu.enqueue_dma source(%dma_start3A_5 : memref<192xi32, #tpu.memory_space<hbm>>) target(%arg13 : memref<192xi32, #tpu.memory_space<vmem>>) target_semaphore(%arg15 : memref<!tpu.dma_semaphore, #tpu.memory_space<semaphore_mem>>)
    %mul3A_6 = arith.constant 192 : i32
    %mul3A_7 = arith.muli %add3A, %mul3A_6 : i32
    %add3A_8 = arith.constant 10240 : i32
    %add3A_9 = arith.addi %add3A_8, %mul3A_7 : i32
    %dma_start3A_10 = tpu.memref_slice %arg3[%add3A_9] : memref<16384xi32, #tpu.memory_space<hbm>> -> memref<192xi32, #tpu.memory_space<hbm>>
    %dma_start3A_11 = tpu.memref_slice %arg3[%add3A_9] : memref<16384xi32, #tpu.memory_space<hbm>> -> memref<192xi32, #tpu.memory_space<hbm>>
    tpu.enqueue_dma source(%dma_start3A_11 : memref<192xi32, #tpu.memory_space<hbm>>) target(%arg14 : memref<192xi32, #tpu.memory_space<vmem>>) target_semaphore(%arg15 : memref<!tpu.dma_semaphore, #tpu.memory_space<semaphore_mem>>)
    tpu.enqueue_dma source(%arg8 : memref<144xf32, #tpu.memory_space<hbm>>) target(%arg12 : memref<144xf32, #tpu.memory_space<vmem>>) target_semaphore(%arg15 : memref<!tpu.dma_semaphore, #tpu.memory_space<semaphore_mem>>)
    %dma_wait3A = tpu.memref_slice %arg2[%add3A_4] : memref<16384xi32, #tpu.memory_space<hbm>> -> memref<192xi32, #tpu.memory_space<hbm>>
    %dma_wait3A_12 = tpu.memref_slice %arg2[%add3A_4] : memref<16384xi32, #tpu.memory_space<hbm>> -> memref<192xi32, #tpu.memory_space<hbm>>
    tpu.wait_dma2 semaphore(%arg15 : memref<!tpu.dma_semaphore, #tpu.memory_space<semaphore_mem>>) src(%dma_wait3A_12 : memref<192xi32, #tpu.memory_space<hbm>>) dst(%arg13 : memref<192xi32, #tpu.memory_space<vmem>>)
    %dma_wait3A_13 = tpu.memref_slice %arg3[%add3A_9] : memref<16384xi32, #tpu.memory_space<hbm>> -> memref<192xi32, #tpu.memory_space<hbm>>
    %dma_wait3A_14 = tpu.memref_slice %arg3[%add3A_9] : memref<16384xi32, #tpu.memory_space<hbm>> -> memref<192xi32, #tpu.memory_space<hbm>>
    tpu.wait_dma2 semaphore(%arg15 : memref<!tpu.dma_semaphore, #tpu.memory_space<semaphore_mem>>) src(%dma_wait3A_14 : memref<192xi32, #tpu.memory_space<hbm>>) dst(%arg14 : memref<192xi32, #tpu.memory_space<vmem>>)
    %dma_start3A_15 = arith.constant 0 : i32
    %dma_start3A_16 = tpu.memref_slice %arg13[%dma_start3A_15] : memref<192xi32, #tpu.memory_space<vmem>> -> memref<64xi32, #tpu.memory_space<vmem>>
    %dma_start3A_17 = arith.constant 0 : i32
    %dma_start3A_18 = arith.constant 0 : i32
    %dma_start3A_19 = tpu.memref_slice %arg4[%dma_start3A_17, %dma_start3A_18] : memref<100000x128xf32, #tpu.memory_space<hbm>> -> memref<100000x128xf32, #tpu.memory_space<hbm>>
    tpu.enqueue_indirect_dma source(%dma_start3A_19 : memref<100000x128xf32, #tpu.memory_space<hbm>>) target(%arg16 : memref<64x128xf32, #tpu.memory_space<vmem>>) offsets(%dma_start3A_16 : memref<64xi32, #tpu.memory_space<vmem>>) semaphore(%arg21 : memref<!tpu.dma_semaphore, #tpu.memory_space<semaphore_mem>>)
    %dma_start3A_20 = arith.constant 0 : i32
    %dma_start3A_21 = tpu.memref_slice %arg14[%dma_start3A_20] : memref<192xi32, #tpu.memory_space<vmem>> -> memref<64xi32, #tpu.memory_space<vmem>>
    %dma_start3A_22 = arith.constant 0 : i32
    %dma_start3A_23 = arith.constant 0 : i32
    %dma_start3A_24 = tpu.memref_slice %arg5[%dma_start3A_22, %dma_start3A_23] : memref<100000x128xf32, #tpu.memory_space<hbm>> -> memref<100000x128xf32, #tpu.memory_space<hbm>>
    tpu.enqueue_indirect_dma source(%dma_start3A_24 : memref<100000x128xf32, #tpu.memory_space<hbm>>) target(%arg17 : memref<64x128xf32, #tpu.memory_space<vmem>>) offsets(%dma_start3A_21 : memref<64xi32, #tpu.memory_space<vmem>>) semaphore(%arg21 : memref<!tpu.dma_semaphore, #tpu.memory_space<semaphore_mem>>)
    %dma_start3A_25 = arith.constant 0 : i32
    %dma_start3A_26 = tpu.memref_slice %arg13[%dma_start3A_25] : memref<192xi32, #tpu.memory_space<vmem>> -> memref<64xi32, #tpu.memory_space<vmem>>
    %dma_start3A_27 = arith.constant 0 : i32
    %dma_start3A_28 = arith.constant 0 : i32
    %dma_start3A_29 = tpu.memref_slice %arg6[%dma_start3A_27, %dma_start3A_28] : memref<100000x128xf32, #tpu.memory_space<hbm>> -> memref<100000x128xf32, #tpu.memory_space<hbm>>
    tpu.enqueue_indirect_dma source(%dma_start3A_29 : memref<100000x128xf32, #tpu.memory_space<hbm>>) target(%arg18 : memref<64x128xf32, #tpu.memory_space<vmem>>) offsets(%dma_start3A_26 : memref<64xi32, #tpu.memory_space<vmem>>) semaphore(%arg21 : memref<!tpu.dma_semaphore, #tpu.memory_space<semaphore_mem>>)
    %dma_start3A_30 = arith.constant 0 : i32
    %dma_start3A_31 = tpu.memref_slice %arg14[%dma_start3A_30] : memref<192xi32, #tpu.memory_space<vmem>> -> memref<64xi32, #tpu.memory_space<vmem>>
    %dma_start3A_32 = arith.constant 0 : i32
    %dma_start3A_33 = arith.constant 0 : i32
    %dma_start3A_34 = tpu.memref_slice %arg7[%dma_start3A_32, %dma_start3A_33] : memref<100000x128xf32, #tpu.memory_space<hbm>> -> memref<100000x128xf32, #tpu.memory_space<hbm>>
    tpu.enqueue_indirect_dma source(%dma_start3A_34 : memref<100000x128xf32, #tpu.memory_space<hbm>>) target(%arg19 : memref<64x128xf32, #tpu.memory_space<vmem>>) offsets(%dma_start3A_31 : memref<64xi32, #tpu.memory_space<vmem>>) semaphore(%arg21 : memref<!tpu.dma_semaphore, #tpu.memory_space<semaphore_mem>>)
    %dma_start3A_35 = arith.constant 64 : i32
    %dma_start3A_36 = tpu.memref_slice %arg13[%dma_start3A_35] : memref<192xi32, #tpu.memory_space<vmem>> -> memref<64xi32, #tpu.memory_space<vmem>>
    %dma_start3A_37 = arith.constant 0 : i32
    %dma_start3A_38 = arith.constant 0 : i32
    %dma_start3A_39 = tpu.memref_slice %arg4[%dma_start3A_37, %dma_start3A_38] : memref<100000x128xf32, #tpu.memory_space<hbm>> -> memref<100000x128xf32, #tpu.memory_space<hbm>>
    tpu.enqueue_indirect_dma source(%dma_start3A_39 : memref<100000x128xf32, #tpu.memory_space<hbm>>) target(%arg23 : memref<64x128xf32, #tpu.memory_space<vmem>>) offsets(%dma_start3A_36 : memref<64xi32, #tpu.memory_space<vmem>>) semaphore(%arg28 : memref<!tpu.dma_semaphore, #tpu.memory_space<semaphore_mem>>)
    %dma_start3A_40 = arith.constant 64 : i32
    %dma_start3A_41 = tpu.memref_slice %arg14[%dma_start3A_40] : memref<192xi32, #tpu.memory_space<vmem>> -> memref<64xi32, #tpu.memory_space<vmem>>
    %dma_start3A_42 = arith.constant 0 : i32
    %dma_start3A_43 = arith.constant 0 : i32
    %dma_start3A_44 = tpu.memref_slice %arg5[%dma_start3A_42, %dma_start3A_43] : memref<100000x128xf32, #tpu.memory_space<hbm>> -> memref<100000x128xf32, #tpu.memory_space<hbm>>
    tpu.enqueue_indirect_dma source(%dma_start3A_44 : memref<100000x128xf32, #tpu.memory_space<hbm>>) target(%arg24 : memref<64x128xf32, #tpu.memory_space<vmem>>) offsets(%dma_start3A_41 : memref<64xi32, #tpu.memory_space<vmem>>) semaphore(%arg28 : memref<!tpu.dma_semaphore, #tpu.memory_space<semaphore_mem>>)
    %dma_start3A_45 = arith.constant 64 : i32
    %dma_start3A_46 = tpu.memref_slice %arg13[%dma_start3A_45] : memref<192xi32, #tpu.memory_space<vmem>> -> memref<64xi32, #tpu.memory_space<vmem>>
    %dma_start3A_47 = arith.constant 0 : i32
    %dma_start3A_48 = arith.constant 0 : i32
    %dma_start3A_49 = tpu.memref_slice %arg6[%dma_start3A_47, %dma_start3A_48] : memref<100000x128xf32, #tpu.memory_space<hbm>> -> memref<100000x128xf32, #tpu.memory_space<hbm>>
    tpu.enqueue_indirect_dma source(%dma_start3A_49 : memref<100000x128xf32, #tpu.memory_space<hbm>>) target(%arg25 : memref<64x128xf32, #tpu.memory_space<vmem>>) offsets(%dma_start3A_46 : memref<64xi32, #tpu.memory_space<vmem>>) semaphore(%arg28 : memref<!tpu.dma_semaphore, #tpu.memory_space<semaphore_mem>>)
    %dma_start3A_50 = arith.constant 64 : i32
    %dma_start3A_51 = tpu.memref_slice %arg14[%dma_start3A_50] : memref<192xi32, #tpu.memory_space<vmem>> -> memref<64xi32, #tpu.memory_space<vmem>>
    %dma_start3A_52 = arith.constant 0 : i32
    %dma_start3A_53 = arith.constant 0 : i32
    %dma_start3A_54 = tpu.memref_slice %arg7[%dma_start3A_52, %dma_start3A_53] : memref<100000x128xf32, #tpu.memory_space<hbm>> -> memref<100000x128xf32, #tpu.memory_space<hbm>>
    tpu.enqueue_indirect_dma source(%dma_start3A_54 : memref<100000x128xf32, #tpu.memory_space<hbm>>) target(%arg26 : memref<64x128xf32, #tpu.memory_space<vmem>>) offsets(%dma_start3A_51 : memref<64xi32, #tpu.memory_space<vmem>>) semaphore(%arg28 : memref<!tpu.dma_semaphore, #tpu.memory_space<semaphore_mem>>)
    %dma_start3A_55 = arith.constant 128 : i32
    %dma_start3A_56 = tpu.memref_slice %arg13[%dma_start3A_55] : memref<192xi32, #tpu.memory_space<vmem>> -> memref<64xi32, #tpu.memory_space<vmem>>
    %dma_start3A_57 = arith.constant 0 : i32
    %dma_start3A_58 = arith.constant 0 : i32
    %dma_start3A_59 = tpu.memref_slice %arg4[%dma_start3A_57, %dma_start3A_58] : memref<100000x128xf32, #tpu.memory_space<hbm>> -> memref<100000x128xf32, #tpu.memory_space<hbm>>
    tpu.enqueue_indirect_dma source(%dma_start3A_59 : memref<100000x128xf32, #tpu.memory_space<hbm>>) target(%arg30 : memref<64x128xf32, #tpu.memory_space<vmem>>) offsets(%dma_start3A_56 : memref<64xi32, #tpu.memory_space<vmem>>) semaphore(%arg35 : memref<!tpu.dma_semaphore, #tpu.memory_space<semaphore_mem>>)
    %dma_start3A_60 = arith.constant 128 : i32
    %dma_start3A_61 = tpu.memref_slice %arg14[%dma_start3A_60] : memref<192xi32, #tpu.memory_space<vmem>> -> memref<64xi32, #tpu.memory_space<vmem>>
    %dma_start3A_62 = arith.constant 0 : i32
    %dma_start3A_63 = arith.constant 0 : i32
    %dma_start3A_64 = tpu.memref_slice %arg5[%dma_start3A_62, %dma_start3A_63] : memref<100000x128xf32, #tpu.memory_space<hbm>> -> memref<100000x128xf32, #tpu.memory_space<hbm>>
    tpu.enqueue_indirect_dma source(%dma_start3A_64 : memref<100000x128xf32, #tpu.memory_space<hbm>>) target(%arg31 : memref<64x128xf32, #tpu.memory_space<vmem>>) offsets(%dma_start3A_61 : memref<64xi32, #tpu.memory_space<vmem>>) semaphore(%arg35 : memref<!tpu.dma_semaphore, #tpu.memory_space<semaphore_mem>>)
    %dma_start3A_65 = arith.constant 128 : i32
    %dma_start3A_66 = tpu.memref_slice %arg13[%dma_start3A_65] : memref<192xi32, #tpu.memory_space<vmem>> -> memref<64xi32, #tpu.memory_space<vmem>>
    %dma_start3A_67 = arith.constant 0 : i32
    %dma_start3A_68 = arith.constant 0 : i32
    %dma_start3A_69 = tpu.memref_slice %arg6[%dma_start3A_67, %dma_start3A_68] : memref<100000x128xf32, #tpu.memory_space<hbm>> -> memref<100000x128xf32, #tpu.memory_space<hbm>>
    tpu.enqueue_indirect_dma source(%dma_start3A_69 : memref<100000x128xf32, #tpu.memory_space<hbm>>) target(%arg32 : memref<64x128xf32, #tpu.memory_space<vmem>>) offsets(%dma_start3A_66 : memref<64xi32, #tpu.memory_space<vmem>>) semaphore(%arg35 : memref<!tpu.dma_semaphore, #tpu.memory_space<semaphore_mem>>)
    %dma_start3A_70 = arith.constant 128 : i32
    %dma_start3A_71 = tpu.memref_slice %arg14[%dma_start3A_70] : memref<192xi32, #tpu.memory_space<vmem>> -> memref<64xi32, #tpu.memory_space<vmem>>
    %dma_start3A_72 = arith.constant 0 : i32
    %dma_start3A_73 = arith.constant 0 : i32
    %dma_start3A_74 = tpu.memref_slice %arg7[%dma_start3A_72, %dma_start3A_73] : memref<100000x128xf32, #tpu.memory_space<hbm>> -> memref<100000x128xf32, #tpu.memory_space<hbm>>
    tpu.enqueue_indirect_dma source(%dma_start3A_74 : memref<100000x128xf32, #tpu.memory_space<hbm>>) target(%arg33 : memref<64x128xf32, #tpu.memory_space<vmem>>) offsets(%dma_start3A_71 : memref<64xi32, #tpu.memory_space<vmem>>) semaphore(%arg35 : memref<!tpu.dma_semaphore, #tpu.memory_space<semaphore_mem>>)
    tpu.wait_dma2 semaphore(%arg15 : memref<!tpu.dma_semaphore, #tpu.memory_space<semaphore_mem>>) src(%arg8 : memref<144xf32, #tpu.memory_space<hbm>>) dst(%arg12 : memref<144xf32, #tpu.memory_space<vmem>>)
    %mul3A_75 = arith.constant 192 : i32
    %mul3A_76 = arith.muli %add3A, %mul3A_75 : i32
    %add3A_77 = arith.constant 0 : i32
    %add3A_78 = arith.addi %mul3A_76, %add3A_77 : i32
    %dma_wait3A_79 = arith.constant 0 : i32
    %dma_wait3A_80 = tpu.memref_slice %arg13[%dma_wait3A_79] : memref<192xi32, #tpu.memory_space<vmem>> -> memref<64xi32, #tpu.memory_space<vmem>>
    %dma_wait3A_81 = arith.constant 0 : i32
    %dma_wait3A_82 = arith.constant 0 : i32
    %dma_wait3A_83 = tpu.memref_slice %arg4[%dma_wait3A_81, %dma_wait3A_82] : memref<100000x128xf32, #tpu.memory_space<hbm>> -> memref<100000x128xf32, #tpu.memory_space<hbm>>
    tpu.wait_indirect_dma semaphore(%arg21 : memref<!tpu.dma_semaphore, #tpu.memory_space<semaphore_mem>>) src(%dma_wait3A_83 : memref<100000x128xf32, #tpu.memory_space<hbm>>) dst(%arg16 : memref<64x128xf32, #tpu.memory_space<vmem>>)
    %dma_wait3A_84 = arith.constant 0 : i32
    %dma_wait3A_85 = tpu.memref_slice %arg14[%dma_wait3A_84] : memref<192xi32, #tpu.memory_space<vmem>> -> memref<64xi32, #tpu.memory_space<vmem>>
    %dma_wait3A_86 = arith.constant 0 : i32
    %dma_wait3A_87 = arith.constant 0 : i32
    %dma_wait3A_88 = tpu.memref_slice %arg5[%dma_wait3A_86, %dma_wait3A_87] : memref<100000x128xf32, #tpu.memory_space<hbm>> -> memref<100000x128xf32, #tpu.memory_space<hbm>>
    tpu.wait_indirect_dma semaphore(%arg21 : memref<!tpu.dma_semaphore, #tpu.memory_space<semaphore_mem>>) src(%dma_wait3A_88 : memref<100000x128xf32, #tpu.memory_space<hbm>>) dst(%arg17 : memref<64x128xf32, #tpu.memory_space<vmem>>)
    %dma_wait3A_89 = arith.constant 0 : i32
    %dma_wait3A_90 = tpu.memref_slice %arg13[%dma_wait3A_89] : memref<192xi32, #tpu.memory_space<vmem>> -> memref<64xi32, #tpu.memory_space<vmem>>
    %dma_wait3A_91 = arith.constant 0 : i32
    %dma_wait3A_92 = arith.constant 0 : i32
    %dma_wait3A_93 = tpu.memref_slice %arg6[%dma_wait3A_91, %dma_wait3A_92] : memref<100000x128xf32, #tpu.memory_space<hbm>> -> memref<100000x128xf32, #tpu.memory_space<hbm>>
    tpu.wait_indirect_dma semaphore(%arg21 : memref<!tpu.dma_semaphore, #tpu.memory_space<semaphore_mem>>) src(%dma_wait3A_93 : memref<100000x128xf32, #tpu.memory_space<hbm>>) dst(%arg18 : memref<64x128xf32, #tpu.memory_space<vmem>>)
    %dma_wait3A_94 = arith.constant 0 : i32
    %dma_wait3A_95 = tpu.memref_slice %arg14[%dma_wait3A_94] : memref<192xi32, #tpu.memory_space<vmem>> -> memref<64xi32, #tpu.memory_space<vmem>>
    %dma_wait3A_96 = arith.constant 0 : i32
    %dma_wait3A_97 = arith.constant 0 : i32
    %dma_wait3A_98 = tpu.memref_slice %arg7[%dma_wait3A_96, %dma_wait3A_97] : memref<100000x128xf32, #tpu.memory_space<hbm>> -> memref<100000x128xf32, #tpu.memory_space<hbm>>
    tpu.wait_indirect_dma semaphore(%arg21 : memref<!tpu.dma_semaphore, #tpu.memory_space<semaphore_mem>>) src(%dma_wait3A_98 : memref<100000x128xf32, #tpu.memory_space<hbm>>) dst(%arg19 : memref<64x128xf32, #tpu.memory_space<vmem>>)
    %dma_start3A_99 = arith.constant 0 : i32
    %dma_start3A_100 = tpu.memref_slice %arg9[%add3A_78, %dma_start3A_99] : memref<6144x128xf32, #tpu.memory_space<hbm>> -> memref<64x128xf32, #tpu.memory_space<hbm>>
    %dma_start3A_101 = arith.constant 0 : i32
    %dma_start3A_102 = tpu.memref_slice %arg9[%add3A_78, %dma_start3A_101] : memref<6144x128xf32, #tpu.memory_space<hbm>> -> memref<64x128xf32, #tpu.memory_space<hbm>>
    tpu.enqueue_dma source(%arg18 : memref<64x128xf32, #tpu.memory_space<vmem>>) target(%dma_start3A_102 : memref<64x128xf32, #tpu.memory_space<hbm>>) target_semaphore(%arg22 : memref<!tpu.dma_semaphore, #tpu.memory_space<semaphore_mem>>)
    %dma_start3A_103 = arith.constant 0 : i32
    %dma_start3A_104 = tpu.memref_slice %arg10[%add3A_78, %dma_start3A_103] : memref<6144x128xf32, #tpu.memory_space<hbm>> -> memref<64x128xf32, #tpu.memory_space<hbm>>
    %dma_start3A_105 = arith.constant 0 : i32
    %dma_start3A_106 = tpu.memref_slice %arg10[%add3A_78, %dma_start3A_105] : memref<6144x128xf32, #tpu.memory_space<hbm>> -> memref<64x128xf32, #tpu.memory_space<hbm>>
    tpu.enqueue_dma source(%arg19 : memref<64x128xf32, #tpu.memory_space<vmem>>) target(%dma_start3A_106 : memref<64x128xf32, #tpu.memory_space<hbm>>) target_semaphore(%arg22 : memref<!tpu.dma_semaphore, #tpu.memory_space<semaphore_mem>>)
    %scan3A = arith.constant 0 : i32
    %scan3A_107 = arith.constant 0 : i32
    %scan3A_108 = arith.constant 64 : i32
    %scan3A_109 = arith.addi %scan3A_107, %scan3A_108 : i32
    %scan3A_110 = arith.constant 1 : i32
    scf.for %scan3A_236 = %scan3A_107 to %scan3A_109 step %scan3A_110  : i32 {
      %get3A = arith.index_cast %scan3A_236 : i32 to index
      %get3A_237 = arith.constant 0 : index
      %get3A_238 = tpu.vector_load %arg16[%get3A, %get3A_237] {strides = array<i32>} : memref<64x128xf32, #tpu.memory_space<vmem>>, vector<1x16xf32>,
      %get3A_239 = vector.shape_cast %get3A_238 : vector<1x16xf32> to vector<16xf32>
      %get3A_240 = arith.index_cast %scan3A_236 : i32 to index
      %get3A_241 = arith.constant 0 : index
      %get3A_242 = tpu.vector_load %arg17[%get3A_240, %get3A_241] {strides = array<i32>} : memref<64x128xf32, #tpu.memory_space<vmem>>, vector<1x16xf32>,
      %get3A_243 = vector.shape_cast %get3A_242 : vector<1x16xf32> to vector<16xf32>
      %mul3A_244 = arith.mulf %get3A_239, %get3A_243 : vector<16xf32>
      %get3A_245 = arith.constant 0 : index
      %get3A_246 = tpu.vector_load %arg12[%get3A_245] {strides = array<i32>} : memref<144xf32, #tpu.memory_space<vmem>>, vector<16xf32>,
      %get3A_247 = vector.shape_cast %get3A_246 : vector<16xf32> to vector<16xf32>
      %mul3A_248 = arith.mulf %mul3A_244, %get3A_247 : vector<16xf32>
      %get3A_249 = arith.index_cast %scan3A_236 : i32 to index
      %get3A_250 = arith.constant 16 : index
      %get3A_251 = tpu.vector_load %arg16[%get3A_249, %get3A_250] {strides = array<i32>} : memref<64x128xf32, #tpu.memory_space<vmem>>, vector<1x16xf32>,
      %get3A_252 = vector.shape_cast %get3A_251 : vector<1x16xf32> to vector<16xf32>
      %get3A_253 = arith.index_cast %scan3A_236 : i32 to index
      %get3A_254 = arith.constant 16 : index
      %get3A_255 = tpu.vector_load %arg17[%get3A_253, %get3A_254] {strides = array<i32>} : memref<64x128xf32, #tpu.memory_space<vmem>>, vector<1x16xf32>,
      %get3A_256 = vector.shape_cast %get3A_255 : vector<1x16xf32> to vector<16xf32>
      %mul3A_257 = arith.mulf %get3A_252, %get3A_256 : vector<16xf32>
      %get3A_258 = arith.constant 16 : index
      %get3A_259 = tpu.vector_load %arg12[%get3A_258] {strides = array<i32>} : memref<144xf32, #tpu.memory_space<vmem>>, vector<16xf32>,
      %get3A_260 = vector.shape_cast %get3A_259 : vector<16xf32> to vector<16xf32>
      %mul3A_261 = arith.mulf %mul3A_257, %get3A_260 : vector<16xf32>
      %add3A_262 = arith.addf %mul3A_248, %mul3A_261 : vector<16xf32>
      %get3A_263 = arith.index_cast %scan3A_236 : i32 to index
      %get3A_264 = arith.constant 32 : index
      %get3A_265 = tpu.vector_load %arg16[%get3A_263, %get3A_264] {strides = array<i32>} : memref<64x128xf32, #tpu.memory_space<vmem>>, vector<1x16xf32>,
      %get3A_266 = vector.shape_cast %get3A_265 : vector<1x16xf32> to vector<16xf32>
      %get3A_267 = arith.index_cast %scan3A_236 : i32 to index
      %get3A_268 = arith.constant 32 : index
      %get3A_269 = tpu.vector_load %arg17[%get3A_267, %get3A_268] {strides = array<i32>} : memref<64x128xf32, #tpu.memory_space<vmem>>, vector<1x16xf32>,
      %get3A_270 = vector.shape_cast %get3A_269 : vector<1x16xf32> to vector<16xf32>
      %mul3A_271 = arith.mulf %get3A_266, %get3A_270 : vector<16xf32>
      %get3A_272 = arith.constant 32 : index
      %get3A_273 = tpu.vector_load %arg12[%get3A_272] {strides = array<i32>} : memref<144xf32, #tpu.memory_space<vmem>>, vector<16xf32>,
      %get3A_274 = vector.shape_cast %get3A_273 : vector<16xf32> to vector<16xf32>
      %mul3A_275 = arith.mulf %mul3A_271, %get3A_274 : vector<16xf32>
      %add3A_276 = arith.addf %add3A_262, %mul3A_275 : vector<16xf32>
      %get3A_277 = arith.index_cast %scan3A_236 : i32 to index
      %get3A_278 = arith.constant 48 : index
      %get3A_279 = tpu.vector_load %arg16[%get3A_277, %get3A_278] {strides = array<i32>} : memref<64x128xf32, #tpu.memory_space<vmem>>, vector<1x16xf32>,
      %get3A_280 = vector.shape_cast %get3A_279 : vector<1x16xf32> to vector<16xf32>
      %get3A_281 = arith.index_cast %scan3A_236 : i32 to index
      %get3A_282 = arith.constant 48 : index
      %get3A_283 = tpu.vector_load %arg17[%get3A_281, %get3A_282] {strides = array<i32>} : memref<64x128xf32, #tpu.memory_space<vmem>>, vector<1x16xf32>,
      %get3A_284 = vector.shape_cast %get3A_283 : vector<1x16xf32> to vector<16xf32>
      %mul3A_285 = arith.mulf %get3A_280, %get3A_284 : vector<16xf32>
      %get3A_286 = arith.constant 48 : index
      %get3A_287 = tpu.vector_load %arg12[%get3A_286] {strides = array<i32>} : memref<144xf32, #tpu.memory_space<vmem>>, vector<16xf32>,
      %get3A_288 = vector.shape_cast %get3A_287 : vector<16xf32> to vector<16xf32>
      %mul3A_289 = arith.mulf %mul3A_285, %get3A_288 : vector<16xf32>
      %add3A_290 = arith.addf %add3A_276, %mul3A_289 : vector<16xf32>
      %get3A_291 = arith.index_cast %scan3A_236 : i32 to index
      %get3A_292 = arith.constant 64 : index
      %get3A_293 = tpu.vector_load %arg16[%get3A_291, %get3A_292] {strides = array<i32>} : memref<64x128xf32, #tpu.memory_space<vmem>>, vector<1x16xf32>,
      %get3A_294 = vector.shape_cast %get3A_293 : vector<1x16xf32> to vector<16xf32>
      %get3A_295 = arith.index_cast %scan3A_236 : i32 to index
      %get3A_296 = arith.constant 64 : index
      %get3A_297 = tpu.vector_load %arg17[%get3A_295, %get3A_296] {strides = array<i32>} : memref<64x128xf32, #tpu.memory_space<vmem>>, vector<1x16xf32>,
      %get3A_298 = vector.shape_cast %get3A_297 : vector<1x16xf32> to vector<16xf32>
      %mul3A_299 = arith.mulf %get3A_294, %get3A_298 : vector<16xf32>
      %get3A_300 = arith.constant 64 : index
      %get3A_301 = tpu.vector_load %arg12[%get3A_300] {strides = array<i32>} : memref<144xf32, #tpu.memory_space<vmem>>, vector<16xf32>,
      %get3A_302 = vector.shape_cast %get3A_301 : vector<16xf32> to vector<16xf32>
      %mul3A_303 = arith.mulf %mul3A_299, %get3A_302 : vector<16xf32>
      %add3A_304 = arith.addf %add3A_290, %mul3A_303 : vector<16xf32>
      %get3A_305 = arith.index_cast %scan3A_236 : i32 to index
      %get3A_306 = arith.constant 80 : index
      %get3A_307 = tpu.vector_load %arg16[%get3A_305, %get3A_306] {strides = array<i32>} : memref<64x128xf32, #tpu.memory_space<vmem>>, vector<1x16xf32>,
      %get3A_308 = vector.shape_cast %get3A_307 : vector<1x16xf32> to vector<16xf32>
      %get3A_309 = arith.index_cast %scan3A_236 : i32 to index
      %get3A_310 = arith.constant 80 : index
      %get3A_311 = tpu.vector_load %arg17[%get3A_309, %get3A_310] {strides = array<i32>} : memref<64x128xf32, #tpu.memory_space<vmem>>, vector<1x16xf32>,
      %get3A_312 = vector.shape_cast %get3A_311 : vector<1x16xf32> to vector<16xf32>
      %mul3A_313 = arith.mulf %get3A_308, %get3A_312 : vector<16xf32>
      %get3A_314 = arith.constant 80 : index
      %get3A_315 = tpu.vector_load %arg12[%get3A_314] {strides = array<i32>} : memref<144xf32, #tpu.memory_space<vmem>>, vector<16xf32>,
      %get3A_316 = vector.shape_cast %get3A_315 : vector<16xf32> to vector<16xf32>
      %mul3A_317 = arith.mulf %mul3A_313, %get3A_316 : vector<16xf32>
      %add3A_318 = arith.addf %add3A_304, %mul3A_317 : vector<16xf32>
      %get3A_319 = arith.index_cast %scan3A_236 : i32 to index
      %get3A_320 = arith.constant 96 : index
      %get3A_321 = tpu.vector_load %arg16[%get3A_319, %get3A_320] {strides = array<i32>} : memref<64x128xf32, #tpu.memory_space<vmem>>, vector<1x16xf32>,
      %get3A_322 = vector.shape_cast %get3A_321 : vector<1x16xf32> to vector<16xf32>
      %get3A_323 = arith.index_cast %scan3A_236 : i32 to index
      %get3A_324 = arith.constant 96 : index
      %get3A_325 = tpu.vector_load %arg17[%get3A_323, %get3A_324] {strides = array<i32>} : memref<64x128xf32, #tpu.memory_space<vmem>>, vector<1x16xf32>,
      %get3A_326 = vector.shape_cast %get3A_325 : vector<1x16xf32> to vector<16xf32>
      %mul3A_327 = arith.mulf %get3A_322, %get3A_326 : vector<16xf32>
      %get3A_328 = arith.constant 96 : index
      %get3A_329 = tpu.vector_load %arg12[%get3A_328] {strides = array<i32>} : memref<144xf32, #tpu.memory_space<vmem>>, vector<16xf32>,
      %get3A_330 = vector.shape_cast %get3A_329 : vector<16xf32> to vector<16xf32>
      %mul3A_331 = arith.mulf %mul3A_327, %get3A_330 : vector<16xf32>
      %add3A_332 = arith.addf %add3A_318, %mul3A_331 : vector<16xf32>
      %get3A_333 = arith.index_cast %scan3A_236 : i32 to index
      %get3A_334 = arith.constant 112 : index
      %get3A_335 = tpu.vector_load %arg16[%get3A_333, %get3A_334] {strides = array<i32>} : memref<64x128xf32, #tpu.memory_space<vmem>>, vector<1x16xf32>,
      %get3A_336 = vector.shape_cast %get3A_335 : vector<1x16xf32> to vector<16xf32>
      %get3A_337 = arith.index_cast %scan3A_236 : i32 to index
      %get3A_338 = arith.constant 112 : index
      %get3A_339 = tpu.vector_load %arg17[%get3A_337, %get3A_338] {strides = array<i32>} : memref<64x128xf32, #tpu.memory_space<vmem>>, vector<1x16xf32>,
      %get3A_340 = vector.shape_cast %get3A_339 : vector<1x16xf32> to vector<16xf32>
      %mul3A_341 = arith.mulf %get3A_336, %get3A_340 : vector<16xf32>
      %get3A_342 = arith.constant 112 : index
      %get3A_343 = tpu.vector_load %arg12[%get3A_342] {strides = array<i32>} : memref<144xf32, #tpu.memory_space<vmem>>, vector<16xf32>,
      %get3A_344 = vector.shape_cast %get3A_343 : vector<16xf32> to vector<16xf32>
      %mul3A_345 = arith.mulf %mul3A_341, %get3A_344 : vector<16xf32>
      %add3A_346 = arith.addf %add3A_332, %mul3A_345 : vector<16xf32>
      %swap3A = arith.index_cast %scan3A_236 : i32 to index
      %swap3A_347 = arith.constant 0 : index
      %swap3A_348 = tpu.vector_load %arg20[%swap3A, %swap3A_347] {strides = array<i32>} : memref<64x16xf32, #tpu.memory_space<vmem>>, vector<1x16xf32>,
      %swap3A_349 = vector.shape_cast %swap3A_348 : vector<1x16xf32> to vector<16xf32>
      %swap3A_350 = vector.shape_cast %add3A_346 : vector<16xf32> to vector<1x16xf32>
      tpu.vector_store %arg20[%swap3A, %swap3A_347], %swap3A_350 {strides = array<i32>} : memref<64x16xf32, #tpu.memory_space<vmem>>, vector<1x16xf32>,
    }
    %scan3A_111 = arith.constant 64 : i32
    %dma_start3A_112 = arith.constant 0 : i32
    %dma_start3A_113 = tpu.memref_slice %arg11[%add3A_78, %dma_start3A_112] : memref<6144x16xf32, #tpu.memory_space<hbm>> -> memref<64x16xf32, #tpu.memory_space<hbm>>
    %dma_start3A_114 = arith.constant 0 : i32
    %dma_start3A_115 = tpu.memref_slice %arg11[%add3A_78, %dma_start3A_114] : memref<6144x16xf32, #tpu.memory_space<hbm>> -> memref<64x16xf32, #tpu.memory_space<hbm>>
    tpu.enqueue_dma source(%arg20 : memref<64x16xf32, #tpu.memory_space<vmem>>) target(%dma_start3A_115 : memref<64x16xf32, #tpu.memory_space<hbm>>) target_semaphore(%arg22 : memref<!tpu.dma_semaphore, #tpu.memory_space<semaphore_mem>>)
    %mul3A_116 = arith.constant 192 : i32
    %mul3A_117 = arith.muli %add3A, %mul3A_116 : i32
    %add3A_118 = arith.constant 64 : i32
    %add3A_119 = arith.addi %mul3A_117, %add3A_118 : i32
    %dma_wait3A_120 = arith.constant 64 : i32
    %dma_wait3A_121 = tpu.memref_slice %arg13[%dma_wait3A_120] : memref<192xi32, #tpu.memory_space<vmem>> -> memref<64xi32, #tpu.memory_space<vmem>>
    %dma_wait3A_122 = arith.constant 0 : i32
    %dma_wait3A_123 = arith.constant 0 : i32
    %dma_wait3A_124 = tpu.memref_slice %arg4[%dma_wait3A_122, %dma_wait3A_123] : memref<100000x128xf32, #tpu.memory_space<hbm>> -> memref<100000x128xf32, #tpu.memory_space<hbm>>
    tpu.wait_indirect_dma semaphore(%arg28 : memref<!tpu.dma_semaphore, #tpu.memory_space<semaphore_mem>>) src(%dma_wait3A_124 : memref<100000x128xf32, #tpu.memory_space<hbm>>) dst(%arg23 : memref<64x128xf32, #tpu.memory_space<vmem>>)
    %dma_wait3A_125 = arith.constant 64 : i32
    %dma_wait3A_126 = tpu.memref_slice %arg14[%dma_wait3A_125] : memref<192xi32, #tpu.memory_space<vmem>> -> memref<64xi32, #tpu.memory_space<vmem>>
    %dma_wait3A_127 = arith.constant 0 : i32
    %dma_wait3A_128 = arith.constant 0 : i32
    %dma_wait3A_129 = tpu.memref_slice %arg5[%dma_wait3A_127, %dma_wait3A_128] : memref<100000x128xf32, #tpu.memory_space<hbm>> -> memref<100000x128xf32, #tpu.memory_space<hbm>>
    tpu.wait_indirect_dma semaphore(%arg28 : memref<!tpu.dma_semaphore, #tpu.memory_space<semaphore_mem>>) src(%dma_wait3A_129 : memref<100000x128xf32, #tpu.memory_space<hbm>>) dst(%arg24 : memref<64x128xf32, #tpu.memory_space<vmem>>)
    %dma_wait3A_130 = arith.constant 64 : i32
    %dma_wait3A_131 = tpu.memref_slice %arg13[%dma_wait3A_130] : memref<192xi32, #tpu.memory_space<vmem>> -> memref<64xi32, #tpu.memory_space<vmem>>
    %dma_wait3A_132 = arith.constant 0 : i32
    %dma_wait3A_133 = arith.constant 0 : i32
    %dma_wait3A_134 = tpu.memref_slice %arg6[%dma_wait3A_132, %dma_wait3A_133] : memref<100000x128xf32, #tpu.memory_space<hbm>> -> memref<100000x128xf32, #tpu.memory_space<hbm>>
    tpu.wait_indirect_dma semaphore(%arg28 : memref<!tpu.dma_semaphore, #tpu.memory_space<semaphore_mem>>) src(%dma_wait3A_134 : memref<100000x128xf32, #tpu.memory_space<hbm>>) dst(%arg25 : memref<64x128xf32, #tpu.memory_space<vmem>>)
    %dma_wait3A_135 = arith.constant 64 : i32
    %dma_wait3A_136 = tpu.memref_slice %arg14[%dma_wait3A_135] : memref<192xi32, #tpu.memory_space<vmem>> -> memref<64xi32, #tpu.memory_space<vmem>>
    %dma_wait3A_137 = arith.constant 0 : i32
    %dma_wait3A_138 = arith.constant 0 : i32
    %dma_wait3A_139 = tpu.memref_slice %arg7[%dma_wait3A_137, %dma_wait3A_138] : memref<100000x128xf32, #tpu.memory_space<hbm>> -> memref<100000x128xf32, #tpu.memory_space<hbm>>
    tpu.wait_indirect_dma semaphore(%arg28 : memref<!tpu.dma_semaphore, #tpu.memory_space<semaphore_mem>>) src(%dma_wait3A_139 : memref<100000x128xf32, #tpu.memory_space<hbm>>) dst(%arg26 : memref<64x128xf32, #tpu.memory_space<vmem>>)
    %dma_start3A_140 = arith.constant 0 : i32
    %dma_start3A_141 = tpu.memref_slice %arg9[%add3A_119, %dma_start3A_140] : memref<6144x128xf32, #tpu.memory_space<hbm>> -> memref<64x128xf32, #tpu.memory_space<hbm>>
    %dma_start3A_142 = arith.constant 0 : i32
    %dma_start3A_143 = tpu.memref_slice %arg9[%add3A_119, %dma_start3A_142] : memref<6144x128xf32, #tpu.memory_space<hbm>> -> memref<64x128xf32, #tpu.memory_space<hbm>>
    tpu.enqueue_dma source(%arg25 : memref<64x128xf32, #tpu.memory_space<vmem>>) target(%dma_start3A_143 : memref<64x128xf32, #tpu.memory_space<hbm>>) target_semaphore(%arg29 : memref<!tpu.dma_semaphore, #tpu.memory_space<semaphore_mem>>)
    %dma_start3A_144 = arith.constant 0 : i32
    %dma_start3A_145 = tpu.memref_slice %arg10[%add3A_119, %dma_start3A_144] : memref<6144x128xf32, #tpu.memory_space<hbm>> -> memref<64x128xf32, #tpu.memory_space<hbm>>
    %dma_start3A_146 = arith.constant 0 : i32
    %dma_start3A_147 = tpu.memref_slice %arg10[%add3A_119, %dma_start3A_146] : memref<6144x128xf32, #tpu.memory_space<hbm>> -> memref<64x128xf32, #tpu.memory_space<hbm>>
    tpu.enqueue_dma source(%arg26 : memref<64x128xf32, #tpu.memory_space<vmem>>) target(%dma_start3A_147 : memref<64x128xf32, #tpu.memory_space<hbm>>) target_semaphore(%arg29 : memref<!tpu.dma_semaphore, #tpu.memory_space<semaphore_mem>>)
    %scan3A_148 = arith.constant 0 : i32
    %scan3A_149 = arith.constant 0 : i32
    %scan3A_150 = arith.constant 64 : i32
    %scan3A_151 = arith.addi %scan3A_149, %scan3A_150 : i32
    %scan3A_152 = arith.constant 1 : i32
    scf.for %scan3A_236 = %scan3A_149 to %scan3A_151 step %scan3A_152  : i32 {
      %get3A = arith.index_cast %scan3A_236 : i32 to index
      %get3A_237 = arith.constant 0 : index
      %get3A_238 = tpu.vector_load %arg23[%get3A, %get3A_237] {strides = array<i32>} : memref<64x128xf32, #tpu.memory_space<vmem>>, vector<1x16xf32>,
      %get3A_239 = vector.shape_cast %get3A_238 : vector<1x16xf32> to vector<16xf32>
      %get3A_240 = arith.index_cast %scan3A_236 : i32 to index
      %get3A_241 = arith.constant 0 : index
      %get3A_242 = tpu.vector_load %arg24[%get3A_240, %get3A_241] {strides = array<i32>} : memref<64x128xf32, #tpu.memory_space<vmem>>, vector<1x16xf32>,
      %get3A_243 = vector.shape_cast %get3A_242 : vector<1x16xf32> to vector<16xf32>
      %mul3A_244 = arith.mulf %get3A_239, %get3A_243 : vector<16xf32>
      %get3A_245 = arith.constant 0 : index
      %get3A_246 = tpu.vector_load %arg12[%get3A_245] {strides = array<i32>} : memref<144xf32, #tpu.memory_space<vmem>>, vector<16xf32>,
      %get3A_247 = vector.shape_cast %get3A_246 : vector<16xf32> to vector<16xf32>
      %mul3A_248 = arith.mulf %mul3A_244, %get3A_247 : vector<16xf32>
      %get3A_249 = arith.index_cast %scan3A_236 : i32 to index
      %get3A_250 = arith.constant 16 : index
      %get3A_251 = tpu.vector_load %arg23[%get3A_249, %get3A_250] {strides = array<i32>} : memref<64x128xf32, #tpu.memory_space<vmem>>, vector<1x16xf32>,
      %get3A_252 = vector.shape_cast %get3A_251 : vector<1x16xf32> to vector<16xf32>
      %get3A_253 = arith.index_cast %scan3A_236 : i32 to index
      %get3A_254 = arith.constant 16 : index
      %get3A_255 = tpu.vector_load %arg24[%get3A_253, %get3A_254] {strides = array<i32>} : memref<64x128xf32, #tpu.memory_space<vmem>>, vector<1x16xf32>,
      %get3A_256 = vector.shape_cast %get3A_255 : vector<1x16xf32> to vector<16xf32>
      %mul3A_257 = arith.mulf %get3A_252, %get3A_256 : vector<16xf32>
      %get3A_258 = arith.constant 16 : index
      %get3A_259 = tpu.vector_load %arg12[%get3A_258] {strides = array<i32>} : memref<144xf32, #tpu.memory_space<vmem>>, vector<16xf32>,
      %get3A_260 = vector.shape_cast %get3A_259 : vector<16xf32> to vector<16xf32>
      %mul3A_261 = arith.mulf %mul3A_257, %get3A_260 : vector<16xf32>
      %add3A_262 = arith.addf %mul3A_248, %mul3A_261 : vector<16xf32>
      %get3A_263 = arith.index_cast %scan3A_236 : i32 to index
      %get3A_264 = arith.constant 32 : index
      %get3A_265 = tpu.vector_load %arg23[%get3A_263, %get3A_264] {strides = array<i32>} : memref<64x128xf32, #tpu.memory_space<vmem>>, vector<1x16xf32>,
      %get3A_266 = vector.shape_cast %get3A_265 : vector<1x16xf32> to vector<16xf32>
      %get3A_267 = arith.index_cast %scan3A_236 : i32 to index
      %get3A_268 = arith.constant 32 : index
      %get3A_269 = tpu.vector_load %arg24[%get3A_267, %get3A_268] {strides = array<i32>} : memref<64x128xf32, #tpu.memory_space<vmem>>, vector<1x16xf32>,
      %get3A_270 = vector.shape_cast %get3A_269 : vector<1x16xf32> to vector<16xf32>
      %mul3A_271 = arith.mulf %get3A_266, %get3A_270 : vector<16xf32>
      %get3A_272 = arith.constant 32 : index
      %get3A_273 = tpu.vector_load %arg12[%get3A_272] {strides = array<i32>} : memref<144xf32, #tpu.memory_space<vmem>>, vector<16xf32>,
      %get3A_274 = vector.shape_cast %get3A_273 : vector<16xf32> to vector<16xf32>
      %mul3A_275 = arith.mulf %mul3A_271, %get3A_274 : vector<16xf32>
      %add3A_276 = arith.addf %add3A_262, %mul3A_275 : vector<16xf32>
      %get3A_277 = arith.index_cast %scan3A_236 : i32 to index
      %get3A_278 = arith.constant 48 : index
      %get3A_279 = tpu.vector_load %arg23[%get3A_277, %get3A_278] {strides = array<i32>} : memref<64x128xf32, #tpu.memory_space<vmem>>, vector<1x16xf32>,
      %get3A_280 = vector.shape_cast %get3A_279 : vector<1x16xf32> to vector<16xf32>
      %get3A_281 = arith.index_cast %scan3A_236 : i32 to index
      %get3A_282 = arith.constant 48 : index
      %get3A_283 = tpu.vector_load %arg24[%get3A_281, %get3A_282] {strides = array<i32>} : memref<64x128xf32, #tpu.memory_space<vmem>>, vector<1x16xf32>,
      %get3A_284 = vector.shape_cast %get3A_283 : vector<1x16xf32> to vector<16xf32>
      %mul3A_285 = arith.mulf %get3A_280, %get3A_284 : vector<16xf32>
      %get3A_286 = arith.constant 48 : index
      %get3A_287 = tpu.vector_load %arg12[%get3A_286] {strides = array<i32>} : memref<144xf32, #tpu.memory_space<vmem>>, vector<16xf32>,
      %get3A_288 = vector.shape_cast %get3A_287 : vector<16xf32> to vector<16xf32>
      %mul3A_289 = arith.mulf %mul3A_285, %get3A_288 : vector<16xf32>
      %add3A_290 = arith.addf %add3A_276, %mul3A_289 : vector<16xf32>
      %get3A_291 = arith.index_cast %scan3A_236 : i32 to index
      %get3A_292 = arith.constant 64 : index
      %get3A_293 = tpu.vector_load %arg23[%get3A_291, %get3A_292] {strides = array<i32>} : memref<64x128xf32, #tpu.memory_space<vmem>>, vector<1x16xf32>,
      %get3A_294 = vector.shape_cast %get3A_293 : vector<1x16xf32> to vector<16xf32>
      %get3A_295 = arith.index_cast %scan3A_236 : i32 to index
      %get3A_296 = arith.constant 64 : index
      %get3A_297 = tpu.vector_load %arg24[%get3A_295, %get3A_296] {strides = array<i32>} : memref<64x128xf32, #tpu.memory_space<vmem>>, vector<1x16xf32>,
      %get3A_298 = vector.shape_cast %get3A_297 : vector<1x16xf32> to vector<16xf32>
      %mul3A_299 = arith.mulf %get3A_294, %get3A_298 : vector<16xf32>
      %get3A_300 = arith.constant 64 : index
      %get3A_301 = tpu.vector_load %arg12[%get3A_300] {strides = array<i32>} : memref<144xf32, #tpu.memory_space<vmem>>, vector<16xf32>,
      %get3A_302 = vector.shape_cast %get3A_301 : vector<16xf32> to vector<16xf32>
      %mul3A_303 = arith.mulf %mul3A_299, %get3A_302 : vector<16xf32>
      %add3A_304 = arith.addf %add3A_290, %mul3A_303 : vector<16xf32>
      %get3A_305 = arith.index_cast %scan3A_236 : i32 to index
      %get3A_306 = arith.constant 80 : index
      %get3A_307 = tpu.vector_load %arg23[%get3A_305, %get3A_306] {strides = array<i32>} : memref<64x128xf32, #tpu.memory_space<vmem>>, vector<1x16xf32>,
      %get3A_308 = vector.shape_cast %get3A_307 : vector<1x16xf32> to vector<16xf32>
      %get3A_309 = arith.index_cast %scan3A_236 : i32 to index
      %get3A_310 = arith.constant 80 : index
      %get3A_311 = tpu.vector_load %arg24[%get3A_309, %get3A_310] {strides = array<i32>} : memref<64x128xf32, #tpu.memory_space<vmem>>, vector<1x16xf32>,
      %get3A_312 = vector.shape_cast %get3A_311 : vector<1x16xf32> to vector<16xf32>
      %mul3A_313 = arith.mulf %get3A_308, %get3A_312 : vector<16xf32>
      %get3A_314 = arith.constant 80 : index
      %get3A_315 = tpu.vector_load %arg12[%get3A_314] {strides = array<i32>} : memref<144xf32, #tpu.memory_space<vmem>>, vector<16xf32>,
      %get3A_316 = vector.shape_cast %get3A_315 : vector<16xf32> to vector<16xf32>
      %mul3A_317 = arith.mulf %mul3A_313, %get3A_316 : vector<16xf32>
      %add3A_318 = arith.addf %add3A_304, %mul3A_317 : vector<16xf32>
      %get3A_319 = arith.index_cast %scan3A_236 : i32 to index
      %get3A_320 = arith.constant 96 : index
      %get3A_321 = tpu.vector_load %arg23[%get3A_319, %get3A_320] {strides = array<i32>} : memref<64x128xf32, #tpu.memory_space<vmem>>, vector<1x16xf32>,
      %get3A_322 = vector.shape_cast %get3A_321 : vector<1x16xf32> to vector<16xf32>
      %get3A_323 = arith.index_cast %scan3A_236 : i32 to index
      %get3A_324 = arith.constant 96 : index
      %get3A_325 = tpu.vector_load %arg24[%get3A_323, %get3A_324] {strides = array<i32>} : memref<64x128xf32, #tpu.memory_space<vmem>>, vector<1x16xf32>,
      %get3A_326 = vector.shape_cast %get3A_325 : vector<1x16xf32> to vector<16xf32>
      %mul3A_327 = arith.mulf %get3A_322, %get3A_326 : vector<16xf32>
      %get3A_328 = arith.constant 96 : index
      %get3A_329 = tpu.vector_load %arg12[%get3A_328] {strides = array<i32>} : memref<144xf32, #tpu.memory_space<vmem>>, vector<16xf32>,
      %get3A_330 = vector.shape_cast %get3A_329 : vector<16xf32> to vector<16xf32>
      %mul3A_331 = arith.mulf %mul3A_327, %get3A_330 : vector<16xf32>
      %add3A_332 = arith.addf %add3A_318, %mul3A_331 : vector<16xf32>
      %get3A_333 = arith.index_cast %scan3A_236 : i32 to index
      %get3A_334 = arith.constant 112 : index
      %get3A_335 = tpu.vector_load %arg23[%get3A_333, %get3A_334] {strides = array<i32>} : memref<64x128xf32, #tpu.memory_space<vmem>>, vector<1x16xf32>,
      %get3A_336 = vector.shape_cast %get3A_335 : vector<1x16xf32> to vector<16xf32>
      %get3A_337 = arith.index_cast %scan3A_236 : i32 to index
      %get3A_338 = arith.constant 112 : index
      %get3A_339 = tpu.vector_load %arg24[%get3A_337, %get3A_338] {strides = array<i32>} : memref<64x128xf32, #tpu.memory_space<vmem>>, vector<1x16xf32>,
      %get3A_340 = vector.shape_cast %get3A_339 : vector<1x16xf32> to vector<16xf32>
      %mul3A_341 = arith.mulf %get3A_336, %get3A_340 : vector<16xf32>
      %get3A_342 = arith.constant 112 : index
      %get3A_343 = tpu.vector_load %arg12[%get3A_342] {strides = array<i32>} : memref<144xf32, #tpu.memory_space<vmem>>, vector<16xf32>,
      %get3A_344 = vector.shape_cast %get3A_343 : vector<16xf32> to vector<16xf32>
      %mul3A_345 = arith.mulf %mul3A_341, %get3A_344 : vector<16xf32>
      %add3A_346 = arith.addf %add3A_332, %mul3A_345 : vector<16xf32>
      %swap3A = arith.index_cast %scan3A_236 : i32 to index
      %swap3A_347 = arith.constant 0 : index
      %swap3A_348 = tpu.vector_load %arg27[%swap3A, %swap3A_347] {strides = array<i32>} : memref<64x16xf32, #tpu.memory_space<vmem>>, vector<1x16xf32>,
      %swap3A_349 = vector.shape_cast %swap3A_348 : vector<1x16xf32> to vector<16xf32>
      %swap3A_350 = vector.shape_cast %add3A_346 : vector<16xf32> to vector<1x16xf32>
      tpu.vector_store %arg27[%swap3A, %swap3A_347], %swap3A_350 {strides = array<i32>} : memref<64x16xf32, #tpu.memory_space<vmem>>, vector<1x16xf32>,
    }
    %scan3A_153 = arith.constant 64 : i32
    %dma_start3A_154 = arith.constant 0 : i32
    %dma_start3A_155 = tpu.memref_slice %arg11[%add3A_119, %dma_start3A_154] : memref<6144x16xf32, #tpu.memory_space<hbm>> -> memref<64x16xf32, #tpu.memory_space<hbm>>
    %dma_start3A_156 = arith.constant 0 : i32
    %dma_start3A_157 = tpu.memref_slice %arg11[%add3A_119, %dma_start3A_156] : memref<6144x16xf32, #tpu.memory_space<hbm>> -> memref<64x16xf32, #tpu.memory_space<hbm>>
    tpu.enqueue_dma source(%arg27 : memref<64x16xf32, #tpu.memory_space<vmem>>) target(%dma_start3A_157 : memref<64x16xf32, #tpu.memory_space<hbm>>) target_semaphore(%arg29 : memref<!tpu.dma_semaphore, #tpu.memory_space<semaphore_mem>>)
    %mul3A_158 = arith.constant 192 : i32
    %mul3A_159 = arith.muli %add3A, %mul3A_158 : i32
    %add3A_160 = arith.constant 128 : i32
    %add3A_161 = arith.addi %mul3A_159, %add3A_160 : i32
    %dma_wait3A_162 = arith.constant 128 : i32
    %dma_wait3A_163 = tpu.memref_slice %arg13[%dma_wait3A_162] : memref<192xi32, #tpu.memory_space<vmem>> -> memref<64xi32, #tpu.memory_space<vmem>>
    %dma_wait3A_164 = arith.constant 0 : i32
    %dma_wait3A_165 = arith.constant 0 : i32
    %dma_wait3A_166 = tpu.memref_slice %arg4[%dma_wait3A_164, %dma_wait3A_165] : memref<100000x128xf32, #tpu.memory_space<hbm>> -> memref<100000x128xf32, #tpu.memory_space<hbm>>
    tpu.wait_indirect_dma semaphore(%arg35 : memref<!tpu.dma_semaphore, #tpu.memory_space<semaphore_mem>>) src(%dma_wait3A_166 : memref<100000x128xf32, #tpu.memory_space<hbm>>) dst(%arg30 : memref<64x128xf32, #tpu.memory_space<vmem>>)
    %dma_wait3A_167 = arith.constant 128 : i32
    %dma_wait3A_168 = tpu.memref_slice %arg14[%dma_wait3A_167] : memref<192xi32, #tpu.memory_space<vmem>> -> memref<64xi32, #tpu.memory_space<vmem>>
    %dma_wait3A_169 = arith.constant 0 : i32
    %dma_wait3A_170 = arith.constant 0 : i32
    %dma_wait3A_171 = tpu.memref_slice %arg5[%dma_wait3A_169, %dma_wait3A_170] : memref<100000x128xf32, #tpu.memory_space<hbm>> -> memref<100000x128xf32, #tpu.memory_space<hbm>>
    tpu.wait_indirect_dma semaphore(%arg35 : memref<!tpu.dma_semaphore, #tpu.memory_space<semaphore_mem>>) src(%dma_wait3A_171 : memref<100000x128xf32, #tpu.memory_space<hbm>>) dst(%arg31 : memref<64x128xf32, #tpu.memory_space<vmem>>)
    %dma_wait3A_172 = arith.constant 128 : i32
    %dma_wait3A_173 = tpu.memref_slice %arg13[%dma_wait3A_172] : memref<192xi32, #tpu.memory_space<vmem>> -> memref<64xi32, #tpu.memory_space<vmem>>
    %dma_wait3A_174 = arith.constant 0 : i32
    %dma_wait3A_175 = arith.constant 0 : i32
    %dma_wait3A_176 = tpu.memref_slice %arg6[%dma_wait3A_174, %dma_wait3A_175] : memref<100000x128xf32, #tpu.memory_space<hbm>> -> memref<100000x128xf32, #tpu.memory_space<hbm>>
    tpu.wait_indirect_dma semaphore(%arg35 : memref<!tpu.dma_semaphore, #tpu.memory_space<semaphore_mem>>) src(%dma_wait3A_176 : memref<100000x128xf32, #tpu.memory_space<hbm>>) dst(%arg32 : memref<64x128xf32, #tpu.memory_space<vmem>>)
    %dma_wait3A_177 = arith.constant 128 : i32
    %dma_wait3A_178 = tpu.memref_slice %arg14[%dma_wait3A_177] : memref<192xi32, #tpu.memory_space<vmem>> -> memref<64xi32, #tpu.memory_space<vmem>>
    %dma_wait3A_179 = arith.constant 0 : i32
    %dma_wait3A_180 = arith.constant 0 : i32
    %dma_wait3A_181 = tpu.memref_slice %arg7[%dma_wait3A_179, %dma_wait3A_180] : memref<100000x128xf32, #tpu.memory_space<hbm>> -> memref<100000x128xf32, #tpu.memory_space<hbm>>
    tpu.wait_indirect_dma semaphore(%arg35 : memref<!tpu.dma_semaphore, #tpu.memory_space<semaphore_mem>>) src(%dma_wait3A_181 : memref<100000x128xf32, #tpu.memory_space<hbm>>) dst(%arg33 : memref<64x128xf32, #tpu.memory_space<vmem>>)
    %dma_start3A_182 = arith.constant 0 : i32
    %dma_start3A_183 = tpu.memref_slice %arg9[%add3A_161, %dma_start3A_182] : memref<6144x128xf32, #tpu.memory_space<hbm>> -> memref<64x128xf32, #tpu.memory_space<hbm>>
    %dma_start3A_184 = arith.constant 0 : i32
    %dma_start3A_185 = tpu.memref_slice %arg9[%add3A_161, %dma_start3A_184] : memref<6144x128xf32, #tpu.memory_space<hbm>> -> memref<64x128xf32, #tpu.memory_space<hbm>>
    tpu.enqueue_dma source(%arg32 : memref<64x128xf32, #tpu.memory_space<vmem>>) target(%dma_start3A_185 : memref<64x128xf32, #tpu.memory_space<hbm>>) target_semaphore(%arg36 : memref<!tpu.dma_semaphore, #tpu.memory_space<semaphore_mem>>)
    %dma_start3A_186 = arith.constant 0 : i32
    %dma_start3A_187 = tpu.memref_slice %arg10[%add3A_161, %dma_start3A_186] : memref<6144x128xf32, #tpu.memory_space<hbm>> -> memref<64x128xf32, #tpu.memory_space<hbm>>
    %dma_start3A_188 = arith.constant 0 : i32
    %dma_start3A_189 = tpu.memref_slice %arg10[%add3A_161, %dma_start3A_188] : memref<6144x128xf32, #tpu.memory_space<hbm>> -> memref<64x128xf32, #tpu.memory_space<hbm>>
    tpu.enqueue_dma source(%arg33 : memref<64x128xf32, #tpu.memory_space<vmem>>) target(%dma_start3A_189 : memref<64x128xf32, #tpu.memory_space<hbm>>) target_semaphore(%arg36 : memref<!tpu.dma_semaphore, #tpu.memory_space<semaphore_mem>>)
    %scan3A_190 = arith.constant 0 : i32
    %scan3A_191 = arith.constant 0 : i32
    %scan3A_192 = arith.constant 64 : i32
    %scan3A_193 = arith.addi %scan3A_191, %scan3A_192 : i32
    %scan3A_194 = arith.constant 1 : i32
    scf.for %scan3A_236 = %scan3A_191 to %scan3A_193 step %scan3A_194  : i32 {
      %get3A = arith.index_cast %scan3A_236 : i32 to index
      %get3A_237 = arith.constant 0 : index
      %get3A_238 = tpu.vector_load %arg30[%get3A, %get3A_237] {strides = array<i32>} : memref<64x128xf32, #tpu.memory_space<vmem>>, vector<1x16xf32>,
      %get3A_239 = vector.shape_cast %get3A_238 : vector<1x16xf32> to vector<16xf32>
      %get3A_240 = arith.index_cast %scan3A_236 : i32 to index
      %get3A_241 = arith.constant 0 : index
      %get3A_242 = tpu.vector_load %arg31[%get3A_240, %get3A_241] {strides = array<i32>} : memref<64x128xf32, #tpu.memory_space<vmem>>, vector<1x16xf32>,
      %get3A_243 = vector.shape_cast %get3A_242 : vector<1x16xf32> to vector<16xf32>
      %mul3A_244 = arith.mulf %get3A_239, %get3A_243 : vector<16xf32>
      %get3A_245 = arith.constant 0 : index
      %get3A_246 = tpu.vector_load %arg12[%get3A_245] {strides = array<i32>} : memref<144xf32, #tpu.memory_space<vmem>>, vector<16xf32>,
      %get3A_247 = vector.shape_cast %get3A_246 : vector<16xf32> to vector<16xf32>
      %mul3A_248 = arith.mulf %mul3A_244, %get3A_247 : vector<16xf32>
      %get3A_249 = arith.index_cast %scan3A_236 : i32 to index
      %get3A_250 = arith.constant 16 : index
      %get3A_251 = tpu.vector_load %arg30[%get3A_249, %get3A_250] {strides = array<i32>} : memref<64x128xf32, #tpu.memory_space<vmem>>, vector<1x16xf32>,
      %get3A_252 = vector.shape_cast %get3A_251 : vector<1x16xf32> to vector<16xf32>
      %get3A_253 = arith.index_cast %scan3A_236 : i32 to index
      %get3A_254 = arith.constant 16 : index
      %get3A_255 = tpu.vector_load %arg31[%get3A_253, %get3A_254] {strides = array<i32>} : memref<64x128xf32, #tpu.memory_space<vmem>>, vector<1x16xf32>,
      %get3A_256 = vector.shape_cast %get3A_255 : vector<1x16xf32> to vector<16xf32>
      %mul3A_257 = arith.mulf %get3A_252, %get3A_256 : vector<16xf32>
      %get3A_258 = arith.constant 16 : index
      %get3A_259 = tpu.vector_load %arg12[%get3A_258] {strides = array<i32>} : memref<144xf32, #tpu.memory_space<vmem>>, vector<16xf32>,
      %get3A_260 = vector.shape_cast %get3A_259 : vector<16xf32> to vector<16xf32>
      %mul3A_261 = arith.mulf %mul3A_257, %get3A_260 : vector<16xf32>
      %add3A_262 = arith.addf %mul3A_248, %mul3A_261 : vector<16xf32>
      %get3A_263 = arith.index_cast %scan3A_236 : i32 to index
      %get3A_264 = arith.constant 32 : index
      %get3A_265 = tpu.vector_load %arg30[%get3A_263, %get3A_264] {strides = array<i32>} : memref<64x128xf32, #tpu.memory_space<vmem>>, vector<1x16xf32>,
      %get3A_266 = vector.shape_cast %get3A_265 : vector<1x16xf32> to vector<16xf32>
      %get3A_267 = arith.index_cast %scan3A_236 : i32 to index
      %get3A_268 = arith.constant 32 : index
      %get3A_269 = tpu.vector_load %arg31[%get3A_267, %get3A_268] {strides = array<i32>} : memref<64x128xf32, #tpu.memory_space<vmem>>, vector<1x16xf32>,
      %get3A_270 = vector.shape_cast %get3A_269 : vector<1x16xf32> to vector<16xf32>
      %mul3A_271 = arith.mulf %get3A_266, %get3A_270 : vector<16xf32>
      %get3A_272 = arith.constant 32 : index
      %get3A_273 = tpu.vector_load %arg12[%get3A_272] {strides = array<i32>} : memref<144xf32, #tpu.memory_space<vmem>>, vector<16xf32>,
      %get3A_274 = vector.shape_cast %get3A_273 : vector<16xf32> to vector<16xf32>
      %mul3A_275 = arith.mulf %mul3A_271, %get3A_274 : vector<16xf32>
      %add3A_276 = arith.addf %add3A_262, %mul3A_275 : vector<16xf32>
      %get3A_277 = arith.index_cast %scan3A_236 : i32 to index
      %get3A_278 = arith.constant 48 : index
      %get3A_279 = tpu.vector_load %arg30[%get3A_277, %get3A_278] {strides = array<i32>} : memref<64x128xf32, #tpu.memory_space<vmem>>, vector<1x16xf32>,
      %get3A_280 = vector.shape_cast %get3A_279 : vector<1x16xf32> to vector<16xf32>
      %get3A_281 = arith.index_cast %scan3A_236 : i32 to index
      %get3A_282 = arith.constant 48 : index
      %get3A_283 = tpu.vector_load %arg31[%get3A_281, %get3A_282] {strides = array<i32>} : memref<64x128xf32, #tpu.memory_space<vmem>>, vector<1x16xf32>,
      %get3A_284 = vector.shape_cast %get3A_283 : vector<1x16xf32> to vector<16xf32>
      %mul3A_285 = arith.mulf %get3A_280, %get3A_284 : vector<16xf32>
      %get3A_286 = arith.constant 48 : index
      %get3A_287 = tpu.vector_load %arg12[%get3A_286] {strides = array<i32>} : memref<144xf32, #tpu.memory_space<vmem>>, vector<16xf32>,
      %get3A_288 = vector.shape_cast %get3A_287 : vector<16xf32> to vector<16xf32>
      %mul3A_289 = arith.mulf %mul3A_285, %get3A_288 : vector<16xf32>
      %add3A_290 = arith.addf %add3A_276, %mul3A_289 : vector<16xf32>
      %get3A_291 = arith.index_cast %scan3A_236 : i32 to index
      %get3A_292 = arith.constant 64 : index
      %get3A_293 = tpu.vector_load %arg30[%get3A_291, %get3A_292] {strides = array<i32>} : memref<64x128xf32, #tpu.memory_space<vmem>>, vector<1x16xf32>,
      %get3A_294 = vector.shape_cast %get3A_293 : vector<1x16xf32> to vector<16xf32>
      %get3A_295 = arith.index_cast %scan3A_236 : i32 to index
      %get3A_296 = arith.constant 64 : index
      %get3A_297 = tpu.vector_load %arg31[%get3A_295, %get3A_296] {strides = array<i32>} : memref<64x128xf32, #tpu.memory_space<vmem>>, vector<1x16xf32>,
      %get3A_298 = vector.shape_cast %get3A_297 : vector<1x16xf32> to vector<16xf32>
      %mul3A_299 = arith.mulf %get3A_294, %get3A_298 : vector<16xf32>
      %get3A_300 = arith.constant 64 : index
      %get3A_301 = tpu.vector_load %arg12[%get3A_300] {strides = array<i32>} : memref<144xf32, #tpu.memory_space<vmem>>, vector<16xf32>,
      %get3A_302 = vector.shape_cast %get3A_301 : vector<16xf32> to vector<16xf32>
      %mul3A_303 = arith.mulf %mul3A_299, %get3A_302 : vector<16xf32>
      %add3A_304 = arith.addf %add3A_290, %mul3A_303 : vector<16xf32>
      %get3A_305 = arith.index_cast %scan3A_236 : i32 to index
      %get3A_306 = arith.constant 80 : index
      %get3A_307 = tpu.vector_load %arg30[%get3A_305, %get3A_306] {strides = array<i32>} : memref<64x128xf32, #tpu.memory_space<vmem>>, vector<1x16xf32>,
      %get3A_308 = vector.shape_cast %get3A_307 : vector<1x16xf32> to vector<16xf32>
      %get3A_309 = arith.index_cast %scan3A_236 : i32 to index
      %get3A_310 = arith.constant 80 : index
      %get3A_311 = tpu.vector_load %arg31[%get3A_309, %get3A_310] {strides = array<i32>} : memref<64x128xf32, #tpu.memory_space<vmem>>, vector<1x16xf32>,
      %get3A_312 = vector.shape_cast %get3A_311 : vector<1x16xf32> to vector<16xf32>
      %mul3A_313 = arith.mulf %get3A_308, %get3A_312 : vector<16xf32>
      %get3A_314 = arith.constant 80 : index
      %get3A_315 = tpu.vector_load %arg12[%get3A_314] {strides = array<i32>} : memref<144xf32, #tpu.memory_space<vmem>>, vector<16xf32>,
      %get3A_316 = vector.shape_cast %get3A_315 : vector<16xf32> to vector<16xf32>
      %mul3A_317 = arith.mulf %mul3A_313, %get3A_316 : vector<16xf32>
      %add3A_318 = arith.addf %add3A_304, %mul3A_317 : vector<16xf32>
      %get3A_319 = arith.index_cast %scan3A_236 : i32 to index
      %get3A_320 = arith.constant 96 : index
      %get3A_321 = tpu.vector_load %arg30[%get3A_319, %get3A_320] {strides = array<i32>} : memref<64x128xf32, #tpu.memory_space<vmem>>, vector<1x16xf32>,
      %get3A_322 = vector.shape_cast %get3A_321 : vector<1x16xf32> to vector<16xf32>
      %get3A_323 = arith.index_cast %scan3A_236 : i32 to index
      %get3A_324 = arith.constant 96 : index
      %get3A_325 = tpu.vector_load %arg31[%get3A_323, %get3A_324] {strides = array<i32>} : memref<64x128xf32, #tpu.memory_space<vmem>>, vector<1x16xf32>,
      %get3A_326 = vector.shape_cast %get3A_325 : vector<1x16xf32> to vector<16xf32>
      %mul3A_327 = arith.mulf %get3A_322, %get3A_326 : vector<16xf32>
      %get3A_328 = arith.constant 96 : index
      %get3A_329 = tpu.vector_load %arg12[%get3A_328] {strides = array<i32>} : memref<144xf32, #tpu.memory_space<vmem>>, vector<16xf32>,
      %get3A_330 = vector.shape_cast %get3A_329 : vector<16xf32> to vector<16xf32>
      %mul3A_331 = arith.mulf %mul3A_327, %get3A_330 : vector<16xf32>
      %add3A_332 = arith.addf %add3A_318, %mul3A_331 : vector<16xf32>
      %get3A_333 = arith.index_cast %scan3A_236 : i32 to index
      %get3A_334 = arith.constant 112 : index
      %get3A_335 = tpu.vector_load %arg30[%get3A_333, %get3A_334] {strides = array<i32>} : memref<64x128xf32, #tpu.memory_space<vmem>>, vector<1x16xf32>,
      %get3A_336 = vector.shape_cast %get3A_335 : vector<1x16xf32> to vector<16xf32>
      %get3A_337 = arith.index_cast %scan3A_236 : i32 to index
      %get3A_338 = arith.constant 112 : index
      %get3A_339 = tpu.vector_load %arg31[%get3A_337, %get3A_338] {strides = array<i32>} : memref<64x128xf32, #tpu.memory_space<vmem>>, vector<1x16xf32>,
      %get3A_340 = vector.shape_cast %get3A_339 : vector<1x16xf32> to vector<16xf32>
      %mul3A_341 = arith.mulf %get3A_336, %get3A_340 : vector<16xf32>
      %get3A_342 = arith.constant 112 : index
      %get3A_343 = tpu.vector_load %arg12[%get3A_342] {strides = array<i32>} : memref<144xf32, #tpu.memory_space<vmem>>, vector<16xf32>,
      %get3A_344 = vector.shape_cast %get3A_343 : vector<16xf32> to vector<16xf32>
      %mul3A_345 = arith.mulf %mul3A_341, %get3A_344 : vector<16xf32>
      %add3A_346 = arith.addf %add3A_332, %mul3A_345 : vector<16xf32>
      %swap3A = arith.index_cast %scan3A_236 : i32 to index
      %swap3A_347 = arith.constant 0 : index
      %swap3A_348 = tpu.vector_load %arg34[%swap3A, %swap3A_347] {strides = array<i32>} : memref<64x16xf32, #tpu.memory_space<vmem>>, vector<1x16xf32>,
      %swap3A_349 = vector.shape_cast %swap3A_348 : vector<1x16xf32> to vector<16xf32>
      %swap3A_350 = vector.shape_cast %add3A_346 : vector<16xf32> to vector<1x16xf32>
      tpu.vector_store %arg34[%swap3A, %swap3A_347], %swap3A_350 {strides = array<i32>} : memref<64x16xf32, #tpu.memory_space<vmem>>, vector<1x16xf32>,
    }
    %scan3A_195 = arith.constant 64 : i32
    %dma_start3A_196 = arith.constant 0 : i32
    %dma_start3A_197 = tpu.memref_slice %arg11[%add3A_161, %dma_start3A_196] : memref<6144x16xf32, #tpu.memory_space<hbm>> -> memref<64x16xf32, #tpu.memory_space<hbm>>
    %dma_start3A_198 = arith.constant 0 : i32
    %dma_start3A_199 = tpu.memref_slice %arg11[%add3A_161, %dma_start3A_198] : memref<6144x16xf32, #tpu.memory_space<hbm>> -> memref<64x16xf32, #tpu.memory_space<hbm>>
    tpu.enqueue_dma source(%arg34 : memref<64x16xf32, #tpu.memory_space<vmem>>) target(%dma_start3A_199 : memref<64x16xf32, #tpu.memory_space<hbm>>) target_semaphore(%arg36 : memref<!tpu.dma_semaphore, #tpu.memory_space<semaphore_mem>>)
    %dma_wait3A_200 = arith.constant 0 : i32
    %dma_wait3A_201 = tpu.memref_slice %arg9[%add3A_78, %dma_wait3A_200] : memref<6144x128xf32, #tpu.memory_space<hbm>> -> memref<64x128xf32, #tpu.memory_space<hbm>>
    %dma_wait3A_202 = arith.constant 0 : i32
    %dma_wait3A_203 = tpu.memref_slice %arg9[%add3A_78, %dma_wait3A_202] : memref<6144x128xf32, #tpu.memory_space<hbm>> -> memref<64x128xf32, #tpu.memory_space<hbm>>
    tpu.wait_dma2 semaphore(%arg22 : memref<!tpu.dma_semaphore, #tpu.memory_space<semaphore_mem>>) src(%arg18 : memref<64x128xf32, #tpu.memory_space<vmem>>) dst(%dma_wait3A_203 : memref<64x128xf32, #tpu.memory_space<hbm>>)
    %dma_wait3A_204 = arith.constant 0 : i32
    %dma_wait3A_205 = tpu.memref_slice %arg10[%add3A_78, %dma_wait3A_204] : memref<6144x128xf32, #tpu.memory_space<hbm>> -> memref<64x128xf32, #tpu.memory_space<hbm>>
    %dma_wait3A_206 = arith.constant 0 : i32
    %dma_wait3A_207 = tpu.memref_slice %arg10[%add3A_78, %dma_wait3A_206] : memref<6144x128xf32, #tpu.memory_space<hbm>> -> memref<64x128xf32, #tpu.memory_space<hbm>>
    tpu.wait_dma2 semaphore(%arg22 : memref<!tpu.dma_semaphore, #tpu.memory_space<semaphore_mem>>) src(%arg19 : memref<64x128xf32, #tpu.memory_space<vmem>>) dst(%dma_wait3A_207 : memref<64x128xf32, #tpu.memory_space<hbm>>)
    %dma_wait3A_208 = arith.constant 0 : i32
    %dma_wait3A_209 = tpu.memref_slice %arg11[%add3A_78, %dma_wait3A_208] : memref<6144x16xf32, #tpu.memory_space<hbm>> -> memref<64x16xf32, #tpu.memory_space<hbm>>
    %dma_wait3A_210 = arith.constant 0 : i32
    %dma_wait3A_211 = tpu.memref_slice %arg11[%add3A_78, %dma_wait3A_210] : memref<6144x16xf32, #tpu.memory_space<hbm>> -> memref<64x16xf32, #tpu.memory_space<hbm>>
    tpu.wait_dma2 semaphore(%arg22 : memref<!tpu.dma_semaphore, #tpu.memory_space<semaphore_mem>>) src(%arg20 : memref<64x16xf32, #tpu.memory_space<vmem>>) dst(%dma_wait3A_211 : memref<64x16xf32, #tpu.memory_space<hbm>>)
    %dma_wait3A_212 = arith.constant 0 : i32
    %dma_wait3A_213 = tpu.memref_slice %arg9[%add3A_119, %dma_wait3A_212] : memref<6144x128xf32, #tpu.memory_space<hbm>> -> memref<64x128xf32, #tpu.memory_space<hbm>>
    %dma_wait3A_214 = arith.constant 0 : i32
    %dma_wait3A_215 = tpu.memref_slice %arg9[%add3A_119, %dma_wait3A_214] : memref<6144x128xf32, #tpu.memory_space<hbm>> -> memref<64x128xf32, #tpu.memory_space<hbm>>
    tpu.wait_dma2 semaphore(%arg29 : memref<!tpu.dma_semaphore, #tpu.memory_space<semaphore_mem>>) src(%arg25 : memref<64x128xf32, #tpu.memory_space<vmem>>) dst(%dma_wait3A_215 : memref<64x128xf32, #tpu.memory_space<hbm>>)
    %dma_wait3A_216 = arith.constant 0 : i32
    %dma_wait3A_217 = tpu.memref_slice %arg10[%add3A_119, %dma_wait3A_216] : memref<6144x128xf32, #tpu.memory_space<hbm>> -> memref<64x128xf32, #tpu.memory_space<hbm>>
    %dma_wait3A_218 = arith.constant 0 : i32
    %dma_wait3A_219 = tpu.memref_slice %arg10[%add3A_119, %dma_wait3A_218] : memref<6144x128xf32, #tpu.memory_space<hbm>> -> memref<64x128xf32, #tpu.memory_space<hbm>>
    tpu.wait_dma2 semaphore(%arg29 : memref<!tpu.dma_semaphore, #tpu.memory_space<semaphore_mem>>) src(%arg26 : memref<64x128xf32, #tpu.memory_space<vmem>>) dst(%dma_wait3A_219 : memref<64x128xf32, #tpu.memory_space<hbm>>)
    %dma_wait3A_220 = arith.constant 0 : i32
    %dma_wait3A_221 = tpu.memref_slice %arg11[%add3A_119, %dma_wait3A_220] : memref<6144x16xf32, #tpu.memory_space<hbm>> -> memref<64x16xf32, #tpu.memory_space<hbm>>
    %dma_wait3A_222 = arith.constant 0 : i32
    %dma_wait3A_223 = tpu.memref_slice %arg11[%add3A_119, %dma_wait3A_222] : memref<6144x16xf32, #tpu.memory_space<hbm>> -> memref<64x16xf32, #tpu.memory_space<hbm>>
    tpu.wait_dma2 semaphore(%arg29 : memref<!tpu.dma_semaphore, #tpu.memory_space<semaphore_mem>>) src(%arg27 : memref<64x16xf32, #tpu.memory_space<vmem>>) dst(%dma_wait3A_223 : memref<64x16xf32, #tpu.memory_space<hbm>>)
    %dma_wait3A_224 = arith.constant 0 : i32
    %dma_wait3A_225 = tpu.memref_slice %arg9[%add3A_161, %dma_wait3A_224] : memref<6144x128xf32, #tpu.memory_space<hbm>> -> memref<64x128xf32, #tpu.memory_space<hbm>>
    %dma_wait3A_226 = arith.constant 0 : i32
    %dma_wait3A_227 = tpu.memref_slice %arg9[%add3A_161, %dma_wait3A_226] : memref<6144x128xf32, #tpu.memory_space<hbm>> -> memref<64x128xf32, #tpu.memory_space<hbm>>
    tpu.wait_dma2 semaphore(%arg36 : memref<!tpu.dma_semaphore, #tpu.memory_space<semaphore_mem>>) src(%arg32 : memref<64x128xf32, #tpu.memory_space<vmem>>) dst(%dma_wait3A_227 : memref<64x128xf32, #tpu.memory_space<hbm>>)
    %dma_wait3A_228 = arith.constant 0 : i32
    %dma_wait3A_229 = tpu.memref_slice %arg10[%add3A_161, %dma_wait3A_228] : memref<6144x128xf32, #tpu.memory_space<hbm>> -> memref<64x128xf32, #tpu.memory_space<hbm>>
    %dma_wait3A_230 = arith.constant 0 : i32
    %dma_wait3A_231 = tpu.memref_slice %arg10[%add3A_161, %dma_wait3A_230] : memref<6144x128xf32, #tpu.memory_space<hbm>> -> memref<64x128xf32, #tpu.memory_space<hbm>>
    tpu.wait_dma2 semaphore(%arg36 : memref<!tpu.dma_semaphore, #tpu.memory_space<semaphore_mem>>) src(%arg33 : memref<64x128xf32, #tpu.memory_space<vmem>>) dst(%dma_wait3A_231 : memref<64x128xf32, #tpu.memory_space<hbm>>)
    %dma_wait3A_232 = arith.constant 0 : i32
    %dma_wait3A_233 = tpu.memref_slice %arg11[%add3A_161, %dma_wait3A_232] : memref<6144x16xf32, #tpu.memory_space<hbm>> -> memref<64x16xf32, #tpu.memory_space<hbm>>
    %dma_wait3A_234 = arith.constant 0 : i32
    %dma_wait3A_235 = tpu.memref_slice %arg11[%add3A_161, %dma_wait3A_234] : memref<6144x16xf32, #tpu.memory_space<hbm>> -> memref<64x16xf32, #tpu.memory_space<hbm>>
    tpu.wait_dma2 semaphore(%arg36 : memref<!tpu.dma_semaphore, #tpu.memory_space<semaphore_mem>>) src(%arg34 : memref<64x16xf32, #tpu.memory_space<vmem>>) dst(%dma_wait3A_235 : memref<64x16xf32, #tpu.memory_space<hbm>>)
    return
  }
}

module attributes {stable_mosaic.version = 14 : i64} {
  func.func @_tc_mlp_body(%arg0: i32, %arg1: memref<2048x128xf32, #tpu.memory_space<vmem>>, %arg2: memref<2048x128xf32, #tpu.memory_space<vmem>>, %arg3: memref<2048x16xf32, #tpu.memory_space<vmem>>, %arg4: memref<128x64xf32, #tpu.memory_space<vmem>>, %arg5: memref<128x64xf32, #tpu.memory_space<vmem>>, %arg6: memref<1x64xf32, #tpu.memory_space<vmem>>, %arg7: memref<64x32xf32, #tpu.memory_space<vmem>>, %arg8: memref<1x32xf32, #tpu.memory_space<vmem>>, %arg9: memref<32x16xf32, #tpu.memory_space<vmem>>, %arg10: memref<1x16xf32, #tpu.memory_space<vmem>>, %arg11: memref<16x1xf32, #tpu.memory_space<vmem>>, %arg12: memref<1x1xf32, #tpu.memory_space<vmem>>, %arg13: memref<2048x1xf32, #tpu.memory_space<vmem>>) attributes {dimension_semantics = [#tpu.dimension_semantics<arbitrary>], iteration_bounds = array<i64: 5>, scalar_prefetch = 0 : i64, scratch_operands = 0 : i64, tpu.core_type = #tpu.core_type<tc>, window_params = [{transform_indices = @transform_0, window_bounds = array<i64: 2048, 128>}, {transform_indices = @transform_1, window_bounds = array<i64: 2048, 128>}, {transform_indices = @transform_2, window_bounds = array<i64: 2048, 16>}, {pipeline_mode = #tpu.pipeline_mode<synchronous>, transform_indices = @transform_3, window_bounds = array<i64: 128, 64>}, {pipeline_mode = #tpu.pipeline_mode<synchronous>, transform_indices = @transform_4, window_bounds = array<i64: 128, 64>}, {pipeline_mode = #tpu.pipeline_mode<synchronous>, transform_indices = @transform_5, window_bounds = array<i64: 1, 64>}, {pipeline_mode = #tpu.pipeline_mode<synchronous>, transform_indices = @transform_6, window_bounds = array<i64: 64, 32>}, {pipeline_mode = #tpu.pipeline_mode<synchronous>, transform_indices = @transform_7, window_bounds = array<i64: 1, 32>}, {pipeline_mode = #tpu.pipeline_mode<synchronous>, transform_indices = @transform_8, window_bounds = array<i64: 32, 16>}, {pipeline_mode = #tpu.pipeline_mode<synchronous>, transform_indices = @transform_9, window_bounds = array<i64: 1, 16>}, {pipeline_mode = #tpu.pipeline_mode<synchronous>, transform_indices = @transform_10, window_bounds = array<i64: 16, 1>}, {pipeline_mode = #tpu.pipeline_mode<synchronous>, transform_indices = @transform_11, window_bounds = array<i64: 1, 1>}, {transform_indices = @transform_12, window_bounds = array<i64: 2048, 1>}]} {
    %get3A = arith.constant 0 : index
    %get3A_0 = arith.constant 0 : index
    %get3A_1 = vector.load %arg1[%get3A, %get3A_0] : memref<2048x128xf32, #tpu.memory_space<vmem>>, vector<2048x128xf32>
    %get3A_2 = arith.constant 0 : index
    %get3A_3 = arith.constant 0 : index
    %get3A_4 = vector.load %arg4[%get3A_2, %get3A_3] : memref<128x64xf32, #tpu.memory_space<vmem>>, vector<128x64xf32>
    %dot_general3A = arith.constant dense<0.000000e+00> : vector<2048x64xf32>
    %dot_general3A_5 = tpu.matmul %get3A_1, %get3A_4, %dot_general3A {dimension_numbers = #tpu.dot_dimension_numbers<[1], [0], [0], [1], [0, 0, 1, 1], [], []>, transpose_lhs_hint = false} : vector<2048x128xf32>, vector<128x64xf32>, vector<2048x64xf32> -> vector<2048x64xf32>
    %get3A_6 = arith.constant 0 : index
    %get3A_7 = arith.constant 0 : index
    %get3A_8 = vector.load %arg2[%get3A_6, %get3A_7] : memref<2048x128xf32, #tpu.memory_space<vmem>>, vector<2048x128xf32>
    %get3A_9 = arith.constant 0 : index
    %get3A_10 = arith.constant 0 : index
    %get3A_11 = vector.load %arg5[%get3A_9, %get3A_10] : memref<128x64xf32, #tpu.memory_space<vmem>>, vector<128x64xf32>
    %dot_general3A_12 = arith.constant dense<0.000000e+00> : vector<2048x64xf32>
    %dot_general3A_13 = tpu.matmul %get3A_8, %get3A_11, %dot_general3A_12 {dimension_numbers = #tpu.dot_dimension_numbers<[1], [0], [0], [1], [0, 0, 1, 1], [], []>, transpose_lhs_hint = false} : vector<2048x128xf32>, vector<128x64xf32>, vector<2048x64xf32> -> vector<2048x64xf32>
    %add3A = arith.addf %dot_general3A_5, %dot_general3A_13 : vector<2048x64xf32>
    %get3A_14 = arith.constant 0 : index
    %get3A_15 = arith.constant 0 : index
    %get3A_16 = vector.load %arg6[%get3A_14, %get3A_15] : memref<1x64xf32, #tpu.memory_space<vmem>>, vector<1x64xf32>
    %add3A_17 = vector.broadcast %get3A_16 : vector<1x64xf32> to vector<2048x64xf32>
    %add3A_18 = arith.addf %add3A, %add3A_17 : vector<2048x64xf32>
    %max3A = arith.constant 0.000000e+00 : f32
    %max3A_19 = vector.broadcast %max3A : f32 to vector<2048x64xf32>
    %max3A_20 = arith.maximumf %add3A_18, %max3A_19 : vector<2048x64xf32>
    %get3A_21 = arith.constant 0 : index
    %get3A_22 = arith.constant 0 : index
    %get3A_23 = vector.load %arg7[%get3A_21, %get3A_22] : memref<64x32xf32, #tpu.memory_space<vmem>>, vector<64x32xf32>
    %dot_general3A_24 = arith.constant dense<0.000000e+00> : vector<2048x32xf32>
    %dot_general3A_25 = tpu.matmul %max3A_20, %get3A_23, %dot_general3A_24 {dimension_numbers = #tpu.dot_dimension_numbers<[1], [0], [0], [1], [0, 0, 1, 1], [], []>, transpose_lhs_hint = false} : vector<2048x64xf32>, vector<64x32xf32>, vector<2048x32xf32> -> vector<2048x32xf32>
    %get3A_26 = arith.constant 0 : index
    %get3A_27 = arith.constant 0 : index
    %get3A_28 = vector.load %arg8[%get3A_26, %get3A_27] : memref<1x32xf32, #tpu.memory_space<vmem>>, vector<1x32xf32>
    %add3A_29 = vector.broadcast %get3A_28 : vector<1x32xf32> to vector<2048x32xf32>
    %add3A_30 = arith.addf %dot_general3A_25, %add3A_29 : vector<2048x32xf32>
    %max3A_31 = arith.constant 0.000000e+00 : f32
    %max3A_32 = vector.broadcast %max3A_31 : f32 to vector<2048x32xf32>
    %max3A_33 = arith.maximumf %add3A_30, %max3A_32 : vector<2048x32xf32>
    %get3A_34 = arith.constant 0 : index
    %get3A_35 = arith.constant 0 : index
    %get3A_36 = vector.load %arg9[%get3A_34, %get3A_35] : memref<32x16xf32, #tpu.memory_space<vmem>>, vector<32x16xf32>
    %dot_general3A_37 = arith.constant dense<0.000000e+00> : vector<2048x16xf32>
    %dot_general3A_38 = tpu.matmul %max3A_33, %get3A_36, %dot_general3A_37 {dimension_numbers = #tpu.dot_dimension_numbers<[1], [0], [0], [1], [0, 0, 1, 1], [], []>, transpose_lhs_hint = false} : vector<2048x32xf32>, vector<32x16xf32>, vector<2048x16xf32> -> vector<2048x16xf32>
    %get3A_39 = arith.constant 0 : index
    %get3A_40 = arith.constant 0 : index
    %get3A_41 = vector.load %arg10[%get3A_39, %get3A_40] : memref<1x16xf32, #tpu.memory_space<vmem>>, vector<1x16xf32>
    %add3A_42 = vector.broadcast %get3A_41 : vector<1x16xf32> to vector<2048x16xf32>
    %add3A_43 = arith.addf %dot_general3A_38, %add3A_42 : vector<2048x16xf32>
    %max3A_44 = arith.constant 0.000000e+00 : f32
    %max3A_45 = vector.broadcast %max3A_44 : f32 to vector<2048x16xf32>
    %max3A_46 = arith.maximumf %add3A_43, %max3A_45 : vector<2048x16xf32>
    %get3A_47 = arith.constant 0 : index
    %get3A_48 = arith.constant 0 : index
    %get3A_49 = vector.load %arg11[%get3A_47, %get3A_48] : memref<16x1xf32, #tpu.memory_space<vmem>>, vector<16x1xf32>
    %dot_general3A_50 = arith.constant dense<0.000000e+00> : vector<2048x1xf32>
    %dot_general3A_51 = tpu.matmul %max3A_46, %get3A_49, %dot_general3A_50 {dimension_numbers = #tpu.dot_dimension_numbers<[1], [0], [0], [1], [0, 0, 1, 1], [], []>, transpose_lhs_hint = false} : vector<2048x16xf32>, vector<16x1xf32>, vector<2048x1xf32> -> vector<2048x1xf32>
    %get3A_52 = arith.constant 0 : index
    %get3A_53 = arith.constant 0 : index
    %get3A_54 = vector.load %arg3[%get3A_52, %get3A_53] : memref<2048x16xf32, #tpu.memory_space<vmem>>, vector<2048x16xf32>
    %reduce_sum3A = arith.constant dense<0.000000e+00> : vector<2048xf32>
    %reduce_sum3A_55 = vector.multi_reduction <add>, %get3A_54, %reduce_sum3A [1] : vector<2048x16xf32> to vector<2048xf32>
    %broadcast_in_dim3A = vector.shape_cast %reduce_sum3A_55 : vector<2048xf32> to vector<2048x1xf32>
    %add3A_56 = arith.addf %dot_general3A_51, %broadcast_in_dim3A : vector<2048x1xf32>
    %get3A_57 = arith.constant 0 : index
    %get3A_58 = arith.constant 0 : index
    %get3A_59 = vector.load %arg12[%get3A_57, %get3A_58] : memref<1x1xf32, #tpu.memory_space<vmem>>, vector<1x1xf32>
    %add3A_60 = vector.broadcast %get3A_59 : vector<1x1xf32> to vector<2048x1xf32>
    %add3A_61 = arith.addf %add3A_56, %add3A_60 : vector<2048x1xf32>
    %neg3A = arith.constant 0.000000e+00 : f32
    %neg3A_62 = vector.broadcast %neg3A : f32 to vector<2048x1xf32>
    %neg3A_63 = arith.subf %neg3A_62, %add3A_61 : vector<2048x1xf32>
    %exp3A = math.exp %neg3A_63 : vector<2048x1xf32>
    %add3A_64 = arith.constant 1.000000e+00 : f32
    %add3A_65 = vector.broadcast %add3A_64 : f32 to vector<2048x1xf32>
    %add3A_66 = arith.addf %add3A_65, %exp3A : vector<2048x1xf32>
    %div3A = arith.constant 1.000000e+00 : f32
    %div3A_67 = vector.broadcast %div3A : f32 to vector<2048x1xf32>
    %div3A_68 = arith.divf %div3A_67, %add3A_66 : vector<2048x1xf32>
    %swap3A = arith.constant 0 : index
    %swap3A_69 = arith.constant 0 : index
    %swap3A_70 = vector.load %arg13[%swap3A, %swap3A_69] : memref<2048x1xf32, #tpu.memory_space<vmem>>, vector<2048x1xf32>
    tpu.vector_store %arg13[%swap3A, %swap3A_69], %div3A_68 {strides = array<i32>} : memref<2048x1xf32, #tpu.memory_space<vmem>>, vector<2048x1xf32>,
    return
  }
  func.func @transform_0(%arg0: i32) -> (i32, i32) {
    %c0_i32 = arith.constant 0 : i32
    %c0_i32_0 = arith.constant 0 : i32
    return %arg0, %c0_i32 : i32, i32
  }
  func.func @transform_1(%arg0: i32) -> (i32, i32) {
    %c0_i32 = arith.constant 0 : i32
    %c0_i32_0 = arith.constant 0 : i32
    return %arg0, %c0_i32 : i32, i32
  }
  func.func @transform_2(%arg0: i32) -> (i32, i32) {
    %c0_i32 = arith.constant 0 : i32
    %c0_i32_0 = arith.constant 0 : i32
    return %arg0, %c0_i32 : i32, i32
  }
  func.func @transform_3(%arg0: i32) -> (i32, i32) {
    %c0_i32 = arith.constant 0 : i32
    %c0_i32_0 = arith.constant 0 : i32
    %c0_i32_1 = arith.constant 0 : i32
    return %c0_i32, %c0_i32_0 : i32, i32
  }
  func.func @transform_4(%arg0: i32) -> (i32, i32) {
    %c0_i32 = arith.constant 0 : i32
    %c0_i32_0 = arith.constant 0 : i32
    %c0_i32_1 = arith.constant 0 : i32
    return %c0_i32, %c0_i32_0 : i32, i32
  }
  func.func @transform_5(%arg0: i32) -> (i32, i32) {
    %c0_i32 = arith.constant 0 : i32
    %c0_i32_0 = arith.constant 0 : i32
    %c0_i32_1 = arith.constant 0 : i32
    return %c0_i32, %c0_i32_0 : i32, i32
  }
  func.func @transform_6(%arg0: i32) -> (i32, i32) {
    %c0_i32 = arith.constant 0 : i32
    %c0_i32_0 = arith.constant 0 : i32
    %c0_i32_1 = arith.constant 0 : i32
    return %c0_i32, %c0_i32_0 : i32, i32
  }
  func.func @transform_7(%arg0: i32) -> (i32, i32) {
    %c0_i32 = arith.constant 0 : i32
    %c0_i32_0 = arith.constant 0 : i32
    %c0_i32_1 = arith.constant 0 : i32
    return %c0_i32, %c0_i32_0 : i32, i32
  }
  func.func @transform_8(%arg0: i32) -> (i32, i32) {
    %c0_i32 = arith.constant 0 : i32
    %c0_i32_0 = arith.constant 0 : i32
    %c0_i32_1 = arith.constant 0 : i32
    return %c0_i32, %c0_i32_0 : i32, i32
  }
  func.func @transform_9(%arg0: i32) -> (i32, i32) {
    %c0_i32 = arith.constant 0 : i32
    %c0_i32_0 = arith.constant 0 : i32
    %c0_i32_1 = arith.constant 0 : i32
    return %c0_i32, %c0_i32_0 : i32, i32
  }
  func.func @transform_10(%arg0: i32) -> (i32, i32) {
    %c0_i32 = arith.constant 0 : i32
    %c0_i32_0 = arith.constant 0 : i32
    %c0_i32_1 = arith.constant 0 : i32
    return %c0_i32, %c0_i32_0 : i32, i32
  }
  func.func @transform_11(%arg0: i32) -> (i32, i32) {
    %c0_i32 = arith.constant 0 : i32
    %c0_i32_0 = arith.constant 0 : i32
    %c0_i32_1 = arith.constant 0 : i32
    return %c0_i32, %c0_i32_0 : i32, i32
  }
  func.func @transform_12(%arg0: i32) -> (i32, i32) {
    %c0_i32 = arith.constant 0 : i32
    %c0_i32_0 = arith.constant 0 : i32
    return %arg0, %c0_i32 : i32, i32
  }
}

module attributes {stable_mosaic.version = 14 : i64} {
  func.func @_tc_mlp_body(%arg0: i32, %arg1: memref<2048x128xf32, #tpu.memory_space<vmem>>, %arg2: memref<2048x128xf32, #tpu.memory_space<vmem>>, %arg3: memref<2048x16xf32, #tpu.memory_space<vmem>>, %arg4: memref<128x64xf32, #tpu.memory_space<vmem>>, %arg5: memref<128x64xf32, #tpu.memory_space<vmem>>, %arg6: memref<1x64xf32, #tpu.memory_space<vmem>>, %arg7: memref<64x32xf32, #tpu.memory_space<vmem>>, %arg8: memref<1x32xf32, #tpu.memory_space<vmem>>, %arg9: memref<32x16xf32, #tpu.memory_space<vmem>>, %arg10: memref<1x16xf32, #tpu.memory_space<vmem>>, %arg11: memref<16x1xf32, #tpu.memory_space<vmem>>, %arg12: memref<1x1xf32, #tpu.memory_space<vmem>>, %arg13: memref<2048x1xf32, #tpu.memory_space<vmem>>) attributes {dimension_semantics = [#tpu.dimension_semantics<arbitrary>], iteration_bounds = array<i64: 3>, scalar_prefetch = 0 : i64, scratch_operands = 0 : i64, tpu.core_type = #tpu.core_type<tc>, window_params = [{transform_indices = @transform_0, window_bounds = array<i64: 2048, 128>}, {transform_indices = @transform_1, window_bounds = array<i64: 2048, 128>}, {transform_indices = @transform_2, window_bounds = array<i64: 2048, 16>}, {pipeline_mode = #tpu.pipeline_mode<synchronous>, transform_indices = @transform_3, window_bounds = array<i64: 128, 64>}, {pipeline_mode = #tpu.pipeline_mode<synchronous>, transform_indices = @transform_4, window_bounds = array<i64: 128, 64>}, {pipeline_mode = #tpu.pipeline_mode<synchronous>, transform_indices = @transform_5, window_bounds = array<i64: 1, 64>}, {pipeline_mode = #tpu.pipeline_mode<synchronous>, transform_indices = @transform_6, window_bounds = array<i64: 64, 32>}, {pipeline_mode = #tpu.pipeline_mode<synchronous>, transform_indices = @transform_7, window_bounds = array<i64: 1, 32>}, {pipeline_mode = #tpu.pipeline_mode<synchronous>, transform_indices = @transform_8, window_bounds = array<i64: 32, 16>}, {pipeline_mode = #tpu.pipeline_mode<synchronous>, transform_indices = @transform_9, window_bounds = array<i64: 1, 16>}, {pipeline_mode = #tpu.pipeline_mode<synchronous>, transform_indices = @transform_10, window_bounds = array<i64: 16, 1>}, {pipeline_mode = #tpu.pipeline_mode<synchronous>, transform_indices = @transform_11, window_bounds = array<i64: 1, 1>}, {transform_indices = @transform_12, window_bounds = array<i64: 2048, 1>}]} {
    %get3A = arith.constant 0 : index
    %get3A_0 = arith.constant 0 : index
    %get3A_1 = vector.load %arg1[%get3A, %get3A_0] : memref<2048x128xf32, #tpu.memory_space<vmem>>, vector<2048x128xf32>
    %get3A_2 = arith.constant 0 : index
    %get3A_3 = arith.constant 0 : index
    %get3A_4 = vector.load %arg4[%get3A_2, %get3A_3] : memref<128x64xf32, #tpu.memory_space<vmem>>, vector<128x64xf32>
    %dot_general3A = arith.constant dense<0.000000e+00> : vector<2048x64xf32>
    %dot_general3A_5 = tpu.matmul %get3A_1, %get3A_4, %dot_general3A {dimension_numbers = #tpu.dot_dimension_numbers<[1], [0], [0], [1], [0, 0, 1, 1], [], []>, transpose_lhs_hint = false} : vector<2048x128xf32>, vector<128x64xf32>, vector<2048x64xf32> -> vector<2048x64xf32>
    %get3A_6 = arith.constant 0 : index
    %get3A_7 = arith.constant 0 : index
    %get3A_8 = vector.load %arg2[%get3A_6, %get3A_7] : memref<2048x128xf32, #tpu.memory_space<vmem>>, vector<2048x128xf32>
    %get3A_9 = arith.constant 0 : index
    %get3A_10 = arith.constant 0 : index
    %get3A_11 = vector.load %arg5[%get3A_9, %get3A_10] : memref<128x64xf32, #tpu.memory_space<vmem>>, vector<128x64xf32>
    %dot_general3A_12 = arith.constant dense<0.000000e+00> : vector<2048x64xf32>
    %dot_general3A_13 = tpu.matmul %get3A_8, %get3A_11, %dot_general3A_12 {dimension_numbers = #tpu.dot_dimension_numbers<[1], [0], [0], [1], [0, 0, 1, 1], [], []>, transpose_lhs_hint = false} : vector<2048x128xf32>, vector<128x64xf32>, vector<2048x64xf32> -> vector<2048x64xf32>
    %add3A = arith.addf %dot_general3A_5, %dot_general3A_13 : vector<2048x64xf32>
    %get3A_14 = arith.constant 0 : index
    %get3A_15 = arith.constant 0 : index
    %get3A_16 = vector.load %arg6[%get3A_14, %get3A_15] : memref<1x64xf32, #tpu.memory_space<vmem>>, vector<1x64xf32>
    %add3A_17 = vector.broadcast %get3A_16 : vector<1x64xf32> to vector<2048x64xf32>
    %add3A_18 = arith.addf %add3A, %add3A_17 : vector<2048x64xf32>
    %max3A = arith.constant 0.000000e+00 : f32
    %max3A_19 = vector.broadcast %max3A : f32 to vector<2048x64xf32>
    %max3A_20 = arith.maximumf %add3A_18, %max3A_19 : vector<2048x64xf32>
    %get3A_21 = arith.constant 0 : index
    %get3A_22 = arith.constant 0 : index
    %get3A_23 = vector.load %arg7[%get3A_21, %get3A_22] : memref<64x32xf32, #tpu.memory_space<vmem>>, vector<64x32xf32>
    %dot_general3A_24 = arith.constant dense<0.000000e+00> : vector<2048x32xf32>
    %dot_general3A_25 = tpu.matmul %max3A_20, %get3A_23, %dot_general3A_24 {dimension_numbers = #tpu.dot_dimension_numbers<[1], [0], [0], [1], [0, 0, 1, 1], [], []>, transpose_lhs_hint = false} : vector<2048x64xf32>, vector<64x32xf32>, vector<2048x32xf32> -> vector<2048x32xf32>
    %get3A_26 = arith.constant 0 : index
    %get3A_27 = arith.constant 0 : index
    %get3A_28 = vector.load %arg8[%get3A_26, %get3A_27] : memref<1x32xf32, #tpu.memory_space<vmem>>, vector<1x32xf32>
    %add3A_29 = vector.broadcast %get3A_28 : vector<1x32xf32> to vector<2048x32xf32>
    %add3A_30 = arith.addf %dot_general3A_25, %add3A_29 : vector<2048x32xf32>
    %max3A_31 = arith.constant 0.000000e+00 : f32
    %max3A_32 = vector.broadcast %max3A_31 : f32 to vector<2048x32xf32>
    %max3A_33 = arith.maximumf %add3A_30, %max3A_32 : vector<2048x32xf32>
    %get3A_34 = arith.constant 0 : index
    %get3A_35 = arith.constant 0 : index
    %get3A_36 = vector.load %arg9[%get3A_34, %get3A_35] : memref<32x16xf32, #tpu.memory_space<vmem>>, vector<32x16xf32>
    %dot_general3A_37 = arith.constant dense<0.000000e+00> : vector<2048x16xf32>
    %dot_general3A_38 = tpu.matmul %max3A_33, %get3A_36, %dot_general3A_37 {dimension_numbers = #tpu.dot_dimension_numbers<[1], [0], [0], [1], [0, 0, 1, 1], [], []>, transpose_lhs_hint = false} : vector<2048x32xf32>, vector<32x16xf32>, vector<2048x16xf32> -> vector<2048x16xf32>
    %get3A_39 = arith.constant 0 : index
    %get3A_40 = arith.constant 0 : index
    %get3A_41 = vector.load %arg10[%get3A_39, %get3A_40] : memref<1x16xf32, #tpu.memory_space<vmem>>, vector<1x16xf32>
    %add3A_42 = vector.broadcast %get3A_41 : vector<1x16xf32> to vector<2048x16xf32>
    %add3A_43 = arith.addf %dot_general3A_38, %add3A_42 : vector<2048x16xf32>
    %max3A_44 = arith.constant 0.000000e+00 : f32
    %max3A_45 = vector.broadcast %max3A_44 : f32 to vector<2048x16xf32>
    %max3A_46 = arith.maximumf %add3A_43, %max3A_45 : vector<2048x16xf32>
    %get3A_47 = arith.constant 0 : index
    %get3A_48 = arith.constant 0 : index
    %get3A_49 = vector.load %arg11[%get3A_47, %get3A_48] : memref<16x1xf32, #tpu.memory_space<vmem>>, vector<16x1xf32>
    %dot_general3A_50 = arith.constant dense<0.000000e+00> : vector<2048x1xf32>
    %dot_general3A_51 = tpu.matmul %max3A_46, %get3A_49, %dot_general3A_50 {dimension_numbers = #tpu.dot_dimension_numbers<[1], [0], [0], [1], [0, 0, 1, 1], [], []>, transpose_lhs_hint = false} : vector<2048x16xf32>, vector<16x1xf32>, vector<2048x1xf32> -> vector<2048x1xf32>
    %get3A_52 = arith.constant 0 : index
    %get3A_53 = arith.constant 0 : index
    %get3A_54 = vector.load %arg3[%get3A_52, %get3A_53] : memref<2048x16xf32, #tpu.memory_space<vmem>>, vector<2048x16xf32>
    %reduce_sum3A = arith.constant dense<0.000000e+00> : vector<2048xf32>
    %reduce_sum3A_55 = vector.multi_reduction <add>, %get3A_54, %reduce_sum3A [1] : vector<2048x16xf32> to vector<2048xf32>
    %broadcast_in_dim3A = vector.shape_cast %reduce_sum3A_55 : vector<2048xf32> to vector<2048x1xf32>
    %add3A_56 = arith.addf %dot_general3A_51, %broadcast_in_dim3A : vector<2048x1xf32>
    %get3A_57 = arith.constant 0 : index
    %get3A_58 = arith.constant 0 : index
    %get3A_59 = vector.load %arg12[%get3A_57, %get3A_58] : memref<1x1xf32, #tpu.memory_space<vmem>>, vector<1x1xf32>
    %add3A_60 = vector.broadcast %get3A_59 : vector<1x1xf32> to vector<2048x1xf32>
    %add3A_61 = arith.addf %add3A_56, %add3A_60 : vector<2048x1xf32>
    %neg3A = arith.constant 0.000000e+00 : f32
    %neg3A_62 = vector.broadcast %neg3A : f32 to vector<2048x1xf32>
    %neg3A_63 = arith.subf %neg3A_62, %add3A_61 : vector<2048x1xf32>
    %exp3A = math.exp %neg3A_63 : vector<2048x1xf32>
    %add3A_64 = arith.constant 1.000000e+00 : f32
    %add3A_65 = vector.broadcast %add3A_64 : f32 to vector<2048x1xf32>
    %add3A_66 = arith.addf %add3A_65, %exp3A : vector<2048x1xf32>
    %div3A = arith.constant 1.000000e+00 : f32
    %div3A_67 = vector.broadcast %div3A : f32 to vector<2048x1xf32>
    %div3A_68 = arith.divf %div3A_67, %add3A_66 : vector<2048x1xf32>
    %swap3A = arith.constant 0 : index
    %swap3A_69 = arith.constant 0 : index
    %swap3A_70 = vector.load %arg13[%swap3A, %swap3A_69] : memref<2048x1xf32, #tpu.memory_space<vmem>>, vector<2048x1xf32>
    tpu.vector_store %arg13[%swap3A, %swap3A_69], %div3A_68 {strides = array<i32>} : memref<2048x1xf32, #tpu.memory_space<vmem>>, vector<2048x1xf32>,
    return
  }
  func.func @transform_0(%arg0: i32) -> (i32, i32) {
    %c0_i32 = arith.constant 0 : i32
    %c0_i32_0 = arith.constant 0 : i32
    return %arg0, %c0_i32 : i32, i32
  }
  func.func @transform_1(%arg0: i32) -> (i32, i32) {
    %c0_i32 = arith.constant 0 : i32
    %c0_i32_0 = arith.constant 0 : i32
    return %arg0, %c0_i32 : i32, i32
  }
  func.func @transform_2(%arg0: i32) -> (i32, i32) {
    %c0_i32 = arith.constant 0 : i32
    %c0_i32_0 = arith.constant 0 : i32
    return %arg0, %c0_i32 : i32, i32
  }
  func.func @transform_3(%arg0: i32) -> (i32, i32) {
    %c0_i32 = arith.constant 0 : i32
    %c0_i32_0 = arith.constant 0 : i32
    %c0_i32_1 = arith.constant 0 : i32
    return %c0_i32, %c0_i32_0 : i32, i32
  }
  func.func @transform_4(%arg0: i32) -> (i32, i32) {
    %c0_i32 = arith.constant 0 : i32
    %c0_i32_0 = arith.constant 0 : i32
    %c0_i32_1 = arith.constant 0 : i32
    return %c0_i32, %c0_i32_0 : i32, i32
  }
  func.func @transform_5(%arg0: i32) -> (i32, i32) {
    %c0_i32 = arith.constant 0 : i32
    %c0_i32_0 = arith.constant 0 : i32
    %c0_i32_1 = arith.constant 0 : i32
    return %c0_i32, %c0_i32_0 : i32, i32
  }
  func.func @transform_6(%arg0: i32) -> (i32, i32) {
    %c0_i32 = arith.constant 0 : i32
    %c0_i32_0 = arith.constant 0 : i32
    %c0_i32_1 = arith.constant 0 : i32
    return %c0_i32, %c0_i32_0 : i32, i32
  }
  func.func @transform_7(%arg0: i32) -> (i32, i32) {
    %c0_i32 = arith.constant 0 : i32
    %c0_i32_0 = arith.constant 0 : i32
    %c0_i32_1 = arith.constant 0 : i32
    return %c0_i32, %c0_i32_0 : i32, i32
  }
  func.func @transform_8(%arg0: i32) -> (i32, i32) {
    %c0_i32 = arith.constant 0 : i32
    %c0_i32_0 = arith.constant 0 : i32
    %c0_i32_1 = arith.constant 0 : i32
    return %c0_i32, %c0_i32_0 : i32, i32
  }
  func.func @transform_9(%arg0: i32) -> (i32, i32) {
    %c0_i32 = arith.constant 0 : i32
    %c0_i32_0 = arith.constant 0 : i32
    %c0_i32_1 = arith.constant 0 : i32
    return %c0_i32, %c0_i32_0 : i32, i32
  }
  func.func @transform_10(%arg0: i32) -> (i32, i32) {
    %c0_i32 = arith.constant 0 : i32
    %c0_i32_0 = arith.constant 0 : i32
    %c0_i32_1 = arith.constant 0 : i32
    return %c0_i32, %c0_i32_0 : i32, i32
  }
  func.func @transform_11(%arg0: i32) -> (i32, i32) {
    %c0_i32 = arith.constant 0 : i32
    %c0_i32_0 = arith.constant 0 : i32
    %c0_i32_1 = arith.constant 0 : i32
    return %c0_i32, %c0_i32_0 : i32, i32
  }
  func.func @transform_12(%arg0: i32) -> (i32, i32) {
    %c0_i32 = arith.constant 0 : i32
    %c0_i32_0 = arith.constant 0 : i32
    return %arg0, %c0_i32 : i32, i32
  }
}

</mosaic_0001>

<sc_bundles>
// kernel: kernel.6.cloned.1.call-start
scs
__scs_entry_jumppad:
0x0: {  	(pc) =	sbr.rel $0x88, $3  }
0x1: {  	(tag) =	ssettag $0x0;
	lr =	simm.s32 $0x1  }
0x2: {  	[smem:$0x3F93] =	sst lr;
	_ =	strace $0xD0000000  }
0x3: {  	_ = 	snop  }
0x4: {  	_ = 	snop  }
0x5: {  	_ = 	snop  }
0x6: {  	_ = 	snop  }
0x7: {  	_ = 	snop  }
__scs_overlays_trampoline_lowered:
0x8: {  	[smem:$0x3FA2] =	sst s0  }
0x9: {  	[smem:$0x3FA3] =	sst s1  }
0xa: {  	[smem:$0x3FA4] =	sst s2  }
0xb: {  	[smem:$0x3FA5] =	sst s3  }
0xc: {  	[smem:$0x3FA6] =	sst s4  }
0xd: {  	[smem:$0x3FA7] =	sst s5  }
0xe: {  	[smem:$0x3FA8] =	sst s6  }
0xf: {  	[smem:$0x3FA9] =	sst s7  }
0x10: {  	[smem:$0x3FAA] =	sst s8  }
0x11: {  	[smem:$0x3FAB] =	sst s9;
	s0 =	simm.s32 @!p0 $0x0  }
0x12: {  	s1 =	sld [smem:$0x3F91];
	s0 =	simm.s32 @p0 $0x1  }
0x13: {  	[smem:$0x3FAC] =	sst s0;
	s0 =	simm.s32 @!p1 $0x0  }
0x14: {  	s2 =	sld [smem:$0x3F90];
	s0 =	simm.s32 @p1 $0x1  }
0x15: {  	[smem:$0x3FAD] =	sst s0;
	s0 =	simm.s32 @!p2 $0x0  }
0x16: {  	s3 =	sld [smem:$0x3FDB];
	s0 =	simm.s32 @p2 $0x1  }
0x17: {  	s4 =	simm.s32 $0x1BF5;
	[smem:$0x3FAF] =	sst s0  }
0x18: {  	s0 =	sld [smem:$0x3F92];
	_ =	swait.ge [sflag:s4], $0x0  }
0x19: {  	s7 =	sld [smem:$0x3F93]  }
0x1a: {  	s8 =	sadd.s32 $0xFFFFE003, lr  }
0x1b: {  	s9 =	sadd.s32 $0xFFFFFEF7, lr;
	s5 =	simm.s32 $0xFFFFFFFF;
	p2 =	slt.u32 s8, $0xFFFFF086  }
0x1c: {  	p1 =	slt.u32 s9, $0xF7A;
	s5 =	simm.s32 @!p2 $0x0  }
0x1d: {  	s5 =	simm.s32 @p1 $0x1;
	p0 =	seq.s32 s7, s2  }
0x1e: {  	s7 =	smul.u32 @!p0 $0xF7A, s2;
	p2 =	seq.s32 @!p0 s5, $0x0  }
0x1f: {  	s9 =	smul.u32 $0xF7A, s1;
	s8 =	simm.s32 @!p0 $0x1BF5;
	p2 =	por !p2, p0  }
0x20: {  	[sflag:s8] =	ssyncset.s32 @!p0 $0xFFFFF086;
	s6 =	sadd.s32 @!p0 s3, s7;
	s7 =	simm.s32 @!p0 $0x108  }
0x21: {  	s3 =	sadd.s32 s3, s9;
	s6 =	sadd.s32 @!p0 $0x88, s6;
	s7 =	simm.s32 @p2 $0x1082  }
0x22: {  	[simem:s7], [sflag:s8] =	dma.local @!p0 [hbm:s6], $0xF7A  }
0x23: {  	s9 =	sor.u32 $0xD0000000, s2;
	s6 =	simm.s32 $0x108;
	_ =	swait.ge @!p0 [sflag:s8], $0x0  }
0x24: {  	s3 =	sadd.s32 $0x88, s3;
	s6 =	simm.s32 @!p1 $0x1082;
	[sflag:s4] =	ssyncset.s32 $0xFFFFF086  }
0x25: {  	[simem:s6], [sflag:s4] =	dma.local [hbm:s3], $0xF7A  }
0x26: {  	[smem:$0x3F93] =	sst s1;
	(tag) =	ssettag s2;
	_ =	strace s9  }
0x27: {  	s1 =	sld [smem:$0x3FA3]  }
0x28: {  	s2 =	sld [smem:$0x3FA4]  }
0x29: {  	s4 =	sld [smem:$0x3FA6]  }
0x2a: {  	p0 =	seq.s32 s5, $0x0;
	s5 =	sld [smem:$0x3FA7]  }
0x2b: {  	s6 =	sld [smem:$0x3FA8]  }
0x2c: {  	s7 =	sld [smem:$0x3FA9]  }
0x2d: {  	s3 =	simm.s32 $0x108;
	s8 =	sld [smem:$0x3FAA]  }
0x2e: {  	s3 =	simm.s32 @!p0 $0x1082;
	s9 =	sld [smem:$0x3FAB]  }
0x2f: {  	lr =	sadd.s32 s0, s3;
	s0 =	sld [smem:$0x3FA2]  }
0x30: {  	s3 =	sld [smem:$0x3FA5]  }
0x31: {  	[smem:$0x3FAE] =	sst s10  }
0x32: {  	s10 =	sld [smem:$0x3FAC];
	_ =	sdelay $0x3  }
0x33: {  	p0 =	seq.s32 s10, $0x1;
	s10 =	sld [smem:$0x3FAE];
	_ =	sdelay $0x3  }
0x34: {  	[smem:$0x3FAE] =	sst s10  }
0x35: {  	s10 =	sld [smem:$0x3FAD];
	_ =	sdelay $0x3  }
0x36: {  	p1 =	seq.s32 s10, $0x1;
	s10 =	sld [smem:$0x3FAE];
	_ =	sdelay $0x3  }
0x37: {  	[smem:$0x3FAE] =	sst s10  }
0x38: {  	s10 =	sld [smem:$0x3FAF]  }
0x39: {  	_ = 	snop;
	(pc) =	sbr.ind lr, $3  }
0x3a: {  	_ = 	snop  }
0x3b: {  	_ = 	snop  }
0x3c: {  	p2 =	seq.s32 s10, $0x1;
	s10 =	sld [smem:$0x3FAE]  }
0x3d: {  	_ =	shalt  }
0x3e: {  	_ =	shalt  }
0x3f: {  	_ =	shalt  }
0x40: {  	_ =	shalt  }
0x41: {  	_ =	shalt  }
0x42: {  	_ =	shalt  }
0x43: {  	_ =	shalt  }
0x44: {  	_ =	shalt  }
0x45: {  	_ =	shalt  }
0x46: {  	_ =	shalt  }
0x47: {  	_ =	shalt  }
0x48: {  	_ =	shalt  }
0x49: {  	_ =	shalt  }
0x4a: {  	_ =	shalt  }
0x4b: {  	_ =	shalt  }
0x4c: {  	_ =	shalt  }
0x4d: {  	_ =	shalt  }
0x4e: {  	_ =	shalt  }
0x4f: {  	_ =	shalt  }
0x50: {  	_ =	shalt  }
0x51: {  	_ =	shalt  }
0x52: {  	_ =	shalt  }
0x53: {  	_ =	shalt  }
0x54: {  	_ =	shalt  }
0x55: {  	_ =	shalt  }
0x56: {  	_ =	shalt  }
0x57: {  	_ =	shalt  }
0x58: {  	_ =	shalt  }
0x59: {  	_ =	shalt  }
0x5a: {  	_ =	shalt  }
0x5b: {  	_ =	shalt  }
0x5c: {  	_ =	shalt  }
0x5d: {  	_ =	shalt  }
0x5e: {  	_ =	shalt  }
0x5f: {  	_ =	shalt  }
0x60: {  	_ =	shalt  }
0x61: {  	_ =	shalt  }
0x62: {  	_ =	shalt  }
0x63: {  	_ =	shalt  }
0x64: {  	_ =	shalt  }
0x65: {  	_ =	shalt  }
0x66: {  	_ =	shalt  }
0x67: {  	_ =	shalt  }
0x68: {  	_ =	shalt  }
0x69: {  	_ =	shalt  }
0x6a: {  	_ =	shalt  }
0x6b: {  	_ =	shalt  }
0x6c: {  	_ =	shalt  }
0x6d: {  	_ =	shalt  }
0x6e: {  	_ =	shalt  }
0x6f: {  	_ =	shalt  }
0x70: {  	_ =	shalt  }
0x71: {  	_ =	shalt  }
0x72: {  	_ =	shalt  }
0x73: {  	_ =	shalt  }
0x74: {  	_ =	shalt  }
0x75: {  	_ =	shalt  }
0x76: {  	_ =	shalt  }
0x77: {  	_ =	shalt  }
0x78: {  	_ =	shalt  }
0x79: {  	_ =	shalt  }
0x7a: {  	_ =	shalt  }
0x7b: {  	_ =	shalt  }
0x7c: {  	_ =	shalt  }
0x7d: {  	_ =	shalt  }
0x7e: {  	_ =	shalt  }
0x7f: {  	_ =	shalt  }
0x80: {  	_ =	shalt  }
0x81: {  	_ =	shalt  }
0x82: {  	_ =	shalt  }
0x83: {  	_ =	shalt  }
0x84: {  	_ =	shalt  }
0x85: {  	_ =	shalt  }
0x86: {  	_ =	shalt  }
0x87: {  	_ =	shalt  }
.Lfunc_end0:
.L_simem_size_0:
called_computation_lowered:
.L_overlay_start_0:
0x88: {  	s2 =	sld [smem:$0x3FD9]  }
0x89: {  	s3 =	sld [smem:$0x3FFE];
	_ =	sdelay $0x1  }
0x8a: {  	s1 =	srdreg.scid  }
0x8b: {  	s0 =	sand.u32 $0x1, s1  }
0x8c: {  	s17 =	sshll.u32 s0, $0xA;
	s2 =	sadd.s32 s3, s2  }
0x8d: {  	s2 =	sadd.s32 s2, s17  }
0x8e: {  	[smem:$0x3FBA] =	sst s2  }
0x8f: {  	_ = 	snop  }
0x90: {  	s2 =	sld [smem:$0x3FC9]  }
0x91: {  	s18 =	sld [smem:$0x3FC8]  }
0x92: {  	s4 =	sld [smem:$0x3FC7]  }
0x93: {  	s5 =	sld [smem:$0x3FC6]  }
0x94: {  	s6 =	sld [smem:$0x3FBF]  }
0x95: {  	s7 =	sld [smem:$0x3FBD]  }
0x96: {  	s8 =	sld [smem:$0x3FBC];
	(tm) =	ssettm $0x1  }
0x97: {  	s9 =	sld [smem:$0x3FFB];
	_ =	sdelay $0x3  }
0x98: {  	_ =	strace s9  }
0x99: {  	s9 =	sld [smem:$0x3FFC];
	_ =	sdelay $0x3  }
0x9a: {  	_ =	strace s9  }
0x9b: {  	s9 =	sld [smem:$0x3FFD];
	_ =	sdelay $0x3  }
0x9c: {  	_ =	strace s9  }
0x9d: {  	_ =	strace $0x8FFFFFFF  }
0x9e: {  	s19 =	sld [smem:$0x3FDB];
	_ =	sdelay $0x1  }
0x9f: {  	s10 =	simm.s32 $_scs_section_size  }
0xa0: {  	s11 =	simm.s32 $_size__tile_overlayer_lowered;
	s12 =	simm.s32 $_tile_overlayer_lowered  }
0xa1: {  	s22 =	simm.s32 $0x1BFF;
	s21 =	sshll.u32 s12, $0x1;
	s9 =	sadd.s32 s10, s19  }
0xa2: {  	s13 =	simm.s32 $0x0;
	s20 =	sshll.u32 s11, $0x1;
	s11 =	sadd.s32 s21, s9  }
0xa3: {  	[timem:s13], [sflag:s22] =	dma.local [hbm:s11], s20  }
0xa4: {  	_ =	swait.ge [sflag:s22], s20  }
0xa5: {  	s10 =	ssub.s32 $0x0, s20;
	[sflag:s22] =	ssyncset.done $0x0  }
0xa6: {  	[sflag:s22] =	ssyncadd.s32 s10;
	_ =	sdelay $0x1  }
0xa7: {  	s23 =	simm.s32 $0x1B8B  }
0xa8: {  	_ =	swait.ge [sflag:s23], $0x1  }
0xa9: {  	[sflag:s23] =	ssyncset.done $0x0  }
0xaa: {  	s25 =	simm.s32 $0x1B8E;
	s24 =	sld [smem:$0x3FFE];
	[sflag:s23] =	ssyncadd.s32 $0xFFFFFFFF  }
0xab: {  	s26 =	simm.s32 $execute0_lowered;
	[smem:$0x3FD2] =	sst s25  }
0xac: {  	s11 =	sshll.u32 s26, $0x1;
	_ =	strace $0x80000046;
	[dreg:$0x1] =	wrdreg $0xFFFFFFFF  }
0xad: {  	s28 =	simm.s32 $_size_execute0_lowered;
	s9 =	sadd.s32 s9, s11;
	[dreg:$0x0] =	wrdreg $0x0  }
0xae: {  	s11 =	sshll.u32 s28, $0x1;
	[dreg:$0x2] =	wrdreg s9  }
0xaf: {  	[dreg:$0x3] =	wrdreg s11  }
0xb0: {  	[dreg:$0x4] =	wrdreg $0xC0  }
0xb1: {  	_ =	task [dreg:s13], $0x5FFFF  }
0xb2: {  	[dreg:$0x1] =	wrdreg $0xFFFFFFFF  }
0xb3: {  	[dreg:$0x0] =	wrdreg $0x60  }
0xb4: {  	[dreg:$0x2] =	wrdreg s7  }
0xb5: {  	[dreg:$0x3] =	wrdreg s8  }
0xb6: {  	[dreg:$0x4] =	wrdreg s2  }
0xb7: {  	[dreg:$0x5] =	wrdreg s18  }
0xb8: {  	[dreg:$0x6] =	wrdreg s4  }
0xb9: {  	[dreg:$0x7] =	wrdreg s5  }
0xba: {  	[dreg:$0x8] =	wrdreg s6  }
0xbb: {  	[dreg:$0x9] =	wrdreg s24  }
0xbc: {  	[dreg:$0xa] =	wrdreg $0x9  }
0xbd: {  	_ =	task.clear_ibuf [dreg:s13], $0xBFFFF;
	_ =	strace $0x90000046  }
0xbe: {  	s29 =	simm.s32 $0x9;
	_ =	strace $0x80000048  }
0xbf: {  	_ =	swait.ge [sflag:s29], $0x1  }
0xc0: {  	[sflag:s29] =	ssyncadd.s32 $0xFFFFFFFF  }
0xc1: {  	_ =	strace $0x90000048  }
0xc2: {  	_ =	sfence  }
0xc3: {  	s30 =	sld [smem:$0x0];
	_ =	sdelay $0x2  }
0xc4: {  	s31 =	sshll.u32 s1, $0xD;
	s1 =	sshrl.u32 s1, $0x2  }
0xc5: {  	s3 =	sand.u32 $0x4000, s31;
	s1 =	sadd.s32 s1, s30  }
0xc6: {  	s0 =	sor.u32 s3, s0;
	s1 =	sshll.u32 s1, $0x11  }
0xc7: {  	s0 =	sor.u32 s1, s0  }
0xc8: {  	s0 =	sadd.s32 $0x8F2B, s0  }
0xc9: {  	[sflag:s0] =	ssyncadd.remote.s32 $0x1  }
0xca: {  	_ =	sfence.sel $0xFFFF  }
0xcb: {  	[dreg:$0x0] =	wrdreg $0xFFFFFFFF;
	(pc) =	sbr.abs _section_cstart, $3  }
0xcc: {  	[dreg:$0x1] =	wrdreg $0xFFFFFFFF  }
0xcd: {  	_ =	task.clear_ibuf [dreg:s13], $0x2FFFF;
	_ =	strace $0x9FFFFFFF  }
0xce: {  	(tm) =	ssettm $0x7FFFFFFF  }
0xcf: {  	_ =	shalt  }
tec
execute0_lowered:
.L_overlay_start_1:
0x0: {  	(tag) =	ssettag $0x1  }
0x1: {  	s2 =	rddreg [dreg:$0x0]  }
0x2: {  	s5 =	rddreg [dreg:$0x1]  }
0x3: {  	s0 =	rddreg [dreg:$0x2]  }
0x4: {  	s1 =	rddreg [dreg:$0x3]  }
0x5: {  	s3 =	rddreg [dreg:$0x4]  }
0x6: {  	s4 =	rddreg [dreg:$0x5];
	s6 =	srdreg.scid  }
0x7: {  	s8 =	stileid.u32;
	s7 =	rddreg [dreg:$0x7];
	s28 =	simm.s32 $0x280  }
0x8: {  	s29 =	simm.s32 $0x1;
	s6 =	sand.u32 $0x1, s6;
	s8 =	sshll.u32 s8, $0x1  }
0x9: {  	s30 =	simm.s32 $0x40;
	s31 =	simm.s32 $0x1C0;
	s8 =	sor.u32 s6, s8  }
0xa: {  	s9 =	sadd.s32 $0x2200, s7;
	s11 =	sadd.s32 $0x2A200, s7;
	s10 =	smul.u32 $0x28, s8  }
0xb: {  	s7 =	sadd.s32 $0x52200, s7;
	s6 =	ssub.s32 $0x2, s6;
	s13 =	smul.u32 $0xA000, s8  }
0xc: {  	s12 =	sshrl.u32 s6, $0x1;
	s8 =	smul.u32 $0x1400, s8;
	s2 =	sadd.s32 s2, s10  }
0xd: {  	s6 =	ssub.s32 s6, s12;
	s25 =	sadd.s32 s5, s10;
	[dreg:$0x9] =	wrdreg s2  }
0xe: {  	s26 =	sshrl.u32 s13, $0x3;
	s12 =	sadd.s32 s9, s8;
	[dreg:$0xa] =	wrdreg s25  }
0xf: {  	s13 =	sadd.s32 s11, s8;
	s8 =	sadd.s32 s7, s8;
	[dreg:$0xb] =	wrdreg s12  }
0x10: {  	s10 =	simm.s32 $0x0;
	[dreg:$0xc] =	wrdreg s13;
	s14 =	sadd.s32 $0x400, s26  }
0x11: {  	[dreg:$0xd] =	wrdreg s8;
	s16 =	sadd.s32 $0x800, s26;
	s15 =	sadd.s32 s9, s14  }
0x12: {  	s21 =	sadd.s32 $0xC00, s26;
	s17 =	sadd.s32 s11, s14;
	[dreg:$0xe] =	wrdreg s15  }
0x13: {  	s2 =	sadd.s32 $0x1000, s26;
	s5 =	sadd.s32 s7, s14;
	[dreg:$0xf] =	wrdreg s17  }
0x14: {  	s26 =	smax.u32 s6, $0x1;
	s18 =	sadd.s32 s9, s16;
	[dreg:$0x10] =	wrdreg s5  }
0x15: {  	s6 =	simm.s32 $0x6400;
	s19 =	sadd.s32 s11, s16;
	[dreg:$0x11] =	wrdreg s18  }
0x16: {  	s12 =	simm.s32 $0x10400;
	s20 =	sadd.s32 s7, s16;
	[dreg:$0x12] =	wrdreg s19  }
0x17: {  	s8 =	simm.s32 $0x380;
	s22 =	sadd.s32 s9, s21;
	[dreg:$0x13] =	wrdreg s20  }
0x18: {  	s23 =	sadd.s32 s11, s21;
	s24 =	sadd.s32 s9, s2;
	[dreg:$0x14] =	wrdreg s22  }
0x19: {  	s25 =	sadd.s32 s11, s2;
	s2 =	sadd.s32 s7, s2;
	[dreg:$0x15] =	wrdreg s23  }
0x1a: {  	s11 =	simm.s32 $0xE400;
	s16 =	simm.s32 $0x1A400;
	[dreg:$0x17] =	wrdreg s24  }
0x1b: {  	s9 =	simm.s32 $0x7;
	s5 =	sadd.s32 s7, s21;
	[dreg:$0x18] =	wrdreg s25  }
0x1c: {  	s22 =	simm.s32 $0x0;
	[dreg:$0x19] =	wrdreg s2;
	s2 =	simm.s32 $0x4400  }
0x1d: {  	s15 =	simm.s32 $0x18400;
	s17 =	simm.s32 $0x2;
	s18 =	simm.s32 $0x8400  }
0x1e: {  	s19 =	simm.s32 $0x3;
	s20 =	simm.s32 $0x4;
	s21 =	simm.s32 $0x12400  }
0x1f: {  	s7 =	simm.s32 $0x5;
	s23 =	simm.s32 $0x200;
	[dreg:$0x16] =	wrdreg s5  }
0x20: {  	s24 =	simm.s32 $0x6;
	[smem:$0x7FF] =	sst s22;
	s5 =	simm.s32 $0x340  }
0x21: {  	_ =	strace $0x80000047;
	[dreg:$0x1a] =	wrdreg s26;
	s26 =	simm.s32 $0x100  }
.LBB2_1:
0x22: {  	s13 =	rddreg [dreg:$0x9]  }
0x23: {  	[tilespmem:s26], [sflag:$0x1] =	stream.linear.gather [hbm4b:s13+s22], $0x140, $0x38;
	[tilespmem:$0x1E400] =	vst v63  }
0x24: {  	s25 =	rddreg [dreg:$0xa]  }
0x25: {  	[tilespmem:s28], [sflag:$0x1] =	stream.linear.gather [hbm4b:s25+s22], $0x140, $0x38;
	[tilespmem:$0x1E400] =	vst v63  }
0x26: {  	s14 =	rddreg [dreg:$0x6]  }
0x27: {  	[tilespmem:s22], [sflag:$0x1] =	stream.linear.gather [hbm4b:s14+s22], $0x100, $0x38;
	[tilespmem:$0x1E400] =	vst v63  }
0x28: {  	_ =	swait.ge [sflag:s29], $0x140  }
0x29: {  	[sflag:s29] =	ssyncset.done $0x0  }
0x2a: {  	[sflag:s29] =	ssyncadd.s32 $0xFFFFFEC0  }
0x2b: {  	_ =	swait.ge [sflag:s29], $0x140  }
0x2c: {  	[sflag:s29] =	ssyncset.done $0x0  }
0x2d: {  	s25 =	simm.s32 $0x400;
	[sflag:s29] =	ssyncadd.s32 $0xFFFFFEC0  }
0x2e: {  	[tilespmem:s25], [sflag:$0x2] =	stream.indirect.gather [hbm4b:s0+s30], $0x80, s26, s30, $0xb8;
	[tilespmem:$0x1E400] =	vst v63  }
0x2f: {  	s14 =	simm.s32 $0x2400  }
0x30: {  	[tilespmem:s14], [sflag:$0x2] =	stream.indirect.gather [hbm4b:s1+s30], $0x80, s28, s30, $0xb8;
	[tilespmem:$0x1E400] =	vst v63  }
0x31: {  	_ = 	snop  }
0x32: {  	[tilespmem:s2], [sflag:$0x2] =	stream.indirect.gather [hbm4b:s3+s30], $0x80, s26, s30, $0xb8;
	[tilespmem:$0x1E400] =	vst v63  }
0x33: {  	_ = 	snop  }
0x34: {  	[tilespmem:s6], [sflag:$0x2] =	stream.indirect.gather [hbm4b:s4+s30], $0x80, s28, s30, $0xb8;
	[tilespmem:$0x1E400] =	vst v63  }
0x35: {  	s13 =	simm.s32 $0x140;
	s14 =	simm.s32 $0xA400  }
0x36: {  	[tilespmem:s14], [sflag:$0x4] =	stream.indirect.gather [hbm4b:s0+s30], $0x80, s13, s30, $0xb8;
	[tilespmem:$0x1E400] =	vst v63  }
0x37: {  	s25 =	simm.s32 $0xC400;
	s14 =	simm.s32 $0x2C0  }
0x38: {  	[tilespmem:s25], [sflag:$0x4] =	stream.indirect.gather [hbm4b:s1+s30], $0x80, s14, s30, $0xb8;
	[tilespmem:$0x1E400] =	vst v63  }
0x39: {  	_ = 	snop  }
0x3a: {  	[tilespmem:s11], [sflag:$0x4] =	stream.indirect.gather [hbm4b:s3+s30], $0x80, s13, s30, $0xb8;
	[tilespmem:$0x1E400] =	vst v63  }
0x3b: {  	_ = 	snop  }
0x3c: {  	[tilespmem:s12], [sflag:$0x4] =	stream.indirect.gather [hbm4b:s4+s30], $0x80, s14, s30, $0xb8;
	[tilespmem:$0x1E400] =	vst v63  }
0x3d: {  	s25 =	simm.s32 $0x14400;
	s13 =	simm.s32 $0x180  }
0x3e: {  	[tilespmem:s25], [sflag:$0x6] =	stream.indirect.gather [hbm4b:s0+s30], $0x80, s13, s30, $0xb8;
	[tilespmem:$0x1E400] =	vst v63  }
0x3f: {  	s14 =	simm.s32 $0x300;
	s25 =	simm.s32 $0x16400  }
0x40: {  	[tilespmem:s25], [sflag:$0x6] =	stream.indirect.gather [hbm4b:s1+s30], $0x80, s14, s30, $0xb8;
	[tilespmem:$0x1E400] =	vst v63  }
0x41: {  	_ = 	snop  }
0x42: {  	[tilespmem:s15], [sflag:$0x6] =	stream.indirect.gather [hbm4b:s3+s30], $0x80, s13, s30, $0xb8;
	[tilespmem:$0x1E400] =	vst v63  }
0x43: {  	_ = 	snop  }
0x44: {  	[tilespmem:s16], [sflag:$0x6] =	stream.indirect.gather [hbm4b:s4+s30], $0x80, s14, s30, $0xb8;
	[tilespmem:$0x1E400] =	vst v63  }
0x45: {  	_ =	swait.ge [sflag:s29], $0x100  }
0x46: {  	[sflag:s29] =	ssyncset.done $0x0  }
0x47: {  	[sflag:s29] =	ssyncadd.s32 $0xFFFFFF00  }
0x48: {  	_ =	swait.ge [sflag:s17], $0x2000  }
0x49: {  	[sflag:s17] =	ssyncset.done $0x0  }
0x4a: {  	[sflag:s17] =	ssyncadd.s32 $0xFFFFE000  }
0x4b: {  	_ =	swait.ge [sflag:s17], $0x2000  }
0x4c: {  	[sflag:s17] =	ssyncset.done $0x0  }
0x4d: {  	[sflag:s17] =	ssyncadd.s32 $0xFFFFE000  }
0x4e: {  	_ =	swait.ge [sflag:s17], $0x2000  }
0x4f: {  	[sflag:s17] =	ssyncset.done $0x0  }
0x50: {  	[sflag:s17] =	ssyncadd.s32 $0xFFFFE000  }
0x51: {  	_ =	swait.ge [sflag:s17], $0x2000  }
0x52: {  	[sflag:s17] =	ssyncset.done $0x0  }
0x53: {  	s14 =	rddreg [dreg:$0xb];
	[sflag:s17] =	ssyncadd.s32 $0xFFFFE000  }
0x54: {  	[hbm4b:s14+s22] =	stream.linear.scatter [tilespmem:s2], [sflag:$0x3], $0x2000, $0x38;
	[tilespmem:$0x1E400] =	vst v63  }
0x55: {  	s25 =	rddreg [dreg:$0xc]  }
0x56: {  	[hbm4b:s25+s22] =	stream.linear.scatter [tilespmem:s6], [sflag:$0x3], $0x2000, $0x38;
	[tilespmem:$0x1E400] =	vst v63  }
0x57: {  	s25 =	simm.s32 $0x0  }
0x58: {  	v0 =	vld [tilespmem:s25+$0x470]  }
0x59: {  	v1 =	vld [tilespmem:s25+$0x460]  }
0x5a: {  	v2 =	vld [tilespmem:s25+$0x450]  }
0x5b: {  	v3 =	vld [tilespmem:s25+$0x440]  }
0x5c: {  	v4 =	vld [tilespmem:s25+$0x430]  }
0x5d: {  	v5 =	vld [tilespmem:s25+$0x420]  }
0x5e: {  	v6 =	vld [tilespmem:s25+$0x2420]  }
0x5f: {  	v7 =	vld [tilespmem:s25+$0x400]  }
0x60: {  	v8 =	vld [tilespmem:s25+$0x2400]  }
0x61: {  	s13 =	simm.s32 $0x200;
	v9 =	vld [tilespmem:s25+$0x410]  }
.LBB2_2:
0x62: {  	p0 =	sne.s32 s13, $0x7E00;
	v10 =	vld [tilespmem:s25+$0x2410]  }
0x63: {  	v11 =	vld [tilespmem:$0x0]  }
0x64: {  	v12 =	vld [tilespmem:$0x10]  }
0x65: {  	v13 =	vld [tilespmem:s25+$0x2430]  }
0x66: {  	v14 =	vld [tilespmem:$0x20]  }
0x67: {  	v7 =	vmul.f32 v8, v7;
	v8 =	vmul.f32 v10, v9;
	v9 =	vld [tilespmem:s25+$0x2440]  }
0x68: {  	v5 =	vmul.f32 v6, v5;
	v6 =	vld [tilespmem:$0x30]  }
0x69: {  	v7 =	vmul.f32 v11, v7;
	v8 =	vmul.f32 v12, v8;
	v10 =	vld [tilespmem:s25+$0x2450]  }
0x6a: {  	v11 =	vld [tilespmem:$0x40]  }
0x6b: {  	v4 =	vmul.f32 v13, v4;
	v7 =	vadd.f32 v8, v7;
	v5 =	vmul.f32 v14, v5;
	v8 =	vld [tilespmem:s25+$0x2460]  }
0x6c: {  	v12 =	vld [tilespmem:$0x50]  }
0x6d: {  	v3 =	vmul.f32 v9, v3;
	v5 =	vadd.f32 v5, v7;
	v4 =	vmul.f32 v6, v4;
	v6 =	vld [tilespmem:s25+$0x2470]  }
0x6e: {  	s14 =	sshra.s32 s13, $0x2;
	v7 =	vld [tilespmem:$0x60]  }
0x6f: {  	v2 =	vmul.f32 v10, v2;
	v9 =	vld [tilespmem:s14+$0x470];
	v4 =	vadd.f32 v4, v5;
	v3 =	vmul.f32 v11, v3  }
0x70: {  	v10 =	vld [tilespmem:$0x70]  }
0x71: {  	v8 =	vmul.f32 v8, v1;
	v4 =	vadd.f32 v3, v4;
	v5 =	vmul.f32 v12, v2;
	v1 =	vld [tilespmem:s14+$0x460]  }
0x72: {  	v2 =	vld [tilespmem:s14+$0x450]  }
0x73: {  	v6 =	vmul.f32 v6, v0;
	v3 =	vld [tilespmem:s14+$0x440];
	v11 =	vadd.f32 v5, v4;
	v7 =	vmul.f32 v7, v8  }
0x74: {  	v4 =	vld [tilespmem:s14+$0x430];
	v0 =	vmov v9  }
.Ltmp0:
0x75: {  	v5 =	vld [tilespmem:s14+$0x420];
	v8 =	vadd.f32 v7, v11;
	v9 =	vmul.f32 v10, v6;
	(pc) =	sbr.rel @p0 .LBB2_2-.Ltmp0, $4  }
0x76: {  	v6 =	vld [tilespmem:s14+$0x2420]  }
0x77: {  	v7 =	vld [tilespmem:s14+$0x400];
	v10 =	vadd.f32 v9, v8  }
0x78: {  	v8 =	vld [tilespmem:s14+$0x2400]  }
0x79: {  	s13 =	sadd.s32 $0x200, s13;
	v9 =	vld [tilespmem:s14+$0x410];
	[tilespmem:s25+$0x8400] =	vst v10;
	s25 =	smov.u32 s14  }
0x7a: {  	v10 =	vld [tilespmem:s25+$0x2410]  }
0x7b: {  	v11 =	vld [tilespmem:$0x0]  }
0x7c: {  	v12 =	vld [tilespmem:$0x10]  }
0x7d: {  	v13 =	vld [tilespmem:s25+$0x2430]  }
0x7e: {  	v14 =	vld [tilespmem:$0x20];
	v5 =	vmul.f32 v6, v5  }
0x7f: {  	v6 =	vld [tilespmem:$0x30];
	v7 =	vmul.f32 v8, v7;
	v8 =	vmul.f32 v10, v9  }
0x80: {  	v9 =	vld [tilespmem:s25+$0x2440]  }
0x81: {  	v7 =	vmul.f32 v11, v7;
	v10 =	vld [tilespmem:s25+$0x2450];
	v8 =	vmul.f32 v12, v8  }
0x82: {  	v11 =	vld [tilespmem:$0x40]  }
0x83: {  	v63 =	vld [tilespmem:$0x50];
	v5 =	vmul.f32 v14, v5;
	v4 =	vmul.f32 v13, v4;
	v7 =	vadd.f32 v8, v7  }
0x84: {  	v8 =	vld [tilespmem:s25+$0x2460]  }
0x85: {  	v4 =	vmul.f32 v6, v4;
	v6 =	vld [tilespmem:s25+$0x2470];
	v3 =	vmul.f32 v9, v3;
	v5 =	vadd.f32 v5, v7  }
0x86: {  	v7 =	vld [tilespmem:$0x60]  }
0x87: {  	v2 =	vmul.f32 v10, v2;
	v3 =	vmul.f32 v11, v3;
	v4 =	vadd.f32 v4, v5  }
0x88: {  	v5 =	vld [tilespmem:$0x70]  }
0x89: {  	v2 =	vmul.f32 v63, v2;
	v1 =	vmul.f32 v8, v1;
	v3 =	vadd.f32 v3, v4;
	_ =	sdelay $0x1  }
0x8a: {  	v0 =	vmul.f32 v6, v0;
	v1 =	vmul.f32 v7, v1;
	v2 =	vadd.f32 v2, v3;
	_ =	sdelay $0x1  }
0x8b: {  	v0 =	vmul.f32 v5, v0;
	v1 =	vadd.f32 v1, v2;
	_ =	sdelay $0x1  }
0x8c: {  	v0 =	vadd.f32 v0, v1;
	_ =	sdelay $0x1  }
0x8d: {  	s13 =	simm.s32 $0x0;
	s14 =	rddreg [dreg:$0xd];
	[tilespmem:s25+$0x8400] =	vst v0  }
0x8e: {  	[hbm4b:s14+s13] =	stream.linear.scatter [tilespmem:s18], [sflag:$0x3], $0x2000, $0x38;
	[tilespmem:$0x1E400] =	vst v63  }
0x8f: {  	_ =	swait.ge [sflag:s19], $0x2000  }
0x90: {  	[sflag:s19] =	ssyncset.done $0x0  }
0x91: {  	[sflag:s19] =	ssyncadd.s32 $0xFFFFE000  }
0x92: {  	_ =	swait.ge [sflag:s19], $0x2000  }
0x93: {  	[sflag:s19] =	ssyncset.done $0x0  }
0x94: {  	[sflag:s19] =	ssyncadd.s32 $0xFFFFE000  }
0x95: {  	_ =	swait.ge [sflag:s19], $0x2000  }
0x96: {  	[sflag:s19] =	ssyncset.done $0x0  }
0x97: {  	s25 =	simm.s32 $0x400;
	[sflag:s19] =	ssyncadd.s32 $0xFFFFE000  }
0x98: {  	[tilespmem:s25], [sflag:$0x2] =	stream.indirect.gather [hbm4b:s0+s30], $0x80, s31, s30, $0xb8;
	[tilespmem:$0x1E400] =	vst v63  }
0x99: {  	s25 =	simm.s32 $0x2400  }
0x9a: {  	[tilespmem:s25], [sflag:$0x2] =	stream.indirect.gather [hbm4b:s1+s30], $0x80, s5, s30, $0xb8;
	[tilespmem:$0x1E400] =	vst v63  }
0x9b: {  	_ = 	snop  }
0x9c: {  	[tilespmem:s2], [sflag:$0x2] =	stream.indirect.gather [hbm4b:s3+s30], $0x80, s31, s30, $0xb8;
	[tilespmem:$0x1E400] =	vst v63  }
0x9d: {  	_ = 	snop  }
0x9e: {  	[tilespmem:s6], [sflag:$0x2] =	stream.indirect.gather [hbm4b:s4+s30], $0x80, s5, s30, $0xb8;
	[tilespmem:$0x1E400] =	vst v63  }
0x9f: {  	_ =	swait.ge [sflag:s20], $0x2000  }
0xa0: {  	[sflag:s20] =	ssyncset.done $0x0  }
0xa1: {  	[sflag:s20] =	ssyncadd.s32 $0xFFFFE000  }
0xa2: {  	_ =	swait.ge [sflag:s20], $0x2000  }
0xa3: {  	[sflag:s20] =	ssyncset.done $0x0  }
0xa4: {  	[sflag:s20] =	ssyncadd.s32 $0xFFFFE000  }
0xa5: {  	_ =	swait.ge [sflag:s20], $0x2000  }
0xa6: {  	[sflag:s20] =	ssyncset.done $0x0  }
0xa7: {  	[sflag:s20] =	ssyncadd.s32 $0xFFFFE000  }
0xa8: {  	_ =	swait.ge [sflag:s20], $0x2000  }
0xa9: {  	[sflag:s20] =	ssyncset.done $0x0  }
0xaa: {  	s25 =	rddreg [dreg:$0xe];
	[sflag:s20] =	ssyncadd.s32 $0xFFFFE000  }
0xab: {  	[hbm4b:s25+s13] =	stream.linear.scatter [tilespmem:s11], [sflag:$0x5], $0x2000, $0x38;
	[tilespmem:$0x1E400] =	vst v63  }
0xac: {  	s25 =	rddreg [dreg:$0xf]  }
0xad: {  	[hbm4b:s25+s13] =	stream.linear.scatter [tilespmem:s12], [sflag:$0x5], $0x2000, $0x38;
	[tilespmem:$0x1E400] =	vst v63  }
0xae: {  	s25 =	simm.s32 $0x0  }
0xaf: {  	v0 =	vld [tilespmem:s25+$0xA470]  }
0xb0: {  	v1 =	vld [tilespmem:s25+$0xA460]  }
0xb1: {  	v2 =	vld [tilespmem:s25+$0xA450]  }
0xb2: {  	v3 =	vld [tilespmem:s25+$0xA440]  }
0xb3: {  	v4 =	vld [tilespmem:s25+$0xA430]  }
0xb4: {  	v5 =	vld [tilespmem:s25+$0xA420]  }
0xb5: {  	v6 =	vld [tilespmem:s25+$0xC420]  }
0xb6: {  	v7 =	vld [tilespmem:s25+$0xA400]  }
0xb7: {  	v8 =	vld [tilespmem:s25+$0xC400]  }
0xb8: {  	s13 =	simm.s32 $0x200;
	v9 =	vld [tilespmem:s25+$0xA410]  }
.LBB2_4:
0xb9: {  	p0 =	sne.s32 s13, $0x7E00;
	v10 =	vld [tilespmem:s25+$0xC410]  }
0xba: {  	v11 =	vld [tilespmem:$0x0]  }
0xbb: {  	v12 =	vld [tilespmem:$0x10]  }
0xbc: {  	v13 =	vld [tilespmem:s25+$0xC430]  }
0xbd: {  	v14 =	vld [tilespmem:$0x20]  }
0xbe: {  	v7 =	vmul.f32 v8, v7;
	v8 =	vmul.f32 v10, v9;
	v9 =	vld [tilespmem:s25+$0xC440]  }
0xbf: {  	v5 =	vmul.f32 v6, v5;
	v6 =	vld [tilespmem:$0x30]  }
0xc0: {  	v7 =	vmul.f32 v11, v7;
	v8 =	vmul.f32 v12, v8;
	v10 =	vld [tilespmem:s25+$0xC450]  }
0xc1: {  	v11 =	vld [tilespmem:$0x40]  }
0xc2: {  	v4 =	vmul.f32 v13, v4;
	v7 =	vadd.f32 v8, v7;
	v5 =	vmul.f32 v14, v5;
	v8 =	vld [tilespmem:s25+$0xC460]  }
0xc3: {  	v12 =	vld [tilespmem:$0x50]  }
0xc4: {  	v3 =	vmul.f32 v9, v3;
	v5 =	vadd.f32 v5, v7;
	v4 =	vmul.f32 v6, v4;
	v6 =	vld [tilespmem:s25+$0xC470]  }
0xc5: {  	s14 =	sshra.s32 s13, $0x2;
	v7 =	vld [tilespmem:$0x60]  }
0xc6: {  	v2 =	vmul.f32 v10, v2;
	v9 =	vld [tilespmem:s14+$0xA470];
	v4 =	vadd.f32 v4, v5;
	v3 =	vmul.f32 v11, v3  }
0xc7: {  	v10 =	vld [tilespmem:$0x70]  }
0xc8: {  	v8 =	vmul.f32 v8, v1;
	v4 =	vadd.f32 v3, v4;
	v5 =	vmul.f32 v12, v2;
	v1 =	vld [tilespmem:s14+$0xA460]  }
0xc9: {  	v2 =	vld [tilespmem:s14+$0xA450]  }
0xca: {  	v6 =	vmul.f32 v6, v0;
	v3 =	vld [tilespmem:s14+$0xA440];
	v11 =	vadd.f32 v5, v4;
	v7 =	vmul.f32 v7, v8  }
0xcb: {  	v4 =	vld [tilespmem:s14+$0xA430];
	v0 =	vmov v9  }
.Ltmp1:
0xcc: {  	v5 =	vld [tilespmem:s14+$0xA420];
	v8 =	vadd.f32 v7, v11;
	v9 =	vmul.f32 v10, v6;
	(pc) =	sbr.rel @p0 .LBB2_4-.Ltmp1, $4  }
0xcd: {  	v6 =	vld [tilespmem:s14+$0xC420]  }
0xce: {  	v7 =	vld [tilespmem:s14+$0xA400];
	v10 =	vadd.f32 v9, v8  }
0xcf: {  	v8 =	vld [tilespmem:s14+$0xC400]  }
0xd0: {  	s13 =	sadd.s32 $0x200, s13;
	v9 =	vld [tilespmem:s14+$0xA410];
	[tilespmem:s25+$0x12400] =	vst v10;
	s25 =	smov.u32 s14  }
0xd1: {  	v10 =	vld [tilespmem:s25+$0xC410]  }
0xd2: {  	v11 =	vld [tilespmem:$0x0]  }
0xd3: {  	v12 =	vld [tilespmem:$0x10]  }
0xd4: {  	v13 =	vld [tilespmem:s25+$0xC430]  }
0xd5: {  	v14 =	vld [tilespmem:$0x20];
	v5 =	vmul.f32 v6, v5  }
0xd6: {  	v6 =	vld [tilespmem:$0x30];
	v7 =	vmul.f32 v8, v7;
	v8 =	vmul.f32 v10, v9  }
0xd7: {  	v9 =	vld [tilespmem:s25+$0xC440]  }
0xd8: {  	v7 =	vmul.f32 v11, v7;
	v10 =	vld [tilespmem:s25+$0xC450];
	v8 =	vmul.f32 v12, v8  }
0xd9: {  	v11 =	vld [tilespmem:$0x40]  }
0xda: {  	v63 =	vld [tilespmem:$0x50];
	v5 =	vmul.f32 v14, v5;
	v4 =	vmul.f32 v13, v4;
	v7 =	vadd.f32 v8, v7  }
0xdb: {  	v8 =	vld [tilespmem:s25+$0xC460]  }
0xdc: {  	v4 =	vmul.f32 v6, v4;
	v6 =	vld [tilespmem:s25+$0xC470];
	v3 =	vmul.f32 v9, v3;
	v5 =	vadd.f32 v5, v7  }
0xdd: {  	v7 =	vld [tilespmem:$0x60]  }
0xde: {  	v2 =	vmul.f32 v10, v2;
	v3 =	vmul.f32 v11, v3;
	v4 =	vadd.f32 v4, v5  }
0xdf: {  	v5 =	vld [tilespmem:$0x70]  }
0xe0: {  	v2 =	vmul.f32 v63, v2;
	v1 =	vmul.f32 v8, v1;
	v3 =	vadd.f32 v3, v4;
	_ =	sdelay $0x1  }
0xe1: {  	v0 =	vmul.f32 v6, v0;
	v1 =	vmul.f32 v7, v1;
	v2 =	vadd.f32 v2, v3;
	_ =	sdelay $0x1  }
0xe2: {  	v0 =	vmul.f32 v5, v0;
	v1 =	vadd.f32 v1, v2;
	_ =	sdelay $0x1  }
0xe3: {  	v0 =	vadd.f32 v0, v1;
	_ =	sdelay $0x1  }
0xe4: {  	s13 =	simm.s32 $0x0;
	s14 =	rddreg [dreg:$0x10];
	[tilespmem:s25+$0x12400] =	vst v0  }
0xe5: {  	[hbm4b:s14+s13] =	stream.linear.scatter [tilespmem:s21], [sflag:$0x5], $0x2000, $0x38;
	[tilespmem:$0x1E400] =	vst v63  }
0xe6: {  	_ =	swait.ge [sflag:s7], $0x2000  }
0xe7: {  	[sflag:s7] =	ssyncset.done $0x0  }
0xe8: {  	[sflag:s7] =	ssyncadd.s32 $0xFFFFE000  }
0xe9: {  	_ =	swait.ge [sflag:s7], $0x2000  }
0xea: {  	[sflag:s7] =	ssyncset.done $0x0  }
0xeb: {  	[sflag:s7] =	ssyncadd.s32 $0xFFFFE000  }
0xec: {  	_ =	swait.ge [sflag:s7], $0x2000  }
0xed: {  	[sflag:s7] =	ssyncset.done $0x0  }
0xee: {  	s25 =	simm.s32 $0xA400;
	[sflag:s7] =	ssyncadd.s32 $0xFFFFE000  }
0xef: {  	[tilespmem:s25], [sflag:$0x4] =	stream.indirect.gather [hbm4b:s0+s30], $0x80, s23, s30, $0xb8;
	[tilespmem:$0x1E400] =	vst v63  }
0xf0: {  	s25 =	simm.s32 $0xC400  }
0xf1: {  	[tilespmem:s25], [sflag:$0x4] =	stream.indirect.gather [hbm4b:s1+s30], $0x80, s8, s30, $0xb8;
	[tilespmem:$0x1E400] =	vst v63  }
0xf2: {  	_ = 	snop  }
0xf3: {  	[tilespmem:s11], [sflag:$0x4] =	stream.indirect.gather [hbm4b:s3+s30], $0x80, s23, s30, $0xb8;
	[tilespmem:$0x1E400] =	vst v63  }
0xf4: {  	_ = 	snop  }
0xf5: {  	[tilespmem:s12], [sflag:$0x4] =	stream.indirect.gather [hbm4b:s4+s30], $0x80, s8, s30, $0xb8;
	[tilespmem:$0x1E400] =	vst v63  }
0xf6: {  	_ =	swait.ge [sflag:s24], $0x2000  }
0xf7: {  	[sflag:s24] =	ssyncset.done $0x0  }
0xf8: {  	[sflag:s24] =	ssyncadd.s32 $0xFFFFE000  }
0xf9: {  	_ =	swait.ge [sflag:s24], $0x2000  }
0xfa: {  	[sflag:s24] =	ssyncset.done $0x0  }
0xfb: {  	[sflag:s24] =	ssyncadd.s32 $0xFFFFE000  }
0xfc: {  	_ =	swait.ge [sflag:s24], $0x2000  }
0xfd: {  	[sflag:s24] =	ssyncset.done $0x0  }
0xfe: {  	[sflag:s24] =	ssyncadd.s32 $0xFFFFE000  }
0xff: {  	_ =	swait.ge [sflag:s24], $0x2000  }
0x100: {  	[sflag:s24] =	ssyncset.done $0x0  }
0x101: {  	s25 =	rddreg [dreg:$0x11];
	[sflag:s24] =	ssyncadd.s32 $0xFFFFE000  }
0x102: {  	[hbm4b:s25+s13] =	stream.linear.scatter [tilespmem:s15], [sflag:$0x7], $0x2000, $0x38;
	[tilespmem:$0x1E400] =	vst v63  }
0x103: {  	s25 =	rddreg [dreg:$0x12]  }
0x104: {  	[hbm4b:s25+s13] =	stream.linear.scatter [tilespmem:s16], [sflag:$0x7], $0x2000, $0x38;
	[tilespmem:$0x1E400] =	vst v63  }
0x105: {  	s25 =	simm.s32 $0x0  }
0x106: {  	v0 =	vld [tilespmem:s25+$0x14470]  }
0x107: {  	v1 =	vld [tilespmem:s25+$0x14460]  }
0x108: {  	v2 =	vld [tilespmem:s25+$0x14450]  }
0x109: {  	v3 =	vld [tilespmem:s25+$0x14440]  }
0x10a: {  	v4 =	vld [tilespmem:s25+$0x14430]  }
0x10b: {  	v5 =	vld [tilespmem:s25+$0x14420]  }
0x10c: {  	v6 =	vld [tilespmem:s25+$0x16420]  }
0x10d: {  	v7 =	vld [tilespmem:s25+$0x14400]  }
0x10e: {  	v8 =	vld [tilespmem:s25+$0x16400]  }
0x10f: {  	s13 =	simm.s32 $0x200;
	v9 =	vld [tilespmem:s25+$0x14410]  }
.LBB2_6:
0x110: {  	p0 =	sne.s32 s13, $0x7E00;
	v10 =	vld [tilespmem:s25+$0x16410]  }
0x111: {  	v11 =	vld [tilespmem:$0x0]  }
0x112: {  	v12 =	vld [tilespmem:$0x10]  }
0x113: {  	v13 =	vld [tilespmem:s25+$0x16430]  }
0x114: {  	v14 =	vld [tilespmem:$0x20]  }
0x115: {  	v7 =	vmul.f32 v8, v7;
	v8 =	vmul.f32 v10, v9;
	v9 =	vld [tilespmem:s25+$0x16440]  }
0x116: {  	v5 =	vmul.f32 v6, v5;
	v6 =	vld [tilespmem:$0x30]  }
0x117: {  	v7 =	vmul.f32 v11, v7;
	v8 =	vmul.f32 v12, v8;
	v10 =	vld [tilespmem:s25+$0x16450]  }
0x118: {  	v11 =	vld [tilespmem:$0x40]  }
0x119: {  	v4 =	vmul.f32 v13, v4;
	v7 =	vadd.f32 v8, v7;
	v5 =	vmul.f32 v14, v5;
	v8 =	vld [tilespmem:s25+$0x16460]  }
0x11a: {  	v12 =	vld [tilespmem:$0x50]  }
0x11b: {  	v3 =	vmul.f32 v9, v3;
	v5 =	vadd.f32 v5, v7;
	v4 =	vmul.f32 v6, v4;
	v6 =	vld [tilespmem:s25+$0x16470]  }
0x11c: {  	s14 =	sshra.s32 s13, $0x2;
	v7 =	vld [tilespmem:$0x60]  }
0x11d: {  	v2 =	vmul.f32 v10, v2;
	v9 =	vld [tilespmem:s14+$0x14470];
	v4 =	vadd.f32 v4, v5;
	v3 =	vmul.f32 v11, v3  }
0x11e: {  	v10 =	vld [tilespmem:$0x70]  }
0x11f: {  	v8 =	vmul.f32 v8, v1;
	v4 =	vadd.f32 v3, v4;
	v5 =	vmul.f32 v12, v2;
	v1 =	vld [tilespmem:s14+$0x14460]  }
0x120: {  	v2 =	vld [tilespmem:s14+$0x14450]  }
0x121: {  	v6 =	vmul.f32 v6, v0;
	v3 =	vld [tilespmem:s14+$0x14440];
	v11 =	vadd.f32 v5, v4;
	v7 =	vmul.f32 v7, v8  }
0x122: {  	v4 =	vld [tilespmem:s14+$0x14430];
	v0 =	vmov v9  }
.Ltmp2:
0x123: {  	v5 =	vld [tilespmem:s14+$0x14420];
	v8 =	vadd.f32 v7, v11;
	v9 =	vmul.f32 v10, v6;
	(pc) =	sbr.rel @p0 .LBB2_6-.Ltmp2, $4  }
0x124: {  	v6 =	vld [tilespmem:s14+$0x16420]  }
0x125: {  	v7 =	vld [tilespmem:s14+$0x14400];
	v10 =	vadd.f32 v9, v8  }
0x126: {  	v8 =	vld [tilespmem:s14+$0x16400]  }
0x127: {  	s13 =	sadd.s32 $0x200, s13;
	v9 =	vld [tilespmem:s14+$0x14410];
	[tilespmem:s25+$0x1C400] =	vst v10;
	s25 =	smov.u32 s14  }
0x128: {  	v10 =	vld [tilespmem:s25+$0x16410]  }
0x129: {  	v11 =	vld [tilespmem:$0x0]  }
0x12a: {  	v12 =	vld [tilespmem:$0x10]  }
0x12b: {  	v13 =	vld [tilespmem:s25+$0x16430]  }
0x12c: {  	v14 =	vld [tilespmem:$0x20];
	v5 =	vmul.f32 v6, v5  }
0x12d: {  	v6 =	vld [tilespmem:$0x30];
	v7 =	vmul.f32 v8, v7;
	v8 =	vmul.f32 v10, v9  }
0x12e: {  	v9 =	vld [tilespmem:s25+$0x16440]  }
0x12f: {  	v7 =	vmul.f32 v11, v7;
	v10 =	vld [tilespmem:s25+$0x16450];
	v8 =	vmul.f32 v12, v8  }
0x130: {  	v11 =	vld [tilespmem:$0x40]  }
0x131: {  	v63 =	vld [tilespmem:$0x50];
	v5 =	vmul.f32 v14, v5;
	v4 =	vmul.f32 v13, v4;
	v7 =	vadd.f32 v8, v7  }
0x132: {  	v8 =	vld [tilespmem:s25+$0x16460]  }
0x133: {  	v4 =	vmul.f32 v6, v4;
	v6 =	vld [tilespmem:s25+$0x16470];
	v3 =	vmul.f32 v9, v3;
	v5 =	vadd.f32 v5, v7  }
0x134: {  	v7 =	vld [tilespmem:$0x60]  }
0x135: {  	v2 =	vmul.f32 v10, v2;
	v3 =	vmul.f32 v11, v3;
	v4 =	vadd.f32 v4, v5  }
0x136: {  	v5 =	vld [tilespmem:$0x70]  }
0x137: {  	v2 =	vmul.f32 v63, v2;
	v1 =	vmul.f32 v8, v1;
	v3 =	vadd.f32 v3, v4;
	_ =	sdelay $0x1  }
0x138: {  	v0 =	vmul.f32 v6, v0;
	v1 =	vmul.f32 v7, v1;
	v2 =	vadd.f32 v2, v3;
	_ =	sdelay $0x1  }
0x139: {  	v0 =	vmul.f32 v5, v0;
	v1 =	vadd.f32 v1, v2;
	_ =	sdelay $0x1  }
0x13a: {  	v0 =	vadd.f32 v0, v1;
	_ =	sdelay $0x1  }
0x13b: {  	s13 =	simm.s32 $0x0;
	s14 =	rddreg [dreg:$0x13];
	[tilespmem:s25+$0x1C400] =	vst v0;
	s25 =	simm.s32 $0x1C400  }
0x13c: {  	[hbm4b:s14+s13] =	stream.linear.scatter [tilespmem:s25], [sflag:$0x7], $0x2000, $0x38;
	[tilespmem:$0x1E400] =	vst v63  }
0x13d: {  	_ =	swait.ge [sflag:s17], $0x2000  }
0x13e: {  	[sflag:s17] =	ssyncset.done $0x0  }
0x13f: {  	[sflag:s17] =	ssyncadd.s32 $0xFFFFE000  }
0x140: {  	_ =	swait.ge [sflag:s17], $0x2000  }
0x141: {  	[sflag:s17] =	ssyncset.done $0x0  }
0x142: {  	[sflag:s17] =	ssyncadd.s32 $0xFFFFE000  }
0x143: {  	_ =	swait.ge [sflag:s17], $0x2000  }
0x144: {  	[sflag:s17] =	ssyncset.done $0x0  }
0x145: {  	[sflag:s17] =	ssyncadd.s32 $0xFFFFE000  }
0x146: {  	_ =	swait.ge [sflag:s17], $0x2000  }
0x147: {  	[sflag:s17] =	ssyncset.done $0x0  }
0x148: {  	s25 =	rddreg [dreg:$0x14];
	[sflag:s17] =	ssyncadd.s32 $0xFFFFE000  }
0x149: {  	[hbm4b:s25+s13] =	stream.linear.scatter [tilespmem:s2], [sflag:$0x3], $0x2000, $0x38;
	[tilespmem:$0x1E400] =	vst v63  }
0x14a: {  	s25 =	rddreg [dreg:$0x15]  }
0x14b: {  	[hbm4b:s25+s13] =	stream.linear.scatter [tilespmem:s6], [sflag:$0x3], $0x2000, $0x38;
	[tilespmem:$0x1E400] =	vst v63  }
0x14c: {  	s25 =	simm.s32 $0x0  }
0x14d: {  	v0 =	vld [tilespmem:s25+$0x470]  }
0x14e: {  	v1 =	vld [tilespmem:s25+$0x460]  }
0x14f: {  	v2 =	vld [tilespmem:s25+$0x450]  }
0x150: {  	v3 =	vld [tilespmem:s25+$0x440]  }
0x151: {  	v4 =	vld [tilespmem:s25+$0x430]  }
0x152: {  	v5 =	vld [tilespmem:s25+$0x420]  }
0x153: {  	v6 =	vld [tilespmem:s25+$0x2420]  }
0x154: {  	v7 =	vld [tilespmem:s25+$0x400]  }
0x155: {  	v8 =	vld [tilespmem:s25+$0x2400]  }
0x156: {  	s13 =	simm.s32 $0x200;
	v9 =	vld [tilespmem:s25+$0x410]  }
.LBB2_8:
0x157: {  	p0 =	sne.s32 s13, $0x7E00;
	v10 =	vld [tilespmem:s25+$0x2410]  }
0x158: {  	v11 =	vld [tilespmem:$0x0]  }
0x159: {  	v12 =	vld [tilespmem:$0x10]  }
0x15a: {  	v13 =	vld [tilespmem:s25+$0x2430]  }
0x15b: {  	v14 =	vld [tilespmem:$0x20]  }
0x15c: {  	v7 =	vmul.f32 v8, v7;
	v8 =	vmul.f32 v10, v9;
	v9 =	vld [tilespmem:s25+$0x2440]  }
0x15d: {  	v5 =	vmul.f32 v6, v5;
	v6 =	vld [tilespmem:$0x30]  }
0x15e: {  	v7 =	vmul.f32 v11, v7;
	v8 =	vmul.f32 v12, v8;
	v10 =	vld [tilespmem:s25+$0x2450]  }
0x15f: {  	v11 =	vld [tilespmem:$0x40]  }
0x160: {  	v4 =	vmul.f32 v13, v4;
	v7 =	vadd.f32 v8, v7;
	v5 =	vmul.f32 v14, v5;
	v8 =	vld [tilespmem:s25+$0x2460]  }
0x161: {  	v12 =	vld [tilespmem:$0x50]  }
0x162: {  	v3 =	vmul.f32 v9, v3;
	v5 =	vadd.f32 v5, v7;
	v4 =	vmul.f32 v6, v4;
	v6 =	vld [tilespmem:s25+$0x2470]  }
0x163: {  	s14 =	sshra.s32 s13, $0x2;
	v7 =	vld [tilespmem:$0x60]  }
0x164: {  	v2 =	vmul.f32 v10, v2;
	v9 =	vld [tilespmem:s14+$0x470];
	v4 =	vadd.f32 v4, v5;
	v3 =	vmul.f32 v11, v3  }
0x165: {  	v10 =	vld [tilespmem:$0x70]  }
0x166: {  	v8 =	vmul.f32 v8, v1;
	v4 =	vadd.f32 v3, v4;
	v5 =	vmul.f32 v12, v2;
	v1 =	vld [tilespmem:s14+$0x460]  }
0x167: {  	v2 =	vld [tilespmem:s14+$0x450]  }
0x168: {  	v6 =	vmul.f32 v6, v0;
	v3 =	vld [tilespmem:s14+$0x440];
	v11 =	vadd.f32 v5, v4;
	v7 =	vmul.f32 v7, v8  }
0x169: {  	v4 =	vld [tilespmem:s14+$0x430];
	v0 =	vmov v9  }
.Ltmp3:
0x16a: {  	v5 =	vld [tilespmem:s14+$0x420];
	v8 =	vadd.f32 v7, v11;
	v9 =	vmul.f32 v10, v6;
	(pc) =	sbr.rel @p0 .LBB2_8-.Ltmp3, $4  }
0x16b: {  	v6 =	vld [tilespmem:s14+$0x2420]  }
0x16c: {  	v7 =	vld [tilespmem:s14+$0x400];
	v10 =	vadd.f32 v9, v8  }
0x16d: {  	v8 =	vld [tilespmem:s14+$0x2400]  }
0x16e: {  	s13 =	sadd.s32 $0x200, s13;
	v9 =	vld [tilespmem:s14+$0x410];
	[tilespmem:s25+$0x8400] =	vst v10;
	s25 =	smov.u32 s14  }
0x16f: {  	v10 =	vld [tilespmem:s25+$0x2410]  }
0x170: {  	v11 =	vld [tilespmem:$0x0]  }
0x171: {  	v12 =	vld [tilespmem:$0x10]  }
0x172: {  	v13 =	vld [tilespmem:s25+$0x2430]  }
0x173: {  	v14 =	vld [tilespmem:$0x20];
	v5 =	vmul.f32 v6, v5  }
0x174: {  	v6 =	vld [tilespmem:$0x30];
	v7 =	vmul.f32 v8, v7;
	v8 =	vmul.f32 v10, v9  }
0x175: {  	v9 =	vld [tilespmem:s25+$0x2440]  }
0x176: {  	v7 =	vmul.f32 v11, v7;
	v10 =	vld [tilespmem:s25+$0x2450];
	v8 =	vmul.f32 v12, v8  }
0x177: {  	v11 =	vld [tilespmem:$0x40]  }
0x178: {  	v63 =	vld [tilespmem:$0x50];
	v5 =	vmul.f32 v14, v5;
	v4 =	vmul.f32 v13, v4;
	v7 =	vadd.f32 v8, v7  }
0x179: {  	v8 =	vld [tilespmem:s25+$0x2460]  }
0x17a: {  	v4 =	vmul.f32 v6, v4;
	v6 =	vld [tilespmem:s25+$0x2470];
	v3 =	vmul.f32 v9, v3;
	v5 =	vadd.f32 v5, v7  }
0x17b: {  	v7 =	vld [tilespmem:$0x60]  }
0x17c: {  	v2 =	vmul.f32 v10, v2;
	v3 =	vmul.f32 v11, v3;
	v4 =	vadd.f32 v4, v5  }
0x17d: {  	v5 =	vld [tilespmem:$0x70]  }
0x17e: {  	v2 =	vmul.f32 v63, v2;
	v1 =	vmul.f32 v8, v1;
	v3 =	vadd.f32 v3, v4;
	_ =	sdelay $0x1  }
0x17f: {  	v0 =	vmul.f32 v6, v0;
	v1 =	vmul.f32 v7, v1;
	v2 =	vadd.f32 v2, v3;
	_ =	sdelay $0x1  }
0x180: {  	v0 =	vmul.f32 v5, v0;
	v1 =	vadd.f32 v1, v2;
	_ =	sdelay $0x1  }
0x181: {  	v0 =	vadd.f32 v0, v1;
	_ =	sdelay $0x1  }
0x182: {  	s13 =	simm.s32 $0x0;
	s14 =	rddreg [dreg:$0x16];
	[tilespmem:s25+$0x8400] =	vst v0  }
0x183: {  	[hbm4b:s14+s13] =	stream.linear.scatter [tilespmem:s18], [sflag:$0x3], $0x2000, $0x38;
	[tilespmem:$0x1E400] =	vst v63  }
0x184: {  	_ =	swait.ge [sflag:s20], $0x2000  }
0x185: {  	[sflag:s20] =	ssyncset.done $0x0  }
0x186: {  	[sflag:s20] =	ssyncadd.s32 $0xFFFFE000  }
0x187: {  	_ =	swait.ge [sflag:s20], $0x2000  }
0x188: {  	[sflag:s20] =	ssyncset.done $0x0  }
0x189: {  	[sflag:s20] =	ssyncadd.s32 $0xFFFFE000  }
0x18a: {  	_ =	swait.ge [sflag:s20], $0x2000  }
0x18b: {  	[sflag:s20] =	ssyncset.done $0x0  }
0x18c: {  	[sflag:s20] =	ssyncadd.s32 $0xFFFFE000  }
0x18d: {  	_ =	swait.ge [sflag:s20], $0x2000  }
0x18e: {  	[sflag:s20] =	ssyncset.done $0x0  }
0x18f: {  	s25 =	rddreg [dreg:$0x17];
	[sflag:s20] =	ssyncadd.s32 $0xFFFFE000  }
0x190: {  	[hbm4b:s25+s13] =	stream.linear.scatter [tilespmem:s11], [sflag:$0x5], $0x2000, $0x38;
	[tilespmem:$0x1E400] =	vst v63  }
0x191: {  	s25 =	rddreg [dreg:$0x18]  }
0x192: {  	[hbm4b:s25+s13] =	stream.linear.scatter [tilespmem:s12], [sflag:$0x5], $0x2000, $0x38;
	[tilespmem:$0x1E400] =	vst v63  }
0x193: {  	s25 =	simm.s32 $0x0  }
0x194: {  	v0 =	vld [tilespmem:s25+$0xA470]  }
0x195: {  	v1 =	vld [tilespmem:s25+$0xA460]  }
0x196: {  	v2 =	vld [tilespmem:s25+$0xA450]  }
0x197: {  	v3 =	vld [tilespmem:s25+$0xA440]  }
0x198: {  	v4 =	vld [tilespmem:s25+$0xA430]  }
0x199: {  	v5 =	vld [tilespmem:s25+$0xA420]  }
0x19a: {  	v6 =	vld [tilespmem:s25+$0xC420]  }
0x19b: {  	v7 =	vld [tilespmem:s25+$0xA400]  }
0x19c: {  	v8 =	vld [tilespmem:s25+$0xC400]  }
0x19d: {  	s13 =	simm.s32 $0x200;
	v9 =	vld [tilespmem:s25+$0xA410]  }
.LBB2_10:
0x19e: {  	p0 =	sne.s32 s13, $0x7E00;
	v10 =	vld [tilespmem:s25+$0xC410]  }
0x19f: {  	v11 =	vld [tilespmem:$0x0]  }
0x1a0: {  	v12 =	vld [tilespmem:$0x10]  }
0x1a1: {  	v13 =	vld [tilespmem:s25+$0xC430]  }
0x1a2: {  	v14 =	vld [tilespmem:$0x20]  }
0x1a3: {  	v7 =	vmul.f32 v8, v7;
	v8 =	vmul.f32 v10, v9;
	v9 =	vld [tilespmem:s25+$0xC440]  }
0x1a4: {  	v5 =	vmul.f32 v6, v5;
	v6 =	vld [tilespmem:$0x30]  }
0x1a5: {  	v7 =	vmul.f32 v11, v7;
	v8 =	vmul.f32 v12, v8;
	v10 =	vld [tilespmem:s25+$0xC450]  }
0x1a6: {  	v11 =	vld [tilespmem:$0x40]  }
0x1a7: {  	v4 =	vmul.f32 v13, v4;
	v7 =	vadd.f32 v8, v7;
	v5 =	vmul.f32 v14, v5;
	v8 =	vld [tilespmem:s25+$0xC460]  }
0x1a8: {  	v12 =	vld [tilespmem:$0x50]  }
0x1a9: {  	v3 =	vmul.f32 v9, v3;
	v5 =	vadd.f32 v5, v7;
	v4 =	vmul.f32 v6, v4;
	v6 =	vld [tilespmem:s25+$0xC470]  }
0x1aa: {  	s14 =	sshra.s32 s13, $0x2;
	v7 =	vld [tilespmem:$0x60]  }
0x1ab: {  	v2 =	vmul.f32 v10, v2;
	v9 =	vld [tilespmem:s14+$0xA470];
	v4 =	vadd.f32 v4, v5;
	v3 =	vmul.f32 v11, v3  }
0x1ac: {  	v10 =	vld [tilespmem:$0x70]  }
0x1ad: {  	v8 =	vmul.f32 v8, v1;
	v4 =	vadd.f32 v3, v4;
	v5 =	vmul.f32 v12, v2;
	v1 =	vld [tilespmem:s14+$0xA460]  }
0x1ae: {  	v2 =	vld [tilespmem:s14+$0xA450]  }
0x1af: {  	v6 =	vmul.f32 v6, v0;
	v3 =	vld [tilespmem:s14+$0xA440];
	v11 =	vadd.f32 v5, v4;
	v7 =	vmul.f32 v7, v8  }
0x1b0: {  	v4 =	vld [tilespmem:s14+$0xA430];
	v0 =	vmov v9  }
.Ltmp4:
0x1b1: {  	v5 =	vld [tilespmem:s14+$0xA420];
	v8 =	vadd.f32 v7, v11;
	v9 =	vmul.f32 v10, v6;
	(pc) =	sbr.rel @p0 .LBB2_10-.Ltmp4, $4  }
0x1b2: {  	v6 =	vld [tilespmem:s14+$0xC420]  }
0x1b3: {  	v7 =	vld [tilespmem:s14+$0xA400];
	v10 =	vadd.f32 v9, v8  }
0x1b4: {  	v8 =	vld [tilespmem:s14+$0xC400]  }
0x1b5: {  	s13 =	sadd.s32 $0x200, s13;
	v9 =	vld [tilespmem:s14+$0xA410];
	[tilespmem:s25+$0x12400] =	vst v10;
	s25 =	smov.u32 s14  }
0x1b6: {  	v10 =	vld [tilespmem:s25+$0xC410]  }
0x1b7: {  	v11 =	vld [tilespmem:$0x0]  }
0x1b8: {  	v12 =	vld [tilespmem:$0x10]  }
0x1b9: {  	v13 =	vld [tilespmem:s25+$0xC430]  }
0x1ba: {  	v14 =	vld [tilespmem:$0x20]  }
0x1bb: {  	v55 =	vld [tilespmem:s25+$0xC440];
	v7 =	vmul.f32 v8, v7;
	v54 =	vmul.f32 v10, v9  }
0x1bc: {  	v56 =	vld [tilespmem:$0x30];
	v5 =	vmul.f32 v6, v5  }
0x1bd: {  	v57 =	vld [tilespmem:s25+$0xC450];
	v7 =	vmul.f32 v11, v7;
	v8 =	vmul.f32 v12, v54  }
0x1be: {  	v58 =	vld [tilespmem:$0x40]  }
0x1bf: {  	v59 =	vld [tilespmem:s25+$0xC460];
	v5 =	vmul.f32 v14, v5;
	v4 =	vmul.f32 v13, v4;
	v7 =	vadd.f32 v8, v7  }
0x1c0: {  	v60 =	vld [tilespmem:$0x50]  }
0x1c1: {  	v61 =	vld [tilespmem:s25+$0xC470];
	v3 =	vmul.f32 v55, v3;
	v4 =	vmul.f32 v56, v4;
	v5 =	vadd.f32 v5, v7  }
0x1c2: {  	v62 =	vld [tilespmem:$0x60]  }
0x1c3: {  	v2 =	vmul.f32 v57, v2;
	v3 =	vmul.f32 v58, v3;
	v4 =	vadd.f32 v4, v5  }
0x1c4: {  	v63 =	vld [tilespmem:$0x70]  }
0x1c5: {  	v1 =	vmul.f32 v59, v1;
	v2 =	vmul.f32 v60, v2;
	v3 =	vadd.f32 v3, v4;
	_ =	sdelay $0x1  }
0x1c6: {  	v0 =	vmul.f32 v61, v0;
	v1 =	vmul.f32 v62, v1;
	v2 =	vadd.f32 v2, v3;
	_ =	sdelay $0x1  }
0x1c7: {  	v0 =	vmul.f32 v63, v0;
	v1 =	vadd.f32 v1, v2;
	_ =	sdelay $0x1  }
0x1c8: {  	v0 =	vadd.f32 v0, v1;
	_ =	sdelay $0x1  }
0x1c9: {  	s13 =	rddreg [dreg:$0x19];
	[tilespmem:s25+$0x12400] =	vst v0  }
0x1ca: {  	[hbm4b:s13+s22] =	stream.linear.scatter [tilespmem:s21], [sflag:$0x5], $0x2000, $0x38;
	[tilespmem:$0x1E400] =	vst v63  }
0x1cb: {  	_ =	swait.ge [sflag:s9], $0x2000  }
0x1cc: {  	[sflag:s9] =	ssyncset.done $0x0  }
0x1cd: {  	[sflag:s9] =	ssyncadd.s32 $0xFFFFE000  }
0x1ce: {  	_ =	swait.ge [sflag:s9], $0x2000  }
0x1cf: {  	[sflag:s9] =	ssyncset.done $0x0  }
0x1d0: {  	[sflag:s9] =	ssyncadd.s32 $0xFFFFE000  }
0x1d1: {  	_ =	swait.ge [sflag:s9], $0x2000  }
0x1d2: {  	[sflag:s9] =	ssyncset.done $0x0  }
0x1d3: {  	[sflag:s9] =	ssyncadd.s32 $0xFFFFE000  }
0x1d4: {  	_ =	swait.ge [sflag:s19], $0x2000  }
0x1d5: {  	[sflag:s19] =	ssyncset.done $0x0  }
0x1d6: {  	[sflag:s19] =	ssyncadd.s32 $0xFFFFE000  }
0x1d7: {  	_ =	swait.ge [sflag:s19], $0x2000  }
0x1d8: {  	[sflag:s19] =	ssyncset.done $0x0  }
0x1d9: {  	[sflag:s19] =	ssyncadd.s32 $0xFFFFE000  }
0x1da: {  	_ =	swait.ge [sflag:s19], $0x2000  }
0x1db: {  	[sflag:s19] =	ssyncset.done $0x0  }
0x1dc: {  	[sflag:s19] =	ssyncadd.s32 $0xFFFFE000  }
0x1dd: {  	_ =	swait.ge [sflag:s7], $0x2000  }
0x1de: {  	[sflag:s7] =	ssyncset.done $0x0  }
0x1df: {  	[sflag:s7] =	ssyncadd.s32 $0xFFFFE000  }
0x1e0: {  	_ =	swait.ge [sflag:s7], $0x2000  }
0x1e1: {  	[sflag:s7] =	ssyncset.done $0x0  }
0x1e2: {  	[sflag:s7] =	ssyncadd.s32 $0xFFFFE000  }
0x1e3: {  	_ =	swait.ge [sflag:s7], $0x2000  }
0x1e4: {  	s10 =	sadd.s32 $0x1, s10;
	s25 =	rddreg [dreg:$0x1a]  }
0x1e5: {  	p0 =	sne.s32 s10, s25  }
.Ltmp5:
0x1e6: {  	_ = 	snop;
	(pc) =	sbr.rel @p0 .LBB2_1-.Ltmp5, $3  }
0x1e7: {  	_ =	sdelay $0x1  }
0x1e8: {  	[sflag:s7] =	ssyncset.done $0x0  }
0x1e9: {  	[sflag:s7] =	ssyncadd.s32 $0xFFFFE000  }
0x1ea: {  	_ =	sfence.sel $0x180000  }
0x1eb: {  	[bflag:$0x0] =	sbarrier.arrive $0xFFFF  }
0x1ec: {  	_ =	strace $0x90000047  }
0x1ed: {  	s0 =	stileid.u32;
	[bflag:$0x2] =	sbarrier.arrive $0xFFFF  }
0x1ee: {  	p0 =	sne.s32 s0, $0x0;
	s0 =	rddreg [dreg:$0x8]  }
0x1ef: {  	s0 =	sadd.s32 @!p0 $0x100000, s0  }
0x1f0: {  	[sflag:s0] =	ssyncadd.tile.s32 @!p0 $0x1;
	_ =	shalt  }
.Lfunc_end2:
_tile_overlayer_lowered:
.L_overlay_start_2:
0x1f1: {  	(tag) =	ssettag $0x2  }
0x1f2: {  	s0 =	rddreg [dreg:$0x0];
	s2 =	stileid.u32  }
0x1f3: {  	s1 =	rddreg [dreg:$0x1];
	p0 =	sne.s32 s2, $0x0  }
0x1f4: {  	s3 =	rddreg [dreg:$0x2];
	[bflag:$0x3] =	sbarrier.arrive $0xFFFF;
	s2 =	simm.s32 @!p0 $0x1C08  }
0x1f5: {  	[timem:s3], [sflag:s2] =	dma.local @!p0 [hbm:s0], s1  }
0x1f6: {  	s0 =	simm.s32 @!p0 $0x8  }
0x1f7: {  	_ =	swait.ge @!p0 [sflag:s0], s1  }
0x1f8: {  	s1 =	ssub.s32 @!p0 $0x0, s1;
	[sflag:s0] =	ssyncset.done @!p0 $0x0  }
0x1f9: {  	[sflag:s0] =	ssyncadd.s32 @!p0 s1  }
0x1fa: {  	[bflag:$0x3] =	sbarrier.arrive $0xFFFF  }
0x1fb: {  	_ =	shalt  }

// kernel: kernel.9.cloned.1.call-start
scs
__scs_entry_jumppad:
0x0: {  	(pc) =	sbr.rel $0x88, $3  }
0x1: {  	(tag) =	ssettag $0x0;
	lr =	simm.s32 $0x1  }
0x2: {  	[smem:$0x3F93] =	sst lr;
	_ =	strace $0xD0000000  }
0x3: {  	_ = 	snop  }
0x4: {  	_ = 	snop  }
0x5: {  	_ = 	snop  }
0x6: {  	_ = 	snop  }
0x7: {  	_ = 	snop  }
__scs_overlays_trampoline_lowered:
0x8: {  	[smem:$0x3FA2] =	sst s0  }
0x9: {  	[smem:$0x3FA3] =	sst s1  }
0xa: {  	[smem:$0x3FA4] =	sst s2  }
0xb: {  	[smem:$0x3FA5] =	sst s3  }
0xc: {  	[smem:$0x3FA6] =	sst s4  }
0xd: {  	[smem:$0x3FA7] =	sst s5  }
0xe: {  	[smem:$0x3FA8] =	sst s6  }
0xf: {  	[smem:$0x3FA9] =	sst s7  }
0x10: {  	[smem:$0x3FAA] =	sst s8  }
0x11: {  	[smem:$0x3FAB] =	sst s9;
	s0 =	simm.s32 @!p0 $0x0  }
0x12: {  	s1 =	sld [smem:$0x3F91];
	s0 =	simm.s32 @p0 $0x1  }
0x13: {  	[smem:$0x3FAC] =	sst s0;
	s0 =	simm.s32 @!p1 $0x0  }
0x14: {  	s2 =	sld [smem:$0x3F90];
	s0 =	simm.s32 @p1 $0x1  }
0x15: {  	[smem:$0x3FAD] =	sst s0;
	s0 =	simm.s32 @!p2 $0x0  }
0x16: {  	s3 =	sld [smem:$0x3FDB];
	s0 =	simm.s32 @p2 $0x1  }
0x17: {  	s4 =	simm.s32 $0x1BF5;
	[smem:$0x3FAF] =	sst s0  }
0x18: {  	s0 =	sld [smem:$0x3F92];
	_ =	swait.ge [sflag:s4], $0x0  }
0x19: {  	s7 =	sld [smem:$0x3F93]  }
0x1a: {  	s8 =	sadd.s32 $0xFFFFE003, lr  }
0x1b: {  	s9 =	sadd.s32 $0xFFFFFEF7, lr;
	s5 =	simm.s32 $0xFFFFFFFF;
	p2 =	slt.u32 s8, $0xFFFFF086  }
0x1c: {  	p1 =	slt.u32 s9, $0xF7A;
	s5 =	simm.s32 @!p2 $0x0  }
0x1d: {  	s5 =	simm.s32 @p1 $0x1;
	p0 =	seq.s32 s7, s2  }
0x1e: {  	s7 =	smul.u32 @!p0 $0xF7A, s2;
	p2 =	seq.s32 @!p0 s5, $0x0  }
0x1f: {  	s9 =	smul.u32 $0xF7A, s1;
	s8 =	simm.s32 @!p0 $0x1BF5;
	p2 =	por !p2, p0  }
0x20: {  	[sflag:s8] =	ssyncset.s32 @!p0 $0xFFFFF086;
	s6 =	sadd.s32 @!p0 s3, s7;
	s7 =	simm.s32 @!p0 $0x108  }
0x21: {  	s3 =	sadd.s32 s3, s9;
	s6 =	sadd.s32 @!p0 $0x88, s6;
	s7 =	simm.s32 @p2 $0x1082  }
0x22: {  	[simem:s7], [sflag:s8] =	dma.local @!p0 [hbm:s6], $0xF7A  }
0x23: {  	s9 =	sor.u32 $0xD0000000, s2;
	s6 =	simm.s32 $0x108;
	_ =	swait.ge @!p0 [sflag:s8], $0x0  }
0x24: {  	s3 =	sadd.s32 $0x88, s3;
	s6 =	simm.s32 @!p1 $0x1082;
	[sflag:s4] =	ssyncset.s32 $0xFFFFF086  }
0x25: {  	[simem:s6], [sflag:s4] =	dma.local [hbm:s3], $0xF7A  }
0x26: {  	[smem:$0x3F93] =	sst s1;
	(tag) =	ssettag s2;
	_ =	strace s9  }
0x27: {  	s1 =	sld [smem:$0x3FA3]  }
0x28: {  	s2 =	sld [smem:$0x3FA4]  }
0x29: {  	s4 =	sld [smem:$0x3FA6]  }
0x2a: {  	p0 =	seq.s32 s5, $0x0;
	s5 =	sld [smem:$0x3FA7]  }
0x2b: {  	s6 =	sld [smem:$0x3FA8]  }
0x2c: {  	s7 =	sld [smem:$0x3FA9]  }
0x2d: {  	s3 =	simm.s32 $0x108;
	s8 =	sld [smem:$0x3FAA]  }
0x2e: {  	s3 =	simm.s32 @!p0 $0x1082;
	s9 =	sld [smem:$0x3FAB]  }
0x2f: {  	lr =	sadd.s32 s0, s3;
	s0 =	sld [smem:$0x3FA2]  }
0x30: {  	s3 =	sld [smem:$0x3FA5]  }
0x31: {  	[smem:$0x3FAE] =	sst s10  }
0x32: {  	s10 =	sld [smem:$0x3FAC];
	_ =	sdelay $0x3  }
0x33: {  	p0 =	seq.s32 s10, $0x1;
	s10 =	sld [smem:$0x3FAE];
	_ =	sdelay $0x3  }
0x34: {  	[smem:$0x3FAE] =	sst s10  }
0x35: {  	s10 =	sld [smem:$0x3FAD];
	_ =	sdelay $0x3  }
0x36: {  	p1 =	seq.s32 s10, $0x1;
	s10 =	sld [smem:$0x3FAE];
	_ =	sdelay $0x3  }
0x37: {  	[smem:$0x3FAE] =	sst s10  }
0x38: {  	s10 =	sld [smem:$0x3FAF]  }
0x39: {  	_ = 	snop;
	(pc) =	sbr.ind lr, $3  }
0x3a: {  	_ = 	snop  }
0x3b: {  	_ = 	snop  }
0x3c: {  	p2 =	seq.s32 s10, $0x1;
	s10 =	sld [smem:$0x3FAE]  }
0x3d: {  	_ =	shalt  }
0x3e: {  	_ =	shalt  }
0x3f: {  	_ =	shalt  }
0x40: {  	_ =	shalt  }
0x41: {  	_ =	shalt  }
0x42: {  	_ =	shalt  }
0x43: {  	_ =	shalt  }
0x44: {  	_ =	shalt  }
0x45: {  	_ =	shalt  }
0x46: {  	_ =	shalt  }
0x47: {  	_ =	shalt  }
0x48: {  	_ =	shalt  }
0x49: {  	_ =	shalt  }
0x4a: {  	_ =	shalt  }
0x4b: {  	_ =	shalt  }
0x4c: {  	_ =	shalt  }
0x4d: {  	_ =	shalt  }
0x4e: {  	_ =	shalt  }
0x4f: {  	_ =	shalt  }
0x50: {  	_ =	shalt  }
0x51: {  	_ =	shalt  }
0x52: {  	_ =	shalt  }
0x53: {  	_ =	shalt  }
0x54: {  	_ =	shalt  }
0x55: {  	_ =	shalt  }
0x56: {  	_ =	shalt  }
0x57: {  	_ =	shalt  }
0x58: {  	_ =	shalt  }
0x59: {  	_ =	shalt  }
0x5a: {  	_ =	shalt  }
0x5b: {  	_ =	shalt  }
0x5c: {  	_ =	shalt  }
0x5d: {  	_ =	shalt  }
0x5e: {  	_ =	shalt  }
0x5f: {  	_ =	shalt  }
0x60: {  	_ =	shalt  }
0x61: {  	_ =	shalt  }
0x62: {  	_ =	shalt  }
0x63: {  	_ =	shalt  }
0x64: {  	_ =	shalt  }
0x65: {  	_ =	shalt  }
0x66: {  	_ =	shalt  }
0x67: {  	_ =	shalt  }
0x68: {  	_ =	shalt  }
0x69: {  	_ =	shalt  }
0x6a: {  	_ =	shalt  }
0x6b: {  	_ =	shalt  }
0x6c: {  	_ =	shalt  }
0x6d: {  	_ =	shalt  }
0x6e: {  	_ =	shalt  }
0x6f: {  	_ =	shalt  }
0x70: {  	_ =	shalt  }
0x71: {  	_ =	shalt  }
0x72: {  	_ =	shalt  }
0x73: {  	_ =	shalt  }
0x74: {  	_ =	shalt  }
0x75: {  	_ =	shalt  }
0x76: {  	_ =	shalt  }
0x77: {  	_ =	shalt  }
0x78: {  	_ =	shalt  }
0x79: {  	_ =	shalt  }
0x7a: {  	_ =	shalt  }
0x7b: {  	_ =	shalt  }
0x7c: {  	_ =	shalt  }
0x7d: {  	_ =	shalt  }
0x7e: {  	_ =	shalt  }
0x7f: {  	_ =	shalt  }
0x80: {  	_ =	shalt  }
0x81: {  	_ =	shalt  }
0x82: {  	_ =	shalt  }
0x83: {  	_ =	shalt  }
0x84: {  	_ =	shalt  }
0x85: {  	_ =	shalt  }
0x86: {  	_ =	shalt  }
0x87: {  	_ =	shalt  }
.Lfunc_end0:
.L_simem_size_0:
called_computation.1_lowered:
.L_overlay_start_0:
0x88: {  	s2 =	sld [smem:$0x3FD9]  }
0x89: {  	s3 =	sld [smem:$0x3FFE];
	_ =	sdelay $0x1  }
0x8a: {  	s1 =	srdreg.scid  }
0x8b: {  	s0 =	sand.u32 $0x1, s1  }
0x8c: {  	s17 =	sshll.u32 s0, $0xA;
	s2 =	sadd.s32 s3, s2  }
0x8d: {  	s2 =	sadd.s32 s2, s17  }
0x8e: {  	[smem:$0x3FBA] =	sst s2  }
0x8f: {  	_ = 	snop  }
0x90: {  	s18 =	sld [smem:$0x3FC9]  }
0x91: {  	s4 =	sld [smem:$0x3FC8]  }
0x92: {  	s5 =	sld [smem:$0x3FC7]  }
0x93: {  	s6 =	sld [smem:$0x3FC6]  }
0x94: {  	s7 =	sld [smem:$0x3FBF]  }
0x95: {  	s8 =	sld [smem:$0x3FBD]  }
0x96: {  	s9 =	sld [smem:$0x3FBC];
	(tm) =	ssettm $0x1  }
0x97: {  	s19 =	sld [smem:$0x3FFB];
	_ =	sdelay $0x3  }
0x98: {  	_ =	strace s19  }
0x99: {  	s2 =	sld [smem:$0x3FFC];
	_ =	sdelay $0x3  }
0x9a: {  	_ =	strace s2  }
0x9b: {  	s2 =	sld [smem:$0x3FFD];
	_ =	sdelay $0x3  }
0x9c: {  	_ =	strace s2  }
0x9d: {  	_ =	strace $0x8FFFFFFF  }
0x9e: {  	s20 =	sld [smem:$0x3FDB];
	_ =	sdelay $0x1  }
0x9f: {  	s10 =	simm.s32 $_scs_section_size  }
0xa0: {  	s11 =	simm.s32 $_size__tile_overlayer_lowered;
	s12 =	simm.s32 $_tile_overlayer_lowered  }
0xa1: {  	s13 =	simm.s32 $0x1BFF;
	s21 =	sshll.u32 s12, $0x1;
	s10 =	sadd.s32 s10, s20  }
0xa2: {  	s22 =	simm.s32 $0x0;
	s11 =	sshll.u32 s11, $0x1;
	s12 =	sadd.s32 s21, s10  }
0xa3: {  	[timem:s22], [sflag:s13] =	dma.local [hbm:s12], s11  }
0xa4: {  	_ =	swait.ge [sflag:s13], s11  }
0xa5: {  	s11 =	ssub.s32 $0x0, s11;
	[sflag:s13] =	ssyncset.done $0x0  }
0xa6: {  	[sflag:s13] =	ssyncadd.s32 s11;
	_ =	sdelay $0x1  }
0xa7: {  	s23 =	simm.s32 $0x1B8B  }
0xa8: {  	_ =	swait.ge [sflag:s23], $0x1  }
0xa9: {  	[sflag:s23] =	ssyncset.done $0x0  }
0xaa: {  	[sflag:s23] =	ssyncadd.s32 $0xFFFFFFFF  }
0xab: {  	s11 =	sld [smem:$0x0]  }
0xac: {  	s12 =	sand.u32 $0xFFFFFFFE, s1  }
0xad: {  	p0 =	sne.s32 s1, s12  }
0xae: {  	s12 =	sshll.u32 @p0 s12, $0xE  }
0xaf: {  	s12 =	sadd.s32 @p0 $0x11B8D, s12;
	s13 =	sshll.u32 @p0 s11, $0x11  }
0xb0: {  	s12 =	sor.u32 @p0 s13, s12  }
0xb1: {  	[sflag:s12] =	ssyncadd.remote.s32 @p0 $0x1;
	_ =	sdelay $0x1  }
0xb2: {  	s12 =	simm.s32 @p0 $0x1B8D  }
0xb3: {  	_ =	swait.eq @p0 [sflag:s12], $0x1  }
0xb4: {  	[sflag:s12] =	ssyncadd.s32 @p0 $0xFFFFFFFF  }
0xb5: {  	s13 =	sshll.u32 @!p0 s1, $0xE  }
0xb6: {  	s13 =	sor.u32 @!p0 $0x4000, s13;
	s12 =	simm.s32 @!p0 $0x1B8D  }
0xb7: {  	s11 =	sshll.u32 @!p0 s11, $0x11;
	s13 =	sadd.s32 @!p0 $0x11B8D, s13;
	_ =	swait.eq @!p0 [sflag:s12], $0x1  }
0xb8: {  	s11 =	sor.u32 @!p0 s11, s13;
	[sflag:s12] =	ssyncadd.s32 @!p0 $0xFFFFFFFF  }
0xb9: {  	s25 =	simm.s32 $0x1B8E;
	s24 =	sld [smem:$0x3FFE];
	[sflag:s11] =	ssyncadd.remote.s32 @!p0 $0x1  }
0xba: {  	s26 =	simm.s32 $execute0_lowered;
	[smem:$0x3FD2] =	sst s25  }
0xbb: {  	s12 =	sshll.u32 s26, $0x1;
	_ =	strace $0x80000049;
	[dreg:$0x1] =	wrdreg $0xFFFFFFFF  }
0xbc: {  	s28 =	simm.s32 $_size_execute0_lowered;
	s10 =	sadd.s32 s10, s12;
	[dreg:$0x0] =	wrdreg $0x0  }
0xbd: {  	s12 =	sshll.u32 s28, $0x1;
	[dreg:$0x2] =	wrdreg s10  }
0xbe: {  	[dreg:$0x3] =	wrdreg s12  }
0xbf: {  	[dreg:$0x4] =	wrdreg $0xC0  }
0xc0: {  	_ =	task [dreg:s22], $0x5FFFF  }
0xc1: {  	[dreg:$0x1] =	wrdreg $0xFFFFFFFF  }
0xc2: {  	[dreg:$0x0] =	wrdreg $0x60  }
0xc3: {  	[dreg:$0x2] =	wrdreg s8  }
0xc4: {  	[dreg:$0x3] =	wrdreg s9  }
0xc5: {  	[dreg:$0x4] =	wrdreg s18  }
0xc6: {  	[dreg:$0x5] =	wrdreg s4  }
0xc7: {  	[dreg:$0x6] =	wrdreg s5  }
0xc8: {  	[dreg:$0x7] =	wrdreg s6  }
0xc9: {  	[dreg:$0x8] =	wrdreg s7  }
0xca: {  	[dreg:$0x9] =	wrdreg s24  }
0xcb: {  	[dreg:$0xa] =	wrdreg $0xA  }
0xcc: {  	_ =	task.clear_ibuf [dreg:s22], $0xBFFFF;
	_ =	strace $0x90000049  }
0xcd: {  	s29 =	simm.s32 $0xA;
	_ =	strace $0x8000004B  }
0xce: {  	_ =	swait.ge [sflag:s29], $0x1  }
0xcf: {  	[sflag:s29] =	ssyncadd.s32 $0xFFFFFFFF  }
0xd0: {  	_ =	strace $0x9000004B  }
0xd1: {  	_ =	sfence  }
0xd2: {  	s30 =	sld [smem:$0x0];
	_ =	sdelay $0x2  }
0xd3: {  	s31 =	sshll.u32 s1, $0xD;
	s1 =	sshrl.u32 s1, $0x2  }
0xd4: {  	s4 =	sand.u32 $0x4000, s31;
	s1 =	sadd.s32 s1, s30  }
0xd5: {  	s0 =	sor.u32 s4, s0;
	s1 =	sshll.u32 s1, $0x11  }
0xd6: {  	s0 =	sor.u32 s1, s0  }
0xd7: {  	s0 =	sadd.s32 $0x8F2B, s0  }
0xd8: {  	[sflag:s0] =	ssyncadd.remote.s32 $0x1  }
0xd9: {  	_ =	sfence.sel $0xFFFF  }
0xda: {  	[dreg:$0x0] =	wrdreg $0xFFFFFFFF;
	(pc) =	sbr.abs _section_cstart, $3  }
0xdb: {  	[dreg:$0x1] =	wrdreg $0xFFFFFFFF  }
0xdc: {  	_ =	task.clear_ibuf [dreg:s22], $0x2FFFF;
	_ =	strace $0x9FFFFFFF  }
0xdd: {  	(tm) =	ssettm $0x7FFFFFFF  }
tec
execute0_lowered:
.L_overlay_start_1:
0x0: {  	(tag) =	ssettag $0x1  }
0x1: {  	s0 =	rddreg [dreg:$0x0]  }
0x2: {  	s5 =	rddreg [dreg:$0x1]  }
0x3: {  	s1 =	rddreg [dreg:$0x2]  }
0x4: {  	s2 =	rddreg [dreg:$0x3]  }
0x5: {  	s3 =	rddreg [dreg:$0x4]  }
0x6: {  	s4 =	rddreg [dreg:$0x5]  }
0x7: {  	s6 =	rddreg [dreg:$0x7]  }
0x8: {  	s8 =	srdreg.scid;
	s9 =	stileid.u32  }
0x9: {  	s7 =	simm.s32 $0x0;
	s28 =	simm.s32 $0x6300;
	s29 =	simm.s32 $0x140  }
0xa: {  	s31 =	simm.s32 $0x240;
	s8 =	sand.u32 $0x1, s8;
	s9 =	sshll.u32 s9, $0x1  }
0xb: {  	s30 =	simm.s32 $0x280;
	[smem:$0x7FF] =	sst s7;
	s9 =	sor.u32 s8, s9  }
0xc: {  	s10 =	sadd.s32 $0x7A200, s6;
	s12 =	sadd.s32 $0x92200, s6;
	s11 =	smul.u32 $0xC0, s9  }
0xd: {  	s6 =	sadd.s32 $0xAA200, s6;
	s8 =	ssub.s32 $0x2, s8;
	s14 =	smul.u32 $0x6000, s9  }
0xe: {  	_ =	strace $0x8000004A;
	s13 =	sshrl.u32 s8, $0x1;
	s9 =	smul.u32 $0xC00, s9  }
0xf: {  	s8 =	ssub.s32 s8, s13;
	s13 =	simm.s32 $0x7;
	s11 =	sshrl.u32 s11, $0x3  }
0x10: {  	s19 =	sshrl.u32 s14, $0x3;
	s20 =	sadd.s32 s10, s9;
	s21 =	sadd.s32 s12, s9  }
0x11: {  	s9 =	sadd.s32 s6, s9;
	s14 =	simm.s32 $0x0;
	[dreg:$0xb] =	wrdreg s20  }
0x12: {  	s11 =	sadd.s32 $0x500, s11;
	[dreg:$0xc] =	wrdreg s21;
	s22 =	sadd.s32 $0x400, s19  }
0x13: {  	[dreg:$0xd] =	wrdreg s9;
	s20 =	simm.s32 $0x100;
	s0 =	sadd.s32 s0, s11  }
0x14: {  	s21 =	simm.s32 $0x200;
	s18 =	sadd.s32 s5, s11;
	[dreg:$0x9] =	wrdreg s0  }
0x15: {  	s9 =	simm.s32 $0x4;
	s23 =	sadd.s32 s10, s22;
	[dreg:$0xa] =	wrdreg s18  }
0x16: {  	s24 =	sadd.s32 s12, s22;
	s5 =	sadd.s32 s6, s22;
	[dreg:$0xe] =	wrdreg s23  }
0x17: {  	s22 =	simm.s32 $0x1;
	s11 =	simm.s32 $0x3;
	[dreg:$0xf] =	wrdreg s24  }
0x18: {  	s0 =	sadd.s32 $0x800, s19;
	[dreg:$0x10] =	wrdreg s5;
	s19 =	smax.u32 s8, $0x1  }
0x19: {  	s23 =	simm.s32 $0x40;
	s5 =	simm.s32 $0xE300;
	s24 =	simm.s32 $0x180  }
0x1a: {  	s8 =	simm.s32 $0x2;
	s25 =	sadd.s32 s10, s0;
	s26 =	sadd.s32 s12, s0  }
0x1b: {  	s18 =	sadd.s32 s6, s0;
	s6 =	simm.s32 $0x10300;
	s0 =	simm.s32 $0x1A300  }
0x1c: {  	s10 =	simm.s32 $0x6;
	s12 =	simm.s32 $0x5;
	[dreg:$0x11] =	wrdreg s25  }
0x1d: {  	[dreg:$0x12] =	wrdreg s26;
	s26 =	simm.s32 $0x4300;
	s25 =	simm.s32 $0x18300  }
.LBB2_1:
0x1e: {  	s15 =	rddreg [dreg:$0x9]  }
0x1f: {  	[tilespmem:s20], [sflag:$0x1] =	stream.linear.gather [hbm4b:s15+s7], $0xC0, $0x38;
	[tilespmem:$0x1E300] =	vst v63  }
0x20: {  	s16 =	rddreg [dreg:$0xa]  }
0x21: {  	[tilespmem:s21], [sflag:$0x1] =	stream.linear.gather [hbm4b:s16+s7], $0xC0, $0x38;
	[tilespmem:$0x1E300] =	vst v63  }
0x22: {  	s17 =	rddreg [dreg:$0x6]  }
0x23: {  	[tilespmem:s7], [sflag:$0x1] =	stream.linear.gather [hbm4b:s17+s7], $0x100, $0x38;
	[tilespmem:$0x1E300] =	vst v63  }
0x24: {  	_ =	swait.ge [sflag:s22], $0xC0  }
0x25: {  	[sflag:s22] =	ssyncset.done $0x0  }
0x26: {  	[sflag:s22] =	ssyncadd.s32 $0xFFFFFF40  }
0x27: {  	_ =	swait.ge [sflag:s22], $0xC0  }
0x28: {  	[sflag:s22] =	ssyncset.done $0x0  }
0x29: {  	s16 =	simm.s32 $0x300;
	[sflag:s22] =	ssyncadd.s32 $0xFFFFFF40  }
0x2a: {  	[tilespmem:s16], [sflag:$0x2] =	stream.indirect.gather [hbm4b:s1+s23], $0x80, s20, s23, $0xb8;
	[tilespmem:$0x1E300] =	vst v63  }
0x2b: {  	s17 =	simm.s32 $0x2300  }
0x2c: {  	[tilespmem:s17], [sflag:$0x2] =	stream.indirect.gather [hbm4b:s2+s23], $0x80, s21, s23, $0xb8;
	[tilespmem:$0x1E300] =	vst v63  }
0x2d: {  	_ = 	snop  }
0x2e: {  	[tilespmem:s26], [sflag:$0x2] =	stream.indirect.gather [hbm4b:s3+s23], $0x80, s20, s23, $0xb8;
	[tilespmem:$0x1E300] =	vst v63  }
0x2f: {  	_ = 	snop  }
0x30: {  	[tilespmem:s28], [sflag:$0x2] =	stream.indirect.gather [hbm4b:s4+s23], $0x80, s21, s23, $0xb8;
	[tilespmem:$0x1E300] =	vst v63  }
0x31: {  	s16 =	simm.s32 $0xA300  }
0x32: {  	[tilespmem:s16], [sflag:$0x4] =	stream.indirect.gather [hbm4b:s1+s23], $0x80, s29, s23, $0xb8;
	[tilespmem:$0x1E300] =	vst v63  }
0x33: {  	s17 =	simm.s32 $0xC300  }
0x34: {  	[tilespmem:s17], [sflag:$0x4] =	stream.indirect.gather [hbm4b:s2+s23], $0x80, s31, s23, $0xb8;
	[tilespmem:$0x1E300] =	vst v63  }
0x35: {  	_ = 	snop  }
0x36: {  	[tilespmem:s5], [sflag:$0x4] =	stream.indirect.gather [hbm4b:s3+s23], $0x80, s29, s23, $0xb8;
	[tilespmem:$0x1E300] =	vst v63  }
0x37: {  	_ = 	snop  }
0x38: {  	[tilespmem:s6], [sflag:$0x4] =	stream.indirect.gather [hbm4b:s4+s23], $0x80, s31, s23, $0xb8;
	[tilespmem:$0x1E300] =	vst v63  }
0x39: {  	s16 =	simm.s32 $0x14300  }
0x3a: {  	[tilespmem:s16], [sflag:$0x6] =	stream.indirect.gather [hbm4b:s1+s23], $0x80, s24, s23, $0xb8;
	[tilespmem:$0x1E300] =	vst v63  }
0x3b: {  	s17 =	simm.s32 $0x16300  }
0x3c: {  	[tilespmem:s17], [sflag:$0x6] =	stream.indirect.gather [hbm4b:s2+s23], $0x80, s30, s23, $0xb8;
	[tilespmem:$0x1E300] =	vst v63  }
0x3d: {  	_ = 	snop  }
0x3e: {  	[tilespmem:s25], [sflag:$0x6] =	stream.indirect.gather [hbm4b:s3+s23], $0x80, s24, s23, $0xb8;
	[tilespmem:$0x1E300] =	vst v63  }
0x3f: {  	_ = 	snop  }
0x40: {  	[tilespmem:s0], [sflag:$0x6] =	stream.indirect.gather [hbm4b:s4+s23], $0x80, s30, s23, $0xb8;
	[tilespmem:$0x1E300] =	vst v63  }
0x41: {  	_ =	swait.ge [sflag:s22], $0x100  }
0x42: {  	[sflag:s22] =	ssyncset.done $0x0  }
0x43: {  	[sflag:s22] =	ssyncadd.s32 $0xFFFFFF00  }
0x44: {  	_ =	swait.ge [sflag:s8], $0x2000  }
0x45: {  	[sflag:s8] =	ssyncset.done $0x0  }
0x46: {  	[sflag:s8] =	ssyncadd.s32 $0xFFFFE000  }
0x47: {  	_ =	swait.ge [sflag:s8], $0x2000  }
0x48: {  	[sflag:s8] =	ssyncset.done $0x0  }
0x49: {  	[sflag:s8] =	ssyncadd.s32 $0xFFFFE000  }
0x4a: {  	_ =	swait.ge [sflag:s8], $0x2000  }
0x4b: {  	[sflag:s8] =	ssyncset.done $0x0  }
0x4c: {  	[sflag:s8] =	ssyncadd.s32 $0xFFFFE000  }
0x4d: {  	_ =	swait.ge [sflag:s8], $0x2000  }
0x4e: {  	[sflag:s8] =	ssyncset.done $0x0  }
0x4f: {  	s16 =	rddreg [dreg:$0xb];
	[sflag:s8] =	ssyncadd.s32 $0xFFFFE000  }
0x50: {  	[hbm4b:s16+s7] =	stream.linear.scatter [tilespmem:s26], [sflag:$0x3], $0x2000, $0x38;
	[tilespmem:$0x1E300] =	vst v63  }
0x51: {  	s15 =	simm.s32 $0x0;
	s17 =	rddreg [dreg:$0xc]  }
0x52: {  	[hbm4b:s17+s7] =	stream.linear.scatter [tilespmem:s28], [sflag:$0x3], $0x2000, $0x38;
	[tilespmem:$0x1E300] =	vst v63  }
0x53: {  	v0 =	vld [tilespmem:s15+$0x370]  }
0x54: {  	v1 =	vld [tilespmem:s15+$0x360]  }
0x55: {  	v2 =	vld [tilespmem:s15+$0x350]  }
0x56: {  	v3 =	vld [tilespmem:s15+$0x340]  }
0x57: {  	v4 =	vld [tilespmem:s15+$0x330]  }
0x58: {  	v5 =	vld [tilespmem:s15+$0x320]  }
0x59: {  	v6 =	vld [tilespmem:s15+$0x2320]  }
0x5a: {  	v7 =	vld [tilespmem:s15+$0x300]  }
0x5b: {  	v8 =	vld [tilespmem:s15+$0x2300]  }
0x5c: {  	s16 =	simm.s32 $0x200;
	v9 =	vld [tilespmem:s15+$0x310]  }
.LBB2_2:
0x5d: {  	p0 =	sne.s32 s16, $0x7E00;
	v10 =	vld [tilespmem:s15+$0x2310]  }
0x5e: {  	v11 =	vld [tilespmem:$0x0]  }
0x5f: {  	v12 =	vld [tilespmem:$0x10]  }
0x60: {  	v13 =	vld [tilespmem:s15+$0x2330]  }
0x61: {  	v14 =	vld [tilespmem:$0x20]  }
0x62: {  	v7 =	vmul.f32 v8, v7;
	v8 =	vmul.f32 v10, v9;
	v9 =	vld [tilespmem:s15+$0x2340]  }
0x63: {  	v5 =	vmul.f32 v6, v5;
	v6 =	vld [tilespmem:$0x30]  }
0x64: {  	v7 =	vmul.f32 v11, v7;
	v8 =	vmul.f32 v12, v8;
	v10 =	vld [tilespmem:s15+$0x2350]  }
0x65: {  	v11 =	vld [tilespmem:$0x40]  }
0x66: {  	v4 =	vmul.f32 v13, v4;
	v7 =	vadd.f32 v8, v7;
	v5 =	vmul.f32 v14, v5;
	v8 =	vld [tilespmem:s15+$0x2360]  }
0x67: {  	v12 =	vld [tilespmem:$0x50]  }
0x68: {  	v3 =	vmul.f32 v9, v3;
	v5 =	vadd.f32 v5, v7;
	v4 =	vmul.f32 v6, v4;
	v6 =	vld [tilespmem:s15+$0x2370]  }
0x69: {  	s17 =	sshra.s32 s16, $0x2;
	v7 =	vld [tilespmem:$0x60]  }
0x6a: {  	v2 =	vmul.f32 v10, v2;
	v9 =	vld [tilespmem:s17+$0x370];
	v4 =	vadd.f32 v4, v5;
	v3 =	vmul.f32 v11, v3  }
0x6b: {  	v10 =	vld [tilespmem:$0x70]  }
0x6c: {  	v8 =	vmul.f32 v8, v1;
	v4 =	vadd.f32 v3, v4;
	v5 =	vmul.f32 v12, v2;
	v1 =	vld [tilespmem:s17+$0x360]  }
0x6d: {  	v2 =	vld [tilespmem:s17+$0x350]  }
0x6e: {  	v6 =	vmul.f32 v6, v0;
	v3 =	vld [tilespmem:s17+$0x340];
	v11 =	vadd.f32 v5, v4;
	v7 =	vmul.f32 v7, v8  }
0x6f: {  	v4 =	vld [tilespmem:s17+$0x330];
	v0 =	vmov v9  }
.Ltmp0:
0x70: {  	v5 =	vld [tilespmem:s17+$0x320];
	v8 =	vadd.f32 v7, v11;
	v9 =	vmul.f32 v10, v6;
	(pc) =	sbr.rel @p0 .LBB2_2-.Ltmp0, $4  }
0x71: {  	v6 =	vld [tilespmem:s17+$0x2320]  }
0x72: {  	v7 =	vld [tilespmem:s17+$0x300];
	v10 =	vadd.f32 v9, v8  }
0x73: {  	v8 =	vld [tilespmem:s17+$0x2300]  }
0x74: {  	s16 =	sadd.s32 $0x200, s16;
	v9 =	vld [tilespmem:s17+$0x310];
	[tilespmem:s15+$0x8300] =	vst v10;
	s15 =	smov.u32 s17  }
0x75: {  	v10 =	vld [tilespmem:s15+$0x2310]  }
0x76: {  	v11 =	vld [tilespmem:$0x0]  }
0x77: {  	v12 =	vld [tilespmem:$0x10]  }
0x78: {  	v13 =	vld [tilespmem:s15+$0x2330]  }
0x79: {  	v14 =	vld [tilespmem:$0x20];
	v5 =	vmul.f32 v6, v5  }
0x7a: {  	v6 =	vld [tilespmem:$0x30];
	v7 =	vmul.f32 v8, v7;
	v8 =	vmul.f32 v10, v9  }
0x7b: {  	v9 =	vld [tilespmem:s15+$0x2340]  }
0x7c: {  	v7 =	vmul.f32 v11, v7;
	v10 =	vld [tilespmem:s15+$0x2350];
	v8 =	vmul.f32 v12, v8  }
0x7d: {  	v11 =	vld [tilespmem:$0x40]  }
0x7e: {  	v63 =	vld [tilespmem:$0x50];
	v5 =	vmul.f32 v14, v5;
	v4 =	vmul.f32 v13, v4;
	v7 =	vadd.f32 v8, v7  }
0x7f: {  	v8 =	vld [tilespmem:s15+$0x2360]  }
0x80: {  	v4 =	vmul.f32 v6, v4;
	v6 =	vld [tilespmem:s15+$0x2370];
	v3 =	vmul.f32 v9, v3;
	v5 =	vadd.f32 v5, v7  }
0x81: {  	v7 =	vld [tilespmem:$0x60]  }
0x82: {  	v2 =	vmul.f32 v10, v2;
	v3 =	vmul.f32 v11, v3;
	v4 =	vadd.f32 v4, v5  }
0x83: {  	v5 =	vld [tilespmem:$0x70]  }
0x84: {  	v2 =	vmul.f32 v63, v2;
	v1 =	vmul.f32 v8, v1;
	v3 =	vadd.f32 v3, v4;
	_ =	sdelay $0x1  }
0x85: {  	v0 =	vmul.f32 v6, v0;
	v1 =	vmul.f32 v7, v1;
	v2 =	vadd.f32 v2, v3;
	_ =	sdelay $0x1  }
0x86: {  	v0 =	vmul.f32 v5, v0;
	v1 =	vadd.f32 v1, v2;
	_ =	sdelay $0x1  }
0x87: {  	v0 =	vadd.f32 v0, v1;
	_ =	sdelay $0x1  }
0x88: {  	s16 =	rddreg [dreg:$0xd];
	s17 =	simm.s32 $0x8300;
	[tilespmem:s15+$0x8300] =	vst v0;
	s15 =	simm.s32 $0x0  }
0x89: {  	[hbm4b:s16+s15] =	stream.linear.scatter [tilespmem:s17], [sflag:$0x3], $0x2000, $0x38;
	[tilespmem:$0x1E300] =	vst v63  }
0x8a: {  	_ =	swait.ge [sflag:s9], $0x2000  }
0x8b: {  	[sflag:s9] =	ssyncset.done $0x0  }
0x8c: {  	[sflag:s9] =	ssyncadd.s32 $0xFFFFE000  }
0x8d: {  	_ =	swait.ge [sflag:s9], $0x2000  }
0x8e: {  	[sflag:s9] =	ssyncset.done $0x0  }
0x8f: {  	[sflag:s9] =	ssyncadd.s32 $0xFFFFE000  }
0x90: {  	_ =	swait.ge [sflag:s9], $0x2000  }
0x91: {  	[sflag:s9] =	ssyncset.done $0x0  }
0x92: {  	[sflag:s9] =	ssyncadd.s32 $0xFFFFE000  }
0x93: {  	_ =	swait.ge [sflag:s9], $0x2000  }
0x94: {  	[sflag:s9] =	ssyncset.done $0x0  }
0x95: {  	s17 =	rddreg [dreg:$0xe];
	[sflag:s9] =	ssyncadd.s32 $0xFFFFE000  }
0x96: {  	[hbm4b:s17+s15] =	stream.linear.scatter [tilespmem:s5], [sflag:$0x5], $0x2000, $0x38;
	[tilespmem:$0x1E300] =	vst v63  }
0x97: {  	s17 =	rddreg [dreg:$0xf]  }
0x98: {  	[hbm4b:s17+s15] =	stream.linear.scatter [tilespmem:s6], [sflag:$0x5], $0x2000, $0x38;
	[tilespmem:$0x1E300] =	vst v63  }
0x99: {  	s15 =	simm.s32 $0x0  }
0x9a: {  	v0 =	vld [tilespmem:s15+$0xA370]  }
0x9b: {  	v1 =	vld [tilespmem:s15+$0xA360]  }
0x9c: {  	v2 =	vld [tilespmem:s15+$0xA350]  }
0x9d: {  	v3 =	vld [tilespmem:s15+$0xA340]  }
0x9e: {  	v4 =	vld [tilespmem:s15+$0xA330]  }
0x9f: {  	v5 =	vld [tilespmem:s15+$0xA320]  }
0xa0: {  	v6 =	vld [tilespmem:s15+$0xC320]  }
0xa1: {  	v7 =	vld [tilespmem:s15+$0xA300]  }
0xa2: {  	v8 =	vld [tilespmem:s15+$0xC300]  }
0xa3: {  	s16 =	simm.s32 $0x200;
	v9 =	vld [tilespmem:s15+$0xA310]  }
.LBB2_4:
0xa4: {  	p0 =	sne.s32 s16, $0x7E00;
	v10 =	vld [tilespmem:s15+$0xC310]  }
0xa5: {  	v11 =	vld [tilespmem:$0x0]  }
0xa6: {  	v12 =	vld [tilespmem:$0x10]  }
0xa7: {  	v13 =	vld [tilespmem:s15+$0xC330]  }
0xa8: {  	v14 =	vld [tilespmem:$0x20]  }
0xa9: {  	v7 =	vmul.f32 v8, v7;
	v8 =	vmul.f32 v10, v9;
	v9 =	vld [tilespmem:s15+$0xC340]  }
0xaa: {  	v5 =	vmul.f32 v6, v5;
	v6 =	vld [tilespmem:$0x30]  }
0xab: {  	v7 =	vmul.f32 v11, v7;
	v8 =	vmul.f32 v12, v8;
	v10 =	vld [tilespmem:s15+$0xC350]  }
0xac: {  	v11 =	vld [tilespmem:$0x40]  }
0xad: {  	v4 =	vmul.f32 v13, v4;
	v7 =	vadd.f32 v8, v7;
	v5 =	vmul.f32 v14, v5;
	v8 =	vld [tilespmem:s15+$0xC360]  }
0xae: {  	v12 =	vld [tilespmem:$0x50]  }
0xaf: {  	v3 =	vmul.f32 v9, v3;
	v5 =	vadd.f32 v5, v7;
	v4 =	vmul.f32 v6, v4;
	v6 =	vld [tilespmem:s15+$0xC370]  }
0xb0: {  	s17 =	sshra.s32 s16, $0x2;
	v7 =	vld [tilespmem:$0x60]  }
0xb1: {  	v2 =	vmul.f32 v10, v2;
	v9 =	vld [tilespmem:s17+$0xA370];
	v4 =	vadd.f32 v4, v5;
	v3 =	vmul.f32 v11, v3  }
0xb2: {  	v10 =	vld [tilespmem:$0x70]  }
0xb3: {  	v8 =	vmul.f32 v8, v1;
	v4 =	vadd.f32 v3, v4;
	v5 =	vmul.f32 v12, v2;
	v1 =	vld [tilespmem:s17+$0xA360]  }
0xb4: {  	v2 =	vld [tilespmem:s17+$0xA350]  }
0xb5: {  	v6 =	vmul.f32 v6, v0;
	v3 =	vld [tilespmem:s17+$0xA340];
	v11 =	vadd.f32 v5, v4;
	v7 =	vmul.f32 v7, v8  }
0xb6: {  	v4 =	vld [tilespmem:s17+$0xA330];
	v0 =	vmov v9  }
.Ltmp1:
0xb7: {  	v5 =	vld [tilespmem:s17+$0xA320];
	v8 =	vadd.f32 v7, v11;
	v9 =	vmul.f32 v10, v6;
	(pc) =	sbr.rel @p0 .LBB2_4-.Ltmp1, $4  }
0xb8: {  	v6 =	vld [tilespmem:s17+$0xC320]  }
0xb9: {  	v7 =	vld [tilespmem:s17+$0xA300];
	v10 =	vadd.f32 v9, v8  }
0xba: {  	v8 =	vld [tilespmem:s17+$0xC300]  }
0xbb: {  	s16 =	sadd.s32 $0x200, s16;
	v9 =	vld [tilespmem:s17+$0xA310];
	[tilespmem:s15+$0x12300] =	vst v10;
	s15 =	smov.u32 s17  }
0xbc: {  	v10 =	vld [tilespmem:s15+$0xC310]  }
0xbd: {  	v11 =	vld [tilespmem:$0x0]  }
0xbe: {  	v12 =	vld [tilespmem:$0x10]  }
0xbf: {  	v13 =	vld [tilespmem:s15+$0xC330]  }
0xc0: {  	v14 =	vld [tilespmem:$0x20];
	v5 =	vmul.f32 v6, v5  }
0xc1: {  	v6 =	vld [tilespmem:$0x30];
	v7 =	vmul.f32 v8, v7;
	v8 =	vmul.f32 v10, v9  }
0xc2: {  	v9 =	vld [tilespmem:s15+$0xC340]  }
0xc3: {  	v7 =	vmul.f32 v11, v7;
	v10 =	vld [tilespmem:s15+$0xC350];
	v8 =	vmul.f32 v12, v8  }
0xc4: {  	v11 =	vld [tilespmem:$0x40]  }
0xc5: {  	v63 =	vld [tilespmem:$0x50];
	v5 =	vmul.f32 v14, v5;
	v4 =	vmul.f32 v13, v4;
	v7 =	vadd.f32 v8, v7  }
0xc6: {  	v8 =	vld [tilespmem:s15+$0xC360]  }
0xc7: {  	v4 =	vmul.f32 v6, v4;
	v6 =	vld [tilespmem:s15+$0xC370];
	v3 =	vmul.f32 v9, v3;
	v5 =	vadd.f32 v5, v7  }
0xc8: {  	v7 =	vld [tilespmem:$0x60]  }
0xc9: {  	v2 =	vmul.f32 v10, v2;
	v3 =	vmul.f32 v11, v3;
	v4 =	vadd.f32 v4, v5  }
0xca: {  	v5 =	vld [tilespmem:$0x70]  }
0xcb: {  	v2 =	vmul.f32 v63, v2;
	v1 =	vmul.f32 v8, v1;
	v3 =	vadd.f32 v3, v4;
	_ =	sdelay $0x1  }
0xcc: {  	v0 =	vmul.f32 v6, v0;
	v1 =	vmul.f32 v7, v1;
	v2 =	vadd.f32 v2, v3;
	_ =	sdelay $0x1  }
0xcd: {  	v0 =	vmul.f32 v5, v0;
	v1 =	vadd.f32 v1, v2;
	_ =	sdelay $0x1  }
0xce: {  	v0 =	vadd.f32 v0, v1;
	_ =	sdelay $0x1  }
0xcf: {  	s16 =	rddreg [dreg:$0x10];
	s17 =	simm.s32 $0x12300;
	[tilespmem:s15+$0x12300] =	vst v0;
	s15 =	simm.s32 $0x0  }
0xd0: {  	[hbm4b:s16+s15] =	stream.linear.scatter [tilespmem:s17], [sflag:$0x5], $0x2000, $0x38;
	[tilespmem:$0x1E300] =	vst v63  }
0xd1: {  	_ =	swait.ge [sflag:s10], $0x2000  }
0xd2: {  	[sflag:s10] =	ssyncset.done $0x0  }
0xd3: {  	[sflag:s10] =	ssyncadd.s32 $0xFFFFE000  }
0xd4: {  	_ =	swait.ge [sflag:s10], $0x2000  }
0xd5: {  	[sflag:s10] =	ssyncset.done $0x0  }
0xd6: {  	[sflag:s10] =	ssyncadd.s32 $0xFFFFE000  }
0xd7: {  	_ =	swait.ge [sflag:s10], $0x2000  }
0xd8: {  	[sflag:s10] =	ssyncset.done $0x0  }
0xd9: {  	[sflag:s10] =	ssyncadd.s32 $0xFFFFE000  }
0xda: {  	_ =	swait.ge [sflag:s10], $0x2000  }
0xdb: {  	[sflag:s10] =	ssyncset.done $0x0  }
0xdc: {  	s17 =	rddreg [dreg:$0x11];
	[sflag:s10] =	ssyncadd.s32 $0xFFFFE000  }
0xdd: {  	[hbm4b:s17+s15] =	stream.linear.scatter [tilespmem:s25], [sflag:$0x7], $0x2000, $0x38;
	[tilespmem:$0x1E300] =	vst v63  }
0xde: {  	s17 =	rddreg [dreg:$0x12]  }
0xdf: {  	[hbm4b:s17+s15] =	stream.linear.scatter [tilespmem:s0], [sflag:$0x7], $0x2000, $0x38;
	[tilespmem:$0x1E300] =	vst v63  }
0xe0: {  	s15 =	simm.s32 $0x0  }
0xe1: {  	v0 =	vld [tilespmem:s15+$0x14370]  }
0xe2: {  	v1 =	vld [tilespmem:s15+$0x14360]  }
0xe3: {  	v2 =	vld [tilespmem:s15+$0x14350]  }
0xe4: {  	v3 =	vld [tilespmem:s15+$0x14340]  }
0xe5: {  	v4 =	vld [tilespmem:s15+$0x14330]  }
0xe6: {  	v5 =	vld [tilespmem:s15+$0x14320]  }
0xe7: {  	v6 =	vld [tilespmem:s15+$0x16320]  }
0xe8: {  	v7 =	vld [tilespmem:s15+$0x14300]  }
0xe9: {  	v8 =	vld [tilespmem:s15+$0x16300]  }
0xea: {  	s16 =	simm.s32 $0x200;
	v9 =	vld [tilespmem:s15+$0x14310]  }
.LBB2_6:
0xeb: {  	p0 =	sne.s32 s16, $0x7E00;
	v10 =	vld [tilespmem:s15+$0x16310]  }
0xec: {  	v11 =	vld [tilespmem:$0x0]  }
0xed: {  	v12 =	vld [tilespmem:$0x10]  }
0xee: {  	v13 =	vld [tilespmem:s15+$0x16330]  }
0xef: {  	v14 =	vld [tilespmem:$0x20]  }
0xf0: {  	v7 =	vmul.f32 v8, v7;
	v8 =	vmul.f32 v10, v9;
	v9 =	vld [tilespmem:s15+$0x16340]  }
0xf1: {  	v5 =	vmul.f32 v6, v5;
	v6 =	vld [tilespmem:$0x30]  }
0xf2: {  	v7 =	vmul.f32 v11, v7;
	v8 =	vmul.f32 v12, v8;
	v10 =	vld [tilespmem:s15+$0x16350]  }
0xf3: {  	v11 =	vld [tilespmem:$0x40]  }
0xf4: {  	v4 =	vmul.f32 v13, v4;
	v7 =	vadd.f32 v8, v7;
	v5 =	vmul.f32 v14, v5;
	v8 =	vld [tilespmem:s15+$0x16360]  }
0xf5: {  	v12 =	vld [tilespmem:$0x50]  }
0xf6: {  	v3 =	vmul.f32 v9, v3;
	v5 =	vadd.f32 v5, v7;
	v4 =	vmul.f32 v6, v4;
	v6 =	vld [tilespmem:s15+$0x16370]  }
0xf7: {  	s17 =	sshra.s32 s16, $0x2;
	v7 =	vld [tilespmem:$0x60]  }
0xf8: {  	v2 =	vmul.f32 v10, v2;
	v9 =	vld [tilespmem:s17+$0x14370];
	v4 =	vadd.f32 v4, v5;
	v3 =	vmul.f32 v11, v3  }
0xf9: {  	v10 =	vld [tilespmem:$0x70]  }
0xfa: {  	v8 =	vmul.f32 v8, v1;
	v4 =	vadd.f32 v3, v4;
	v5 =	vmul.f32 v12, v2;
	v1 =	vld [tilespmem:s17+$0x14360]  }
0xfb: {  	v2 =	vld [tilespmem:s17+$0x14350]  }
0xfc: {  	v6 =	vmul.f32 v6, v0;
	v3 =	vld [tilespmem:s17+$0x14340];
	v11 =	vadd.f32 v5, v4;
	v7 =	vmul.f32 v7, v8  }
0xfd: {  	v4 =	vld [tilespmem:s17+$0x14330];
	v0 =	vmov v9  }
.Ltmp2:
0xfe: {  	v5 =	vld [tilespmem:s17+$0x14320];
	v8 =	vadd.f32 v7, v11;
	v9 =	vmul.f32 v10, v6;
	(pc) =	sbr.rel @p0 .LBB2_6-.Ltmp2, $4  }
0xff: {  	v6 =	vld [tilespmem:s17+$0x16320]  }
0x100: {  	v7 =	vld [tilespmem:s17+$0x14300];
	v10 =	vadd.f32 v9, v8  }
0x101: {  	v8 =	vld [tilespmem:s17+$0x16300]  }
0x102: {  	s16 =	sadd.s32 $0x200, s16;
	v9 =	vld [tilespmem:s17+$0x14310];
	[tilespmem:s15+$0x1C300] =	vst v10;
	s15 =	smov.u32 s17  }
0x103: {  	v10 =	vld [tilespmem:s15+$0x16310]  }
0x104: {  	v11 =	vld [tilespmem:$0x0]  }
0x105: {  	v12 =	vld [tilespmem:$0x10]  }
0x106: {  	v13 =	vld [tilespmem:s15+$0x16330]  }
0x107: {  	v14 =	vld [tilespmem:$0x20]  }
0x108: {  	v55 =	vld [tilespmem:s15+$0x16340];
	v7 =	vmul.f32 v8, v7;
	v54 =	vmul.f32 v10, v9  }
0x109: {  	v56 =	vld [tilespmem:$0x30];
	v5 =	vmul.f32 v6, v5  }
0x10a: {  	v57 =	vld [tilespmem:s15+$0x16350];
	v7 =	vmul.f32 v11, v7;
	v8 =	vmul.f32 v12, v54  }
0x10b: {  	v58 =	vld [tilespmem:$0x40]  }
0x10c: {  	v59 =	vld [tilespmem:s15+$0x16360];
	v5 =	vmul.f32 v14, v5;
	v4 =	vmul.f32 v13, v4;
	v7 =	vadd.f32 v8, v7  }
0x10d: {  	v60 =	vld [tilespmem:$0x50]  }
0x10e: {  	v61 =	vld [tilespmem:s15+$0x16370];
	v3 =	vmul.f32 v55, v3;
	v4 =	vmul.f32 v56, v4;
	v5 =	vadd.f32 v5, v7  }
0x10f: {  	v62 =	vld [tilespmem:$0x60]  }
0x110: {  	v2 =	vmul.f32 v57, v2;
	v3 =	vmul.f32 v58, v3;
	v4 =	vadd.f32 v4, v5  }
0x111: {  	v63 =	vld [tilespmem:$0x70]  }
0x112: {  	v1 =	vmul.f32 v59, v1;
	v2 =	vmul.f32 v60, v2;
	v3 =	vadd.f32 v3, v4;
	_ =	sdelay $0x1  }
0x113: {  	v0 =	vmul.f32 v61, v0;
	v1 =	vmul.f32 v62, v1;
	v2 =	vadd.f32 v2, v3;
	_ =	sdelay $0x1  }
0x114: {  	v0 =	vmul.f32 v63, v0;
	v1 =	vadd.f32 v1, v2;
	_ =	sdelay $0x1  }
0x115: {  	v0 =	vadd.f32 v0, v1;
	_ =	sdelay $0x1  }
0x116: {  	s17 =	simm.s32 $0x1C300;
	[tilespmem:s15+$0x1C300] =	vst v0  }
0x117: {  	[hbm4b:s18+s7] =	stream.linear.scatter [tilespmem:s17], [sflag:$0x7], $0x2000, $0x38;
	[tilespmem:$0x1E300] =	vst v63  }
0x118: {  	_ =	swait.ge [sflag:s11], $0x2000  }
0x119: {  	[sflag:s11] =	ssyncset.done $0x0  }
0x11a: {  	[sflag:s11] =	ssyncadd.s32 $0xFFFFE000  }
0x11b: {  	_ =	swait.ge [sflag:s11], $0x2000  }
0x11c: {  	[sflag:s11] =	ssyncset.done $0x0  }
0x11d: {  	[sflag:s11] =	ssyncadd.s32 $0xFFFFE000  }
0x11e: {  	_ =	swait.ge [sflag:s11], $0x2000  }
0x11f: {  	[sflag:s11] =	ssyncset.done $0x0  }
0x120: {  	[sflag:s11] =	ssyncadd.s32 $0xFFFFE000  }
0x121: {  	_ =	swait.ge [sflag:s12], $0x2000  }
0x122: {  	[sflag:s12] =	ssyncset.done $0x0  }
0x123: {  	[sflag:s12] =	ssyncadd.s32 $0xFFFFE000  }
0x124: {  	_ =	swait.ge [sflag:s12], $0x2000  }
0x125: {  	[sflag:s12] =	ssyncset.done $0x0  }
0x126: {  	[sflag:s12] =	ssyncadd.s32 $0xFFFFE000  }
0x127: {  	_ =	swait.ge [sflag:s12], $0x2000  }
0x128: {  	[sflag:s12] =	ssyncset.done $0x0  }
0x129: {  	[sflag:s12] =	ssyncadd.s32 $0xFFFFE000  }
0x12a: {  	_ =	swait.ge [sflag:s13], $0x2000  }
0x12b: {  	[sflag:s13] =	ssyncset.done $0x0  }
0x12c: {  	s14 =	sadd.s32 $0x1, s14;
	[sflag:s13] =	ssyncadd.s32 $0xFFFFE000  }
0x12d: {  	p0 =	sne.s32 s14, s19;
	_ =	swait.ge [sflag:s13], $0x2000  }
.Ltmp3:
0x12e: {  	[sflag:s13] =	ssyncset.done $0x0;
	(pc) =	sbr.rel @p0 .LBB2_1-.Ltmp3, $4  }
0x12f: {  	[sflag:s13] =	ssyncadd.s32 $0xFFFFE000  }
0x130: {  	_ =	swait.ge [sflag:s13], $0x2000  }
0x131: {  	[sflag:s13] =	ssyncset.done $0x0  }
0x132: {  	[sflag:s13] =	ssyncadd.s32 $0xFFFFE000  }
0x133: {  	_ =	sfence.sel $0x180000  }
0x134: {  	[bflag:$0x0] =	sbarrier.arrive $0xFFFF  }
0x135: {  	_ =	strace $0x9000004A  }
0x136: {  	s0 =	stileid.u32;
	[bflag:$0x2] =	sbarrier.arrive $0xFFFF  }
0x137: {  	p0 =	sne.s32 s0, $0x0;
	s0 =	rddreg [dreg:$0x8]  }
0x138: {  	s0 =	sadd.s32 @!p0 $0x100000, s0  }
0x139: {  	[sflag:s0] =	ssyncadd.tile.s32 @!p0 $0x1;
	_ =	shalt  }
.Lfunc_end2:
_tile_overlayer_lowered:
.L_overlay_start_2:
0x13a: {  	(tag) =	ssettag $0x2  }
0x13b: {  	s0 =	rddreg [dreg:$0x0];
	s2 =	stileid.u32  }
0x13c: {  	s1 =	rddreg [dreg:$0x1];
	p0 =	sne.s32 s2, $0x0  }
0x13d: {  	s3 =	rddreg [dreg:$0x2];
	[bflag:$0x3] =	sbarrier.arrive $0xFFFF;
	s2 =	simm.s32 @!p0 $0x1C08  }
0x13e: {  	[timem:s3], [sflag:s2] =	dma.local @!p0 [hbm:s0], s1  }
0x13f: {  	s0 =	simm.s32 @!p0 $0x8  }
0x140: {  	_ =	swait.ge @!p0 [sflag:s0], s1  }
0x141: {  	s1 =	ssub.s32 @!p0 $0x0, s1;
	[sflag:s0] =	ssyncset.done @!p0 $0x0  }
0x142: {  	[sflag:s0] =	ssyncadd.s32 @!p0 s1  }
0x143: {  	[bflag:$0x3] =	sbarrier.arrive $0xFFFF  }
0x144: {  	_ =	shalt  }

</sc_bundles>
